<compile_context>
chip_gen: v7x
topology: tpu7x:2x2x1
jax: 0.10.2.dev20260603
libtpu: 0.0.44.dev20260713+nightly
codegen_flags: <defaults>
</compile_context>

<pallas_src>
import functools

import jax
import jax.numpy as jnp
from jax import lax
from jax.experimental import pallas as pl
from jax.experimental.pallas import tpu as pltpu
from jax.experimental.pallas import tpu_sc as plsc

N = 10000
E = 320000
D = 128

NC = 2
NS = 16
NW = NC * NS

N_PAD = 10240
PAD_ROWS = N_PAD - N
CH = 128
EPW = 10240
NCH = EPW // CH
E_PAD = EPW * NW
ROWS_PT = N_PAD // NS

BLK = 512
NBLK = N_PAD // BLK

_mesh = plsc.VectorSubcoreMesh(core_axis_name="c", subcore_axis_name="s")


@functools.partial(
    pl.kernel,
    out_type=jax.ShapeDtypeStruct((NC, N_PAD, D), jnp.float32),
    mesh=_mesh,
    scratch_types=[
        pltpu.VMEM((NCH // 2, CH), jnp.int32),
        pltpu.VMEM((CH, D), jnp.float32),
        pltpu.VMEM_SHARED((N_PAD, D), jnp.float32),
        pltpu.SemaphoreType.DMA,
    ],
)
def _deg_kernel(dst_hbm, out_hbm, dstv, ones_v, acc, sem):
    c = lax.axis_index("c")
    s = lax.axis_index("s")
    wid = c * NS + s
    hch = NCH // 2

    def fill(val):
        def row(r, _):
            for k in range(D // 16):
                ones_v[r, pl.ds(k * 16, 16)] = jnp.full((16,), val,
                                                        jnp.float32)
            return 0
        lax.fori_loop(0, CH, row, 0)

    fill(0.0)
    for k in range(ROWS_PT // CH):
        pltpu.sync_copy(ones_v, acc.at[pl.ds(s * ROWS_PT + k * CH, CH)])
    fill(1.0)
    plsc.subcore_barrier()

    for h in range(2):
        pltpu.sync_copy(dst_hbm.at[wid, h], dstv)
        pltpu.async_copy(ones_v, acc.at[dstv.at[0]], sem, add=True)
        pltpu.async_copy(ones_v, acc.at[dstv.at[1]], sem, add=True)

        def body(j, _):
            pltpu.async_copy(ones_v, acc.at[dstv.at[j + 2]], sem, add=True)
            pltpu.make_async_copy(ones_v, acc.at[dstv.at[j]], sem).wait()
            return 0
        lax.fori_loop(0, hch - 2, body, 0)
        pltpu.make_async_copy(ones_v, acc.at[dstv.at[hch - 2]], sem).wait()
        pltpu.make_async_copy(ones_v, acc.at[dstv.at[hch - 1]], sem).wait()

    plsc.subcore_barrier()
    pltpu.sync_copy(acc.at[pl.ds(s * ROWS_PT, ROWS_PT)],
                    out_hbm.at[c, pl.ds(s * ROWS_PT, ROWS_PT)])


@functools.partial(
    pl.kernel,
    out_type=jax.ShapeDtypeStruct((NC, N_PAD, D), jnp.float32),
    mesh=_mesh,
    scratch_types=[
        pltpu.VMEM((NCH // 2, CH), jnp.int32),
        pltpu.VMEM((NCH // 2, CH), jnp.int32),
        pltpu.VMEM((CH, D), jnp.float32),
        pltpu.VMEM((CH, D), jnp.float32),
        pltpu.VMEM_SHARED((N_PAD, D), jnp.float32),
        pltpu.SemaphoreType.DMA,
        pltpu.SemaphoreType.DMA,
    ],
)
def _scat_kernel(hp_hbm, src_hbm, dst_hbm, zeros_hbm, out_hbm, srcv, dstv,
                 rows_a, rows_b, acc, ga, gb):
    c = lax.axis_index("c")
    s = lax.axis_index("s")
    wid = c * NS + s
    hch = NCH // 2

    pltpu.sync_copy(zeros_hbm, rows_a)
    for k in range(ROWS_PT // CH):
        pltpu.sync_copy(rows_a, acc.at[pl.ds(s * ROWS_PT + k * CH, CH)])
    plsc.subcore_barrier()

    for h in range(2):
        pltpu.sync_copy(src_hbm.at[wid, h], srcv)
        pltpu.sync_copy(dst_hbm.at[wid, h], dstv)
        pltpu.async_copy(hp_hbm.at[srcv.at[0]], rows_a, ga)

        def body(i, _):
            j = 2 * i
            pltpu.async_copy(hp_hbm.at[srcv.at[j + 1]], rows_b, gb)
            pltpu.make_async_copy(hp_hbm.at[srcv.at[j]], rows_a, ga).wait()
            pltpu.sync_copy(rows_a, acc.at[dstv.at[j]], add=True)
            pltpu.async_copy(hp_hbm.at[srcv.at[jnp.minimum(j + 2, hch - 1)]],
                             rows_a, ga)
            pltpu.make_async_copy(hp_hbm.at[srcv.at[j + 1]], rows_b,
                                  gb).wait()
            pltpu.sync_copy(rows_b, acc.at[dstv.at[j + 1]], add=True)
            return 0
        lax.fori_loop(0, hch // 2, body, 0)
        pltpu.make_async_copy(hp_hbm.at[srcv.at[hch - 1]], rows_a, ga).wait()

    plsc.subcore_barrier()
    pltpu.sync_copy(acc.at[pl.ds(s * ROWS_PT, ROWS_PT)],
                    out_hbm.at[c, pl.ds(s * ROWS_PT, ROWS_PT)])


def _mm1_body(c0_ref, c1_ref, x_ref, w_ref, out_ref, dv_ref):
    rows = (lax.broadcasted_iota(jnp.int32, (BLK, 1), 0)
            + pl.program_id(0) * BLK)
    deg = 1.0 + c0_ref[:, 0:1] + c1_ref[:, 0:1]
    dinv = jnp.where(rows < N, lax.rsqrt(deg), 0.0)
    dv_ref[...] = dinv
    out_ref[...] = dinv * jnp.dot(x_ref[...], w_ref[...],
                                  preferred_element_type=jnp.float32)


def _mm2_body(dv_ref, s0_ref, s1_ref, hp_ref, b_ref, w_ref, out_ref):
    dinv = dv_ref[...]
    g = dinv * (s0_ref[...] + s1_ref[...] + hp_ref[...]) + b_ref[...]
    g = jnp.maximum(g, 0.0)
    out_ref[...] = dinv * jnp.dot(g, w_ref[...],
                                  preferred_element_type=jnp.float32)


def _fin_body(dv_ref, s0_ref, s1_ref, hp_ref, b_ref, out_ref):
    out_ref[...] = (dv_ref[...] * (s0_ref[...] + s1_ref[...] + hp_ref[...])
                    + b_ref[...])


_row_spec = pl.BlockSpec((BLK, D), lambda i: (i, 0))
_deg_spec = pl.BlockSpec((BLK, 1), lambda i: (i, 0))
_w_spec = pl.BlockSpec((D, D), lambda i: (0, 0))
_b_spec = pl.BlockSpec((1, D), lambda i: (0, 0))
_out_struct = jax.ShapeDtypeStruct((N_PAD, D), jnp.float32)


def _mm1(c0, c1, xp, w1):
    return pl.pallas_call(
        _mm1_body, grid=(NBLK,),
        in_specs=[_row_spec, _row_spec, _row_spec, _w_spec],
        out_specs=[_row_spec, _deg_spec],
        out_shape=[_out_struct, jax.ShapeDtypeStruct((N_PAD, 1), jnp.float32)],
    )(c0, c1, xp, w1)


def _mm2(dinv, s0, s1, hp, b1, w2):
    return pl.pallas_call(
        _mm2_body, grid=(NBLK,),
        in_specs=[_deg_spec, _row_spec, _row_spec, _row_spec, _b_spec, _w_spec],
        out_specs=_row_spec, out_shape=_out_struct,
    )(dinv, s0, s1, hp, b1, w2)


def _fin(dinv, s0, s1, hp, b2):
    return pl.pallas_call(
        _fin_body, grid=(NBLK,),
        in_specs=[_deg_spec, _row_spec, _row_spec, _row_spec, _b_spec],
        out_specs=_row_spec, out_shape=_out_struct,
    )(dinv, s0, s1, hp, b2)


def kernel(x, edge_index, W1, b1, W2, b2):
    src = edge_index[0].astype(jnp.int32)
    dst = edge_index[1].astype(jnp.int32)
    pad = N + (jnp.arange(E_PAD - E, dtype=jnp.int32) % PAD_ROWS)
    src3 = jnp.concatenate([src, pad]).reshape(NW, 2, NCH // 2, CH)
    dst3 = jnp.concatenate([dst, pad]).reshape(NW, 2, NCH // 2, CH)

    zerosd = jnp.zeros((CH, D), jnp.float32)

    cnt = _deg_kernel(dst3)

    xp = jnp.pad(x, ((0, N_PAD - N), (0, 0)))
    b1r = b1.reshape(1, D)
    b2r = b2.reshape(1, D)

    hp1, dinv = _mm1(cnt[0], cnt[1], xp, W1)
    s1 = _scat_kernel(hp1, src3, dst3, zerosd)
    hp2 = _mm2(dinv, s1[0], s1[1], hp1, b1r, W2)
    s2 = _scat_kernel(hp2, src3, dst3, zerosd)
    out = _fin(dinv, s2[0], s2[1], hp2, b2r)
    return out[:N]

# --- scband reference (transcript-rebuilt; emitter-appended) ---
"""Pipeline reference for scband-gcn-75033078661563 (READ-ONLY COPY).

The authoritative reference and input builder live on the scoring server;
editing this copy changes nothing except your own understanding.
"""

import jax, jax.numpy as jnp
import numpy as np

N = 10000
E = 320000
D_IN = 128
D_H = 128


def setup_inputs(seed: int = 0) -> dict:
    key = jax.random.key(seed)
    ks = jax.random.split(key, 6)
    x = jax.random.normal(ks[0], (N, D_IN), dtype=jnp.float32)
    edge_index = jax.random.randint(ks[1], (2, E), 0, N)
    W1 = jax.random.normal(ks[2], (D_IN, D_H), dtype=jnp.float32) / np.sqrt(D_IN)
    b1 = jnp.zeros((D_H,), dtype=jnp.float32)
    W2 = jax.random.normal(ks[3], (D_H, D_H), dtype=jnp.float32) / np.sqrt(D_H)
    b2 = jnp.zeros((D_H,), dtype=jnp.float32)
    return {"x": x, "edge_index": edge_index, "W1": W1, "b1": b1, "W2": W2, "b2": b2}


def _gcn_norm(edge_index, num_nodes):
    # add self-loops and compute symmetric normalization D^-1/2 (A+I) D^-1/2
    loop = jnp.arange(num_nodes)
    src = jnp.concatenate([edge_index[0], loop])
    dst = jnp.concatenate([edge_index[1], loop])
    deg = jnp.zeros((num_nodes,), dtype=jnp.float32).at[dst].add(1.0)
    deg_inv_sqrt = jnp.where(deg > 0, 1.0 / jnp.sqrt(deg), 0.0)
    norm = deg_inv_sqrt[src] * deg_inv_sqrt[dst]
    return src, dst, norm


def _gcn_conv(x, src, dst, norm, W, b, num_nodes):
    h = x @ W
    msg = h[src] * norm[:, None]
    agg = jax.ops.segment_sum(msg, dst, num_segments=num_nodes)
    return agg + b


def reference(x, edge_index, W1, b1, W2, b2):
    src, dst, norm = _gcn_norm(edge_index, N)
    h = jax.nn.relu(_gcn_conv(x, src, dst, norm, W1, b1, N))
    out = _gcn_conv(h, src, dst, norm, W2, b2, N)
    return out

if __name__ == "__main__":
    import jax
    _d = setup_inputs()
    print(jax.jit(kernel)(*tuple(_d.values())))

</pallas_src>

<mosaic_0001>
#map = affine_map<(d0, d1) -> (0, 0)>
#map1 = affine_map<(d0, d1) -> (0, 0, 0, 0)>
#map2 = affine_map<(d0, d1) -> (0, 0, 0)>
module attributes {stable_mosaic.version = 14 : i64} {
  func.func @_scat_kernel(%arg0: i32, %arg1: i32, %arg2: memref<10240x128xf32, #tpu.memory_space<hbm>>, %arg3: memref<32x2x40x128xi32, #tpu.memory_space<hbm>>, %arg4: memref<32x2x40x128xi32, #tpu.memory_space<hbm>>, %arg5: memref<128x128xf32, #tpu.memory_space<hbm>>, %arg6: memref<2x10240x128xf32, #tpu.memory_space<hbm>>, %arg7: memref<40x128xi32, #tpu.memory_space<vmem>>, %arg8: memref<40x128xi32, #tpu.memory_space<vmem>>, %arg9: memref<128x128xf32, #tpu.memory_space<vmem>>, %arg10: memref<128x128xf32, #tpu.memory_space<vmem>>, %arg11: memref<10240x128xf32, #tpu.memory_space<vmem_shared>>, %arg12: memref<!tpu.dma_semaphore, #tpu.memory_space<semaphore_mem>>, %arg13: memref<!tpu.dma_semaphore, #tpu.memory_space<semaphore_mem>>) attributes {dimension_semantics = [#tpu.dimension_semantics<core_parallel>, #tpu.dimension_semantics<subcore_parallel>], iteration_bounds = array<i64: 2, 16>, scalar_prefetch = 0 : i64, scratch_operands = 7 : i64, tpu.core_type = #tpu.core_type<sc_vector_subcore>, window_params = [{transform_indices = #map}, {transform_indices = #map1}, {transform_indices = #map1}, {transform_indices = #map}, {transform_indices = #map2}]} {
    %mul3A = arith.constant 16 : i32
    %mul3A_0 = arith.muli %arg0, %mul3A : i32
    %add3A = arith.addi %mul3A_0, %arg1 : i32
    "tpu.region"() ({
      %run_scoped3A_68 = tpu.sem_alloc : memref<!tpu.dma_semaphore, #tpu.memory_space<semaphore_mem>>
      tpu.enqueue_dma source(%arg5 : memref<128x128xf32, #tpu.memory_space<hbm>>) target(%arg9 : memref<128x128xf32, #tpu.memory_space<vmem>>) target_semaphore(%run_scoped3A_68 : memref<!tpu.dma_semaphore, #tpu.memory_space<semaphore_mem>>)
      tpu.wait_dma2 semaphore(%run_scoped3A_68 : memref<!tpu.dma_semaphore, #tpu.memory_space<semaphore_mem>>) src(%arg5 : memref<128x128xf32, #tpu.memory_space<hbm>>) dst(%arg9 : memref<128x128xf32, #tpu.memory_space<vmem>>)
      tpu.yield
    }) : () -> ()
    %mul3A_1 = arith.constant 640 : i32
    %mul3A_2 = arith.muli %arg1, %mul3A_1 : i32
    %add3A_3 = arith.constant 0 : i32
    %add3A_4 = arith.addi %mul3A_2, %add3A_3 : i32
    "tpu.region"() ({
      %run_scoped3A_68 = tpu.sem_alloc : memref<!tpu.dma_semaphore, #tpu.memory_space<semaphore_mem>>
      %dma_start3A_69 = arith.constant 0 : i32
      %dma_start3A_70 = tpu.memref_slice %arg11[%add3A_4, %dma_start3A_69] : memref<10240x128xf32, #tpu.memory_space<vmem_shared>> -> memref<128x128xf32, #tpu.memory_space<vmem_shared>>
      %dma_start3A_71 = arith.constant 0 : i32
      %dma_start3A_72 = tpu.memref_slice %arg11[%add3A_4, %dma_start3A_71] : memref<10240x128xf32, #tpu.memory_space<vmem_shared>> -> memref<128x128xf32, #tpu.memory_space<vmem_shared>>
      tpu.enqueue_dma source(%arg9 : memref<128x128xf32, #tpu.memory_space<vmem>>) target(%dma_start3A_72 : memref<128x128xf32, #tpu.memory_space<vmem_shared>>) target_semaphore(%run_scoped3A_68 : memref<!tpu.dma_semaphore, #tpu.memory_space<semaphore_mem>>)
      %dma_wait3A_73 = arith.constant 0 : i32
      %dma_wait3A_74 = tpu.memref_slice %arg11[%add3A_4, %dma_wait3A_73] : memref<10240x128xf32, #tpu.memory_space<vmem_shared>> -> memref<128x128xf32, #tpu.memory_space<vmem_shared>>
      %dma_wait3A_75 = arith.constant 0 : i32
      %dma_wait3A_76 = tpu.memref_slice %arg11[%add3A_4, %dma_wait3A_75] : memref<10240x128xf32, #tpu.memory_space<vmem_shared>> -> memref<128x128xf32, #tpu.memory_space<vmem_shared>>
      tpu.wait_dma2 semaphore(%run_scoped3A_68 : memref<!tpu.dma_semaphore, #tpu.memory_space<semaphore_mem>>) src(%arg9 : memref<128x128xf32, #tpu.memory_space<vmem>>) dst(%dma_wait3A_76 : memref<128x128xf32, #tpu.memory_space<vmem_shared>>)
      tpu.yield
    }) : () -> ()
    %mul3A_5 = arith.constant 640 : i32
    %mul3A_6 = arith.muli %arg1, %mul3A_5 : i32
    %add3A_7 = arith.constant 128 : i32
    %add3A_8 = arith.addi %mul3A_6, %add3A_7 : i32
    "tpu.region"() ({
      %run_scoped3A_68 = tpu.sem_alloc : memref<!tpu.dma_semaphore, #tpu.memory_space<semaphore_mem>>
      %dma_start3A_69 = arith.constant 0 : i32
      %dma_start3A_70 = tpu.memref_slice %arg11[%add3A_8, %dma_start3A_69] : memref<10240x128xf32, #tpu.memory_space<vmem_shared>> -> memref<128x128xf32, #tpu.memory_space<vmem_shared>>
      %dma_start3A_71 = arith.constant 0 : i32
      %dma_start3A_72 = tpu.memref_slice %arg11[%add3A_8, %dma_start3A_71] : memref<10240x128xf32, #tpu.memory_space<vmem_shared>> -> memref<128x128xf32, #tpu.memory_space<vmem_shared>>
      tpu.enqueue_dma source(%arg9 : memref<128x128xf32, #tpu.memory_space<vmem>>) target(%dma_start3A_72 : memref<128x128xf32, #tpu.memory_space<vmem_shared>>) target_semaphore(%run_scoped3A_68 : memref<!tpu.dma_semaphore, #tpu.memory_space<semaphore_mem>>)
      %dma_wait3A_73 = arith.constant 0 : i32
      %dma_wait3A_74 = tpu.memref_slice %arg11[%add3A_8, %dma_wait3A_73] : memref<10240x128xf32, #tpu.memory_space<vmem_shared>> -> memref<128x128xf32, #tpu.memory_space<vmem_shared>>
      %dma_wait3A_75 = arith.constant 0 : i32
      %dma_wait3A_76 = tpu.memref_slice %arg11[%add3A_8, %dma_wait3A_75] : memref<10240x128xf32, #tpu.memory_space<vmem_shared>> -> memref<128x128xf32, #tpu.memory_space<vmem_shared>>
      tpu.wait_dma2 semaphore(%run_scoped3A_68 : memref<!tpu.dma_semaphore, #tpu.memory_space<semaphore_mem>>) src(%arg9 : memref<128x128xf32, #tpu.memory_space<vmem>>) dst(%dma_wait3A_76 : memref<128x128xf32, #tpu.memory_space<vmem_shared>>)
      tpu.yield
    }) : () -> ()
    %mul3A_9 = arith.constant 640 : i32
    %mul3A_10 = arith.muli %arg1, %mul3A_9 : i32
    %add3A_11 = arith.constant 256 : i32
    %add3A_12 = arith.addi %mul3A_10, %add3A_11 : i32
    "tpu.region"() ({
      %run_scoped3A_68 = tpu.sem_alloc : memref<!tpu.dma_semaphore, #tpu.memory_space<semaphore_mem>>
      %dma_start3A_69 = arith.constant 0 : i32
      %dma_start3A_70 = tpu.memref_slice %arg11[%add3A_12, %dma_start3A_69] : memref<10240x128xf32, #tpu.memory_space<vmem_shared>> -> memref<128x128xf32, #tpu.memory_space<vmem_shared>>
      %dma_start3A_71 = arith.constant 0 : i32
      %dma_start3A_72 = tpu.memref_slice %arg11[%add3A_12, %dma_start3A_71] : memref<10240x128xf32, #tpu.memory_space<vmem_shared>> -> memref<128x128xf32, #tpu.memory_space<vmem_shared>>
      tpu.enqueue_dma source(%arg9 : memref<128x128xf32, #tpu.memory_space<vmem>>) target(%dma_start3A_72 : memref<128x128xf32, #tpu.memory_space<vmem_shared>>) target_semaphore(%run_scoped3A_68 : memref<!tpu.dma_semaphore, #tpu.memory_space<semaphore_mem>>)
      %dma_wait3A_73 = arith.constant 0 : i32
      %dma_wait3A_74 = tpu.memref_slice %arg11[%add3A_12, %dma_wait3A_73] : memref<10240x128xf32, #tpu.memory_space<vmem_shared>> -> memref<128x128xf32, #tpu.memory_space<vmem_shared>>
      %dma_wait3A_75 = arith.constant 0 : i32
      %dma_wait3A_76 = tpu.memref_slice %arg11[%add3A_12, %dma_wait3A_75] : memref<10240x128xf32, #tpu.memory_space<vmem_shared>> -> memref<128x128xf32, #tpu.memory_space<vmem_shared>>
      tpu.wait_dma2 semaphore(%run_scoped3A_68 : memref<!tpu.dma_semaphore, #tpu.memory_space<semaphore_mem>>) src(%arg9 : memref<128x128xf32, #tpu.memory_space<vmem>>) dst(%dma_wait3A_76 : memref<128x128xf32, #tpu.memory_space<vmem_shared>>)
      tpu.yield
    }) : () -> ()
    %mul3A_13 = arith.constant 640 : i32
    %mul3A_14 = arith.muli %arg1, %mul3A_13 : i32
    %add3A_15 = arith.constant 384 : i32
    %add3A_16 = arith.addi %mul3A_14, %add3A_15 : i32
    "tpu.region"() ({
      %run_scoped3A_68 = tpu.sem_alloc : memref<!tpu.dma_semaphore, #tpu.memory_space<semaphore_mem>>
      %dma_start3A_69 = arith.constant 0 : i32
      %dma_start3A_70 = tpu.memref_slice %arg11[%add3A_16, %dma_start3A_69] : memref<10240x128xf32, #tpu.memory_space<vmem_shared>> -> memref<128x128xf32, #tpu.memory_space<vmem_shared>>
      %dma_start3A_71 = arith.constant 0 : i32
      %dma_start3A_72 = tpu.memref_slice %arg11[%add3A_16, %dma_start3A_71] : memref<10240x128xf32, #tpu.memory_space<vmem_shared>> -> memref<128x128xf32, #tpu.memory_space<vmem_shared>>
      tpu.enqueue_dma source(%arg9 : memref<128x128xf32, #tpu.memory_space<vmem>>) target(%dma_start3A_72 : memref<128x128xf32, #tpu.memory_space<vmem_shared>>) target_semaphore(%run_scoped3A_68 : memref<!tpu.dma_semaphore, #tpu.memory_space<semaphore_mem>>)
      %dma_wait3A_73 = arith.constant 0 : i32
      %dma_wait3A_74 = tpu.memref_slice %arg11[%add3A_16, %dma_wait3A_73] : memref<10240x128xf32, #tpu.memory_space<vmem_shared>> -> memref<128x128xf32, #tpu.memory_space<vmem_shared>>
      %dma_wait3A_75 = arith.constant 0 : i32
      %dma_wait3A_76 = tpu.memref_slice %arg11[%add3A_16, %dma_wait3A_75] : memref<10240x128xf32, #tpu.memory_space<vmem_shared>> -> memref<128x128xf32, #tpu.memory_space<vmem_shared>>
      tpu.wait_dma2 semaphore(%run_scoped3A_68 : memref<!tpu.dma_semaphore, #tpu.memory_space<semaphore_mem>>) src(%arg9 : memref<128x128xf32, #tpu.memory_space<vmem>>) dst(%dma_wait3A_76 : memref<128x128xf32, #tpu.memory_space<vmem_shared>>)
      tpu.yield
    }) : () -> ()
    %mul3A_17 = arith.constant 640 : i32
    %mul3A_18 = arith.muli %arg1, %mul3A_17 : i32
    %add3A_19 = arith.constant 512 : i32
    %add3A_20 = arith.addi %mul3A_18, %add3A_19 : i32
    "tpu.region"() ({
      %run_scoped3A_68 = tpu.sem_alloc : memref<!tpu.dma_semaphore, #tpu.memory_space<semaphore_mem>>
      %dma_start3A_69 = arith.constant 0 : i32
      %dma_start3A_70 = tpu.memref_slice %arg11[%add3A_20, %dma_start3A_69] : memref<10240x128xf32, #tpu.memory_space<vmem_shared>> -> memref<128x128xf32, #tpu.memory_space<vmem_shared>>
      %dma_start3A_71 = arith.constant 0 : i32
      %dma_start3A_72 = tpu.memref_slice %arg11[%add3A_20, %dma_start3A_71] : memref<10240x128xf32, #tpu.memory_space<vmem_shared>> -> memref<128x128xf32, #tpu.memory_space<vmem_shared>>
      tpu.enqueue_dma source(%arg9 : memref<128x128xf32, #tpu.memory_space<vmem>>) target(%dma_start3A_72 : memref<128x128xf32, #tpu.memory_space<vmem_shared>>) target_semaphore(%run_scoped3A_68 : memref<!tpu.dma_semaphore, #tpu.memory_space<semaphore_mem>>)
      %dma_wait3A_73 = arith.constant 0 : i32
      %dma_wait3A_74 = tpu.memref_slice %arg11[%add3A_20, %dma_wait3A_73] : memref<10240x128xf32, #tpu.memory_space<vmem_shared>> -> memref<128x128xf32, #tpu.memory_space<vmem_shared>>
      %dma_wait3A_75 = arith.constant 0 : i32
      %dma_wait3A_76 = tpu.memref_slice %arg11[%add3A_20, %dma_wait3A_75] : memref<10240x128xf32, #tpu.memory_space<vmem_shared>> -> memref<128x128xf32, #tpu.memory_space<vmem_shared>>
      tpu.wait_dma2 semaphore(%run_scoped3A_68 : memref<!tpu.dma_semaphore, #tpu.memory_space<semaphore_mem>>) src(%arg9 : memref<128x128xf32, #tpu.memory_space<vmem>>) dst(%dma_wait3A_76 : memref<128x128xf32, #tpu.memory_space<vmem_shared>>)
      tpu.yield
    }) : () -> ()
    %barrier3A = arith.constant 0 : index
    tpu.barrier barrier_id(%barrier3A)
    %run_scoped3A = arith.constant 0 : i32
    "tpu.region"() ({
      %run_scoped3A_68 = tpu.sem_alloc : memref<!tpu.dma_semaphore, #tpu.memory_space<semaphore_mem>>
      %dma_start3A_69 = arith.constant 0 : i32
      %dma_start3A_70 = arith.constant 0 : i32
      %dma_start3A_71 = tpu.memref_slice %arg3[%add3A, %run_scoped3A, %dma_start3A_69, %dma_start3A_70] : memref<32x2x40x128xi32, #tpu.memory_space<hbm>> -> memref<1x1x40x128xi32, #tpu.memory_space<hbm>>
      %dma_start3A_72 = tpu.memref_squeeze %dma_start3A_71 : memref<1x1x40x128xi32, #tpu.memory_space<hbm>> -> memref<40x128xi32, #tpu.memory_space<hbm>>
      %dma_start3A_73 = arith.constant 0 : i32
      %dma_start3A_74 = arith.constant 0 : i32
      %dma_start3A_75 = tpu.memref_slice %arg3[%add3A, %run_scoped3A, %dma_start3A_73, %dma_start3A_74] : memref<32x2x40x128xi32, #tpu.memory_space<hbm>> -> memref<1x1x40x128xi32, #tpu.memory_space<hbm>>
      %dma_start3A_76 = tpu.memref_squeeze %dma_start3A_75 : memref<1x1x40x128xi32, #tpu.memory_space<hbm>> -> memref<40x128xi32, #tpu.memory_space<hbm>>
      tpu.enqueue_dma source(%dma_start3A_76 : memref<40x128xi32, #tpu.memory_space<hbm>>) target(%arg7 : memref<40x128xi32, #tpu.memory_space<vmem>>) target_semaphore(%run_scoped3A_68 : memref<!tpu.dma_semaphore, #tpu.memory_space<semaphore_mem>>)
      %dma_wait3A_77 = arith.constant 0 : i32
      %dma_wait3A_78 = arith.constant 0 : i32
      %dma_wait3A_79 = tpu.memref_slice %arg3[%add3A, %run_scoped3A, %dma_wait3A_77, %dma_wait3A_78] : memref<32x2x40x128xi32, #tpu.memory_space<hbm>> -> memref<1x1x40x128xi32, #tpu.memory_space<hbm>>
      %dma_wait3A_80 = tpu.memref_squeeze %dma_wait3A_79 : memref<1x1x40x128xi32, #tpu.memory_space<hbm>> -> memref<40x128xi32, #tpu.memory_space<hbm>>
      %dma_wait3A_81 = arith.constant 0 : i32
      %dma_wait3A_82 = arith.constant 0 : i32
      %dma_wait3A_83 = tpu.memref_slice %arg3[%add3A, %run_scoped3A, %dma_wait3A_81, %dma_wait3A_82] : memref<32x2x40x128xi32, #tpu.memory_space<hbm>> -> memref<1x1x40x128xi32, #tpu.memory_space<hbm>>
      %dma_wait3A_84 = tpu.memref_squeeze %dma_wait3A_83 : memref<1x1x40x128xi32, #tpu.memory_space<hbm>> -> memref<40x128xi32, #tpu.memory_space<hbm>>
      tpu.wait_dma2 semaphore(%run_scoped3A_68 : memref<!tpu.dma_semaphore, #tpu.memory_space<semaphore_mem>>) src(%dma_wait3A_84 : memref<40x128xi32, #tpu.memory_space<hbm>>) dst(%arg7 : memref<40x128xi32, #tpu.memory_space<vmem>>)
      tpu.yield
    }) : () -> ()
    %run_scoped3A_21 = arith.constant 0 : i32
    "tpu.region"() ({
      %run_scoped3A_68 = tpu.sem_alloc : memref<!tpu.dma_semaphore, #tpu.memory_space<semaphore_mem>>
      %dma_start3A_69 = arith.constant 0 : i32
      %dma_start3A_70 = arith.constant 0 : i32
      %dma_start3A_71 = tpu.memref_slice %arg4[%add3A, %run_scoped3A_21, %dma_start3A_69, %dma_start3A_70] : memref<32x2x40x128xi32, #tpu.memory_space<hbm>> -> memref<1x1x40x128xi32, #tpu.memory_space<hbm>>
      %dma_start3A_72 = tpu.memref_squeeze %dma_start3A_71 : memref<1x1x40x128xi32, #tpu.memory_space<hbm>> -> memref<40x128xi32, #tpu.memory_space<hbm>>
      %dma_start3A_73 = arith.constant 0 : i32
      %dma_start3A_74 = arith.constant 0 : i32
      %dma_start3A_75 = tpu.memref_slice %arg4[%add3A, %run_scoped3A_21, %dma_start3A_73, %dma_start3A_74] : memref<32x2x40x128xi32, #tpu.memory_space<hbm>> -> memref<1x1x40x128xi32, #tpu.memory_space<hbm>>
      %dma_start3A_76 = tpu.memref_squeeze %dma_start3A_75 : memref<1x1x40x128xi32, #tpu.memory_space<hbm>> -> memref<40x128xi32, #tpu.memory_space<hbm>>
      tpu.enqueue_dma source(%dma_start3A_76 : memref<40x128xi32, #tpu.memory_space<hbm>>) target(%arg8 : memref<40x128xi32, #tpu.memory_space<vmem>>) target_semaphore(%run_scoped3A_68 : memref<!tpu.dma_semaphore, #tpu.memory_space<semaphore_mem>>)
      %dma_wait3A_77 = arith.constant 0 : i32
      %dma_wait3A_78 = arith.constant 0 : i32
      %dma_wait3A_79 = tpu.memref_slice %arg4[%add3A, %run_scoped3A_21, %dma_wait3A_77, %dma_wait3A_78] : memref<32x2x40x128xi32, #tpu.memory_space<hbm>> -> memref<1x1x40x128xi32, #tpu.memory_space<hbm>>
      %dma_wait3A_80 = tpu.memref_squeeze %dma_wait3A_79 : memref<1x1x40x128xi32, #tpu.memory_space<hbm>> -> memref<40x128xi32, #tpu.memory_space<hbm>>
      %dma_wait3A_81 = arith.constant 0 : i32
      %dma_wait3A_82 = arith.constant 0 : i32
      %dma_wait3A_83 = tpu.memref_slice %arg4[%add3A, %run_scoped3A_21, %dma_wait3A_81, %dma_wait3A_82] : memref<32x2x40x128xi32, #tpu.memory_space<hbm>> -> memref<1x1x40x128xi32, #tpu.memory_space<hbm>>
      %dma_wait3A_84 = tpu.memref_squeeze %dma_wait3A_83 : memref<1x1x40x128xi32, #tpu.memory_space<hbm>> -> memref<40x128xi32, #tpu.memory_space<hbm>>
      tpu.wait_dma2 semaphore(%run_scoped3A_68 : memref<!tpu.dma_semaphore, #tpu.memory_space<semaphore_mem>>) src(%dma_wait3A_84 : memref<40x128xi32, #tpu.memory_space<hbm>>) dst(%arg8 : memref<40x128xi32, #tpu.memory_space<vmem>>)
      tpu.yield
    }) : () -> ()
    %dma_start3A = arith.constant 0 : i32
    %dma_start3A_22 = arith.constant 0 : i32
    %dma_start3A_23 = tpu.memref_slice %arg7[%dma_start3A, %dma_start3A_22] : memref<40x128xi32, #tpu.memory_space<vmem>> -> memref<1x128xi32, #tpu.memory_space<vmem>>
    %dma_start3A_24 = tpu.memref_squeeze %dma_start3A_23 : memref<1x128xi32, #tpu.memory_space<vmem>> -> memref<128xi32, #tpu.memory_space<vmem>>
    %dma_start3A_25 = arith.constant 0 : i32
    %dma_start3A_26 = arith.constant 0 : i32
    %dma_start3A_27 = tpu.memref_slice %arg2[%dma_start3A_25, %dma_start3A_26] : memref<10240x128xf32, #tpu.memory_space<hbm>> -> memref<10240x128xf32, #tpu.memory_space<hbm>>
    tpu.enqueue_indirect_dma source(%dma_start3A_27 : memref<10240x128xf32, #tpu.memory_space<hbm>>) target(%arg9 : memref<128x128xf32, #tpu.memory_space<vmem>>) offsets(%dma_start3A_24 : memref<128xi32, #tpu.memory_space<vmem>>) semaphore(%arg12 : memref<!tpu.dma_semaphore, #tpu.memory_space<semaphore_mem>>)
    %scan3A = arith.constant 0 : i32
    %scan3A_28 = arith.constant 0 : i32
    %scan3A_29 = arith.constant 20 : i32
    %scan3A_30 = arith.addi %scan3A_28, %scan3A_29 : i32
    %scan3A_31 = arith.constant 1 : i32
    %scan3A_32 = scf.for %scan3A_68 = %scan3A_28 to %scan3A_30 step %scan3A_31 iter_args(%scan3A_69 = %scan3A) -> (i32)  : i32 {
      %mul3A_70 = arith.constant 2 : i32
      %mul3A_71 = arith.muli %mul3A_70, %scan3A_68 : i32
      %add3A_72 = arith.constant 1 : i32
      %add3A_73 = arith.addi %mul3A_71, %add3A_72 : i32
      %dma_start3A_74 = arith.constant 0 : i32
      %dma_start3A_75 = tpu.memref_slice %arg7[%add3A_73, %dma_start3A_74] : memref<40x128xi32, #tpu.memory_space<vmem>> -> memref<1x128xi32, #tpu.memory_space<vmem>>
      %dma_start3A_76 = tpu.memref_squeeze %dma_start3A_75 : memref<1x128xi32, #tpu.memory_space<vmem>> -> memref<128xi32, #tpu.memory_space<vmem>>
      %dma_start3A_77 = arith.constant 0 : i32
      %dma_start3A_78 = arith.constant 0 : i32
      %dma_start3A_79 = tpu.memref_slice %arg2[%dma_start3A_77, %dma_start3A_78] : memref<10240x128xf32, #tpu.memory_space<hbm>> -> memref<10240x128xf32, #tpu.memory_space<hbm>>
      tpu.enqueue_indirect_dma source(%dma_start3A_79 : memref<10240x128xf32, #tpu.memory_space<hbm>>) target(%arg10 : memref<128x128xf32, #tpu.memory_space<vmem>>) offsets(%dma_start3A_76 : memref<128xi32, #tpu.memory_space<vmem>>) semaphore(%arg13 : memref<!tpu.dma_semaphore, #tpu.memory_space<semaphore_mem>>)
      %dma_wait3A_80 = arith.constant 0 : i32
      %dma_wait3A_81 = tpu.memref_slice %arg7[%mul3A_71, %dma_wait3A_80] : memref<40x128xi32, #tpu.memory_space<vmem>> -> memref<1x128xi32, #tpu.memory_space<vmem>>
      %dma_wait3A_82 = tpu.memref_squeeze %dma_wait3A_81 : memref<1x128xi32, #tpu.memory_space<vmem>> -> memref<128xi32, #tpu.memory_space<vmem>>
      %dma_wait3A_83 = arith.constant 0 : i32
      %dma_wait3A_84 = arith.constant 0 : i32
      %dma_wait3A_85 = tpu.memref_slice %arg2[%dma_wait3A_83, %dma_wait3A_84] : memref<10240x128xf32, #tpu.memory_space<hbm>> -> memref<10240x128xf32, #tpu.memory_space<hbm>>
      tpu.wait_indirect_dma semaphore(%arg12 : memref<!tpu.dma_semaphore, #tpu.memory_space<semaphore_mem>>) src(%dma_wait3A_85 : memref<10240x128xf32, #tpu.memory_space<hbm>>) dst(%arg9 : memref<128x128xf32, #tpu.memory_space<vmem>>)
      "tpu.region"() ({
        %run_scoped3A_106 = tpu.sem_alloc : memref<!tpu.dma_semaphore, #tpu.memory_space<semaphore_mem>>
        %dma_start3A_107 = arith.constant 0 : i32
        %dma_start3A_108 = tpu.memref_slice %arg8[%mul3A_71, %dma_start3A_107] : memref<40x128xi32, #tpu.memory_space<vmem>> -> memref<1x128xi32, #tpu.memory_space<vmem>>
        %dma_start3A_109 = tpu.memref_squeeze %dma_start3A_108 : memref<1x128xi32, #tpu.memory_space<vmem>> -> memref<128xi32, #tpu.memory_space<vmem>>
        %dma_start3A_110 = arith.constant 0 : i32
        %dma_start3A_111 = arith.constant 0 : i32
        %dma_start3A_112 = tpu.memref_slice %arg11[%dma_start3A_110, %dma_start3A_111] : memref<10240x128xf32, #tpu.memory_space<vmem_shared>> -> memref<10240x128xf32, #tpu.memory_space<vmem_shared>>
        tpu.enqueue_indirect_dma source(%arg9 : memref<128x128xf32, #tpu.memory_space<vmem>>) target(%dma_start3A_112 : memref<10240x128xf32, #tpu.memory_space<vmem_shared>>) offsets(%dma_start3A_109 : memref<128xi32, #tpu.memory_space<vmem>>) semaphore(%run_scoped3A_106 : memref<!tpu.dma_semaphore, #tpu.memory_space<semaphore_mem>>) {add = true}
        %dma_wait3A_113 = arith.constant 0 : i32
        %dma_wait3A_114 = tpu.memref_slice %arg8[%mul3A_71, %dma_wait3A_113] : memref<40x128xi32, #tpu.memory_space<vmem>> -> memref<1x128xi32, #tpu.memory_space<vmem>>
        %dma_wait3A_115 = tpu.memref_squeeze %dma_wait3A_114 : memref<1x128xi32, #tpu.memory_space<vmem>> -> memref<128xi32, #tpu.memory_space<vmem>>
        %dma_wait3A_116 = arith.constant 0 : i32
        %dma_wait3A_117 = arith.constant 0 : i32
        %dma_wait3A_118 = tpu.memref_slice %arg11[%dma_wait3A_116, %dma_wait3A_117] : memref<10240x128xf32, #tpu.memory_space<vmem_shared>> -> memref<10240x128xf32, #tpu.memory_space<vmem_shared>>
        tpu.wait_indirect_dma semaphore(%run_scoped3A_106 : memref<!tpu.dma_semaphore, #tpu.memory_space<semaphore_mem>>) src(%arg9 : memref<128x128xf32, #tpu.memory_space<vmem>>) dst(%dma_wait3A_118 : memref<10240x128xf32, #tpu.memory_space<vmem_shared>>)
        tpu.yield
      }) : () -> ()
      %add3A_86 = arith.constant 2 : i32
      %add3A_87 = arith.addi %mul3A_71, %add3A_86 : i32
      %min3A = arith.constant 39 : i32
      %min3A_88 = arith.minsi %add3A_87, %min3A : i32
      %dma_start3A_89 = arith.constant 0 : i32
      %dma_start3A_90 = tpu.memref_slice %arg7[%min3A_88, %dma_start3A_89] : memref<40x128xi32, #tpu.memory_space<vmem>> -> memref<1x128xi32, #tpu.memory_space<vmem>>
      %dma_start3A_91 = tpu.memref_squeeze %dma_start3A_90 : memref<1x128xi32, #tpu.memory_space<vmem>> -> memref<128xi32, #tpu.memory_space<vmem>>
      %dma_start3A_92 = arith.constant 0 : i32
      %dma_start3A_93 = arith.constant 0 : i32
      %dma_start3A_94 = tpu.memref_slice %arg2[%dma_start3A_92, %dma_start3A_93] : memref<10240x128xf32, #tpu.memory_space<hbm>> -> memref<10240x128xf32, #tpu.memory_space<hbm>>
      tpu.enqueue_indirect_dma source(%dma_start3A_94 : memref<10240x128xf32, #tpu.memory_space<hbm>>) target(%arg9 : memref<128x128xf32, #tpu.memory_space<vmem>>) offsets(%dma_start3A_91 : memref<128xi32, #tpu.memory_space<vmem>>) semaphore(%arg12 : memref<!tpu.dma_semaphore, #tpu.memory_space<semaphore_mem>>)
      %add3A_95 = arith.constant 1 : i32
      %add3A_96 = arith.addi %mul3A_71, %add3A_95 : i32
      %dma_wait3A_97 = arith.constant 0 : i32
      %dma_wait3A_98 = tpu.memref_slice %arg7[%add3A_96, %dma_wait3A_97] : memref<40x128xi32, #tpu.memory_space<vmem>> -> memref<1x128xi32, #tpu.memory_space<vmem>>
      %dma_wait3A_99 = tpu.memref_squeeze %dma_wait3A_98 : memref<1x128xi32, #tpu.memory_space<vmem>> -> memref<128xi32, #tpu.memory_space<vmem>>
      %dma_wait3A_100 = arith.constant 0 : i32
      %dma_wait3A_101 = arith.constant 0 : i32
      %dma_wait3A_102 = tpu.memref_slice %arg2[%dma_wait3A_100, %dma_wait3A_101] : memref<10240x128xf32, #tpu.memory_space<hbm>> -> memref<10240x128xf32, #tpu.memory_space<hbm>>
      tpu.wait_indirect_dma semaphore(%arg13 : memref<!tpu.dma_semaphore, #tpu.memory_space<semaphore_mem>>) src(%dma_wait3A_102 : memref<10240x128xf32, #tpu.memory_space<hbm>>) dst(%arg10 : memref<128x128xf32, #tpu.memory_space<vmem>>)
      %add3A_103 = arith.constant 1 : i32
      %add3A_104 = arith.addi %mul3A_71, %add3A_103 : i32
      "tpu.region"() ({
        %run_scoped3A_106 = tpu.sem_alloc : memref<!tpu.dma_semaphore, #tpu.memory_space<semaphore_mem>>
        %dma_start3A_107 = arith.constant 0 : i32
        %dma_start3A_108 = tpu.memref_slice %arg8[%add3A_104, %dma_start3A_107] : memref<40x128xi32, #tpu.memory_space<vmem>> -> memref<1x128xi32, #tpu.memory_space<vmem>>
        %dma_start3A_109 = tpu.memref_squeeze %dma_start3A_108 : memref<1x128xi32, #tpu.memory_space<vmem>> -> memref<128xi32, #tpu.memory_space<vmem>>
        %dma_start3A_110 = arith.constant 0 : i32
        %dma_start3A_111 = arith.constant 0 : i32
        %dma_start3A_112 = tpu.memref_slice %arg11[%dma_start3A_110, %dma_start3A_111] : memref<10240x128xf32, #tpu.memory_space<vmem_shared>> -> memref<10240x128xf32, #tpu.memory_space<vmem_shared>>
        tpu.enqueue_indirect_dma source(%arg10 : memref<128x128xf32, #tpu.memory_space<vmem>>) target(%dma_start3A_112 : memref<10240x128xf32, #tpu.memory_space<vmem_shared>>) offsets(%dma_start3A_109 : memref<128xi32, #tpu.memory_space<vmem>>) semaphore(%run_scoped3A_106 : memref<!tpu.dma_semaphore, #tpu.memory_space<semaphore_mem>>) {add = true}
        %dma_wait3A_113 = arith.constant 0 : i32
        %dma_wait3A_114 = tpu.memref_slice %arg8[%add3A_104, %dma_wait3A_113] : memref<40x128xi32, #tpu.memory_space<vmem>> -> memref<1x128xi32, #tpu.memory_space<vmem>>
        %dma_wait3A_115 = tpu.memref_squeeze %dma_wait3A_114 : memref<1x128xi32, #tpu.memory_space<vmem>> -> memref<128xi32, #tpu.memory_space<vmem>>
        %dma_wait3A_116 = arith.constant 0 : i32
        %dma_wait3A_117 = arith.constant 0 : i32
        %dma_wait3A_118 = tpu.memref_slice %arg11[%dma_wait3A_116, %dma_wait3A_117] : memref<10240x128xf32, #tpu.memory_space<vmem_shared>> -> memref<10240x128xf32, #tpu.memory_space<vmem_shared>>
        tpu.wait_indirect_dma semaphore(%run_scoped3A_106 : memref<!tpu.dma_semaphore, #tpu.memory_space<semaphore_mem>>) src(%arg10 : memref<128x128xf32, #tpu.memory_space<vmem>>) dst(%dma_wait3A_118 : memref<10240x128xf32, #tpu.memory_space<vmem_shared>>)
        tpu.yield
      }) : () -> ()
      %scan3A_105 = arith.constant 0 : i32
      scf.yield %scan3A_105 : i32
    }
    %scan3A_33 = arith.constant 20 : i32
    %dma_wait3A = arith.constant 39 : i32
    %dma_wait3A_34 = arith.constant 0 : i32
    %dma_wait3A_35 = tpu.memref_slice %arg7[%dma_wait3A, %dma_wait3A_34] : memref<40x128xi32, #tpu.memory_space<vmem>> -> memref<1x128xi32, #tpu.memory_space<vmem>>
    %dma_wait3A_36 = tpu.memref_squeeze %dma_wait3A_35 : memref<1x128xi32, #tpu.memory_space<vmem>> -> memref<128xi32, #tpu.memory_space<vmem>>
    %dma_wait3A_37 = arith.constant 0 : i32
    %dma_wait3A_38 = arith.constant 0 : i32
    %dma_wait3A_39 = tpu.memref_slice %arg2[%dma_wait3A_37, %dma_wait3A_38] : memref<10240x128xf32, #tpu.memory_space<hbm>> -> memref<10240x128xf32, #tpu.memory_space<hbm>>
    tpu.wait_indirect_dma semaphore(%arg12 : memref<!tpu.dma_semaphore, #tpu.memory_space<semaphore_mem>>) src(%dma_wait3A_39 : memref<10240x128xf32, #tpu.memory_space<hbm>>) dst(%arg9 : memref<128x128xf32, #tpu.memory_space<vmem>>)
    %run_scoped3A_40 = arith.constant 1 : i32
    "tpu.region"() ({
      %run_scoped3A_68 = tpu.sem_alloc : memref<!tpu.dma_semaphore, #tpu.memory_space<semaphore_mem>>
      %dma_start3A_69 = arith.constant 0 : i32
      %dma_start3A_70 = arith.constant 0 : i32
      %dma_start3A_71 = tpu.memref_slice %arg3[%add3A, %run_scoped3A_40, %dma_start3A_69, %dma_start3A_70] : memref<32x2x40x128xi32, #tpu.memory_space<hbm>> -> memref<1x1x40x128xi32, #tpu.memory_space<hbm>>
      %dma_start3A_72 = tpu.memref_squeeze %dma_start3A_71 : memref<1x1x40x128xi32, #tpu.memory_space<hbm>> -> memref<40x128xi32, #tpu.memory_space<hbm>>
      %dma_start3A_73 = arith.constant 0 : i32
      %dma_start3A_74 = arith.constant 0 : i32
      %dma_start3A_75 = tpu.memref_slice %arg3[%add3A, %run_scoped3A_40, %dma_start3A_73, %dma_start3A_74] : memref<32x2x40x128xi32, #tpu.memory_space<hbm>> -> memref<1x1x40x128xi32, #tpu.memory_space<hbm>>
      %dma_start3A_76 = tpu.memref_squeeze %dma_start3A_75 : memref<1x1x40x128xi32, #tpu.memory_space<hbm>> -> memref<40x128xi32, #tpu.memory_space<hbm>>
      tpu.enqueue_dma source(%dma_start3A_76 : memref<40x128xi32, #tpu.memory_space<hbm>>) target(%arg7 : memref<40x128xi32, #tpu.memory_space<vmem>>) target_semaphore(%run_scoped3A_68 : memref<!tpu.dma_semaphore, #tpu.memory_space<semaphore_mem>>)
      %dma_wait3A_77 = arith.constant 0 : i32
      %dma_wait3A_78 = arith.constant 0 : i32
      %dma_wait3A_79 = tpu.memref_slice %arg3[%add3A, %run_scoped3A_40, %dma_wait3A_77, %dma_wait3A_78] : memref<32x2x40x128xi32, #tpu.memory_space<hbm>> -> memref<1x1x40x128xi32, #tpu.memory_space<hbm>>
      %dma_wait3A_80 = tpu.memref_squeeze %dma_wait3A_79 : memref<1x1x40x128xi32, #tpu.memory_space<hbm>> -> memref<40x128xi32, #tpu.memory_space<hbm>>
      %dma_wait3A_81 = arith.constant 0 : i32
      %dma_wait3A_82 = arith.constant 0 : i32
      %dma_wait3A_83 = tpu.memref_slice %arg3[%add3A, %run_scoped3A_40, %dma_wait3A_81, %dma_wait3A_82] : memref<32x2x40x128xi32, #tpu.memory_space<hbm>> -> memref<1x1x40x128xi32, #tpu.memory_space<hbm>>
      %dma_wait3A_84 = tpu.memref_squeeze %dma_wait3A_83 : memref<1x1x40x128xi32, #tpu.memory_space<hbm>> -> memref<40x128xi32, #tpu.memory_space<hbm>>
      tpu.wait_dma2 semaphore(%run_scoped3A_68 : memref<!tpu.dma_semaphore, #tpu.memory_space<semaphore_mem>>) src(%dma_wait3A_84 : memref<40x128xi32, #tpu.memory_space<hbm>>) dst(%arg7 : memref<40x128xi32, #tpu.memory_space<vmem>>)
      tpu.yield
    }) : () -> ()
    %run_scoped3A_41 = arith.constant 1 : i32
    "tpu.region"() ({
      %run_scoped3A_68 = tpu.sem_alloc : memref<!tpu.dma_semaphore, #tpu.memory_space<semaphore_mem>>
      %dma_start3A_69 = arith.constant 0 : i32
      %dma_start3A_70 = arith.constant 0 : i32
      %dma_start3A_71 = tpu.memref_slice %arg4[%add3A, %run_scoped3A_41, %dma_start3A_69, %dma_start3A_70] : memref<32x2x40x128xi32, #tpu.memory_space<hbm>> -> memref<1x1x40x128xi32, #tpu.memory_space<hbm>>
      %dma_start3A_72 = tpu.memref_squeeze %dma_start3A_71 : memref<1x1x40x128xi32, #tpu.memory_space<hbm>> -> memref<40x128xi32, #tpu.memory_space<hbm>>
      %dma_start3A_73 = arith.constant 0 : i32
      %dma_start3A_74 = arith.constant 0 : i32
      %dma_start3A_75 = tpu.memref_slice %arg4[%add3A, %run_scoped3A_41, %dma_start3A_73, %dma_start3A_74] : memref<32x2x40x128xi32, #tpu.memory_space<hbm>> -> memref<1x1x40x128xi32, #tpu.memory_space<hbm>>
      %dma_start3A_76 = tpu.memref_squeeze %dma_start3A_75 : memref<1x1x40x128xi32, #tpu.memory_space<hbm>> -> memref<40x128xi32, #tpu.memory_space<hbm>>
      tpu.enqueue_dma source(%dma_start3A_76 : memref<40x128xi32, #tpu.memory_space<hbm>>) target(%arg8 : memref<40x128xi32, #tpu.memory_space<vmem>>) target_semaphore(%run_scoped3A_68 : memref<!tpu.dma_semaphore, #tpu.memory_space<semaphore_mem>>)
      %dma_wait3A_77 = arith.constant 0 : i32
      %dma_wait3A_78 = arith.constant 0 : i32
      %dma_wait3A_79 = tpu.memref_slice %arg4[%add3A, %run_scoped3A_41, %dma_wait3A_77, %dma_wait3A_78] : memref<32x2x40x128xi32, #tpu.memory_space<hbm>> -> memref<1x1x40x128xi32, #tpu.memory_space<hbm>>
      %dma_wait3A_80 = tpu.memref_squeeze %dma_wait3A_79 : memref<1x1x40x128xi32, #tpu.memory_space<hbm>> -> memref<40x128xi32, #tpu.memory_space<hbm>>
      %dma_wait3A_81 = arith.constant 0 : i32
      %dma_wait3A_82 = arith.constant 0 : i32
      %dma_wait3A_83 = tpu.memref_slice %arg4[%add3A, %run_scoped3A_41, %dma_wait3A_81, %dma_wait3A_82] : memref<32x2x40x128xi32, #tpu.memory_space<hbm>> -> memref<1x1x40x128xi32, #tpu.memory_space<hbm>>
      %dma_wait3A_84 = tpu.memref_squeeze %dma_wait3A_83 : memref<1x1x40x128xi32, #tpu.memory_space<hbm>> -> memref<40x128xi32, #tpu.memory_space<hbm>>
      tpu.wait_dma2 semaphore(%run_scoped3A_68 : memref<!tpu.dma_semaphore, #tpu.memory_space<semaphore_mem>>) src(%dma_wait3A_84 : memref<40x128xi32, #tpu.memory_space<hbm>>) dst(%arg8 : memref<40x128xi32, #tpu.memory_space<vmem>>)
      tpu.yield
    }) : () -> ()
    %dma_start3A_42 = arith.constant 0 : i32
    %dma_start3A_43 = arith.constant 0 : i32
    %dma_start3A_44 = tpu.memref_slice %arg7[%dma_start3A_42, %dma_start3A_43] : memref<40x128xi32, #tpu.memory_space<vmem>> -> memref<1x128xi32, #tpu.memory_space<vmem>>
    %dma_start3A_45 = tpu.memref_squeeze %dma_start3A_44 : memref<1x128xi32, #tpu.memory_space<vmem>> -> memref<128xi32, #tpu.memory_space<vmem>>
    %dma_start3A_46 = arith.constant 0 : i32
    %dma_start3A_47 = arith.constant 0 : i32
    %dma_start3A_48 = tpu.memref_slice %arg2[%dma_start3A_46, %dma_start3A_47] : memref<10240x128xf32, #tpu.memory_space<hbm>> -> memref<10240x128xf32, #tpu.memory_space<hbm>>
    tpu.enqueue_indirect_dma source(%dma_start3A_48 : memref<10240x128xf32, #tpu.memory_space<hbm>>) target(%arg9 : memref<128x128xf32, #tpu.memory_space<vmem>>) offsets(%dma_start3A_45 : memref<128xi32, #tpu.memory_space<vmem>>) semaphore(%arg12 : memref<!tpu.dma_semaphore, #tpu.memory_space<semaphore_mem>>)
    %scan3A_49 = arith.constant 0 : i32
    %scan3A_50 = arith.constant 0 : i32
    %scan3A_51 = arith.constant 20 : i32
    %scan3A_52 = arith.addi %scan3A_50, %scan3A_51 : i32
    %scan3A_53 = arith.constant 1 : i32
    %scan3A_54 = scf.for %scan3A_68 = %scan3A_50 to %scan3A_52 step %scan3A_53 iter_args(%scan3A_69 = %scan3A_49) -> (i32)  : i32 {
      %mul3A_70 = arith.constant 2 : i32
      %mul3A_71 = arith.muli %mul3A_70, %scan3A_68 : i32
      %add3A_72 = arith.constant 1 : i32
      %add3A_73 = arith.addi %mul3A_71, %add3A_72 : i32
      %dma_start3A_74 = arith.constant 0 : i32
      %dma_start3A_75 = tpu.memref_slice %arg7[%add3A_73, %dma_start3A_74] : memref<40x128xi32, #tpu.memory_space<vmem>> -> memref<1x128xi32, #tpu.memory_space<vmem>>
      %dma_start3A_76 = tpu.memref_squeeze %dma_start3A_75 : memref<1x128xi32, #tpu.memory_space<vmem>> -> memref<128xi32, #tpu.memory_space<vmem>>
      %dma_start3A_77 = arith.constant 0 : i32
      %dma_start3A_78 = arith.constant 0 : i32
      %dma_start3A_79 = tpu.memref_slice %arg2[%dma_start3A_77, %dma_start3A_78] : memref<10240x128xf32, #tpu.memory_space<hbm>> -> memref<10240x128xf32, #tpu.memory_space<hbm>>
      tpu.enqueue_indirect_dma source(%dma_start3A_79 : memref<10240x128xf32, #tpu.memory_space<hbm>>) target(%arg10 : memref<128x128xf32, #tpu.memory_space<vmem>>) offsets(%dma_start3A_76 : memref<128xi32, #tpu.memory_space<vmem>>) semaphore(%arg13 : memref<!tpu.dma_semaphore, #tpu.memory_space<semaphore_mem>>)
      %dma_wait3A_80 = arith.constant 0 : i32
      %dma_wait3A_81 = tpu.memref_slice %arg7[%mul3A_71, %dma_wait3A_80] : memref<40x128xi32, #tpu.memory_space<vmem>> -> memref<1x128xi32, #tpu.memory_space<vmem>>
      %dma_wait3A_82 = tpu.memref_squeeze %dma_wait3A_81 : memref<1x128xi32, #tpu.memory_space<vmem>> -> memref<128xi32, #tpu.memory_space<vmem>>
      %dma_wait3A_83 = arith.constant 0 : i32
      %dma_wait3A_84 = arith.constant 0 : i32
      %dma_wait3A_85 = tpu.memref_slice %arg2[%dma_wait3A_83, %dma_wait3A_84] : memref<10240x128xf32, #tpu.memory_space<hbm>> -> memref<10240x128xf32, #tpu.memory_space<hbm>>
      tpu.wait_indirect_dma semaphore(%arg12 : memref<!tpu.dma_semaphore, #tpu.memory_space<semaphore_mem>>) src(%dma_wait3A_85 : memref<10240x128xf32, #tpu.memory_space<hbm>>) dst(%arg9 : memref<128x128xf32, #tpu.memory_space<vmem>>)
      "tpu.region"() ({
        %run_scoped3A_106 = tpu.sem_alloc : memref<!tpu.dma_semaphore, #tpu.memory_space<semaphore_mem>>
        %dma_start3A_107 = arith.constant 0 : i32
        %dma_start3A_108 = tpu.memref_slice %arg8[%mul3A_71, %dma_start3A_107] : memref<40x128xi32, #tpu.memory_space<vmem>> -> memref<1x128xi32, #tpu.memory_space<vmem>>
        %dma_start3A_109 = tpu.memref_squeeze %dma_start3A_108 : memref<1x128xi32, #tpu.memory_space<vmem>> -> memref<128xi32, #tpu.memory_space<vmem>>
        %dma_start3A_110 = arith.constant 0 : i32
        %dma_start3A_111 = arith.constant 0 : i32
        %dma_start3A_112 = tpu.memref_slice %arg11[%dma_start3A_110, %dma_start3A_111] : memref<10240x128xf32, #tpu.memory_space<vmem_shared>> -> memref<10240x128xf32, #tpu.memory_space<vmem_shared>>
        tpu.enqueue_indirect_dma source(%arg9 : memref<128x128xf32, #tpu.memory_space<vmem>>) target(%dma_start3A_112 : memref<10240x128xf32, #tpu.memory_space<vmem_shared>>) offsets(%dma_start3A_109 : memref<128xi32, #tpu.memory_space<vmem>>) semaphore(%run_scoped3A_106 : memref<!tpu.dma_semaphore, #tpu.memory_space<semaphore_mem>>) {add = true}
        %dma_wait3A_113 = arith.constant 0 : i32
        %dma_wait3A_114 = tpu.memref_slice %arg8[%mul3A_71, %dma_wait3A_113] : memref<40x128xi32, #tpu.memory_space<vmem>> -> memref<1x128xi32, #tpu.memory_space<vmem>>
        %dma_wait3A_115 = tpu.memref_squeeze %dma_wait3A_114 : memref<1x128xi32, #tpu.memory_space<vmem>> -> memref<128xi32, #tpu.memory_space<vmem>>
        %dma_wait3A_116 = arith.constant 0 : i32
        %dma_wait3A_117 = arith.constant 0 : i32
        %dma_wait3A_118 = tpu.memref_slice %arg11[%dma_wait3A_116, %dma_wait3A_117] : memref<10240x128xf32, #tpu.memory_space<vmem_shared>> -> memref<10240x128xf32, #tpu.memory_space<vmem_shared>>
        tpu.wait_indirect_dma semaphore(%run_scoped3A_106 : memref<!tpu.dma_semaphore, #tpu.memory_space<semaphore_mem>>) src(%arg9 : memref<128x128xf32, #tpu.memory_space<vmem>>) dst(%dma_wait3A_118 : memref<10240x128xf32, #tpu.memory_space<vmem_shared>>)
        tpu.yield
      }) : () -> ()
      %add3A_86 = arith.constant 2 : i32
      %add3A_87 = arith.addi %mul3A_71, %add3A_86 : i32
      %min3A = arith.constant 39 : i32
      %min3A_88 = arith.minsi %add3A_87, %min3A : i32
      %dma_start3A_89 = arith.constant 0 : i32
      %dma_start3A_90 = tpu.memref_slice %arg7[%min3A_88, %dma_start3A_89] : memref<40x128xi32, #tpu.memory_space<vmem>> -> memref<1x128xi32, #tpu.memory_space<vmem>>
      %dma_start3A_91 = tpu.memref_squeeze %dma_start3A_90 : memref<1x128xi32, #tpu.memory_space<vmem>> -> memref<128xi32, #tpu.memory_space<vmem>>
      %dma_start3A_92 = arith.constant 0 : i32
      %dma_start3A_93 = arith.constant 0 : i32
      %dma_start3A_94 = tpu.memref_slice %arg2[%dma_start3A_92, %dma_start3A_93] : memref<10240x128xf32, #tpu.memory_space<hbm>> -> memref<10240x128xf32, #tpu.memory_space<hbm>>
      tpu.enqueue_indirect_dma source(%dma_start3A_94 : memref<10240x128xf32, #tpu.memory_space<hbm>>) target(%arg9 : memref<128x128xf32, #tpu.memory_space<vmem>>) offsets(%dma_start3A_91 : memref<128xi32, #tpu.memory_space<vmem>>) semaphore(%arg12 : memref<!tpu.dma_semaphore, #tpu.memory_space<semaphore_mem>>)
      %add3A_95 = arith.constant 1 : i32
      %add3A_96 = arith.addi %mul3A_71, %add3A_95 : i32
      %dma_wait3A_97 = arith.constant 0 : i32
      %dma_wait3A_98 = tpu.memref_slice %arg7[%add3A_96, %dma_wait3A_97] : memref<40x128xi32, #tpu.memory_space<vmem>> -> memref<1x128xi32, #tpu.memory_space<vmem>>
      %dma_wait3A_99 = tpu.memref_squeeze %dma_wait3A_98 : memref<1x128xi32, #tpu.memory_space<vmem>> -> memref<128xi32, #tpu.memory_space<vmem>>
      %dma_wait3A_100 = arith.constant 0 : i32
      %dma_wait3A_101 = arith.constant 0 : i32
      %dma_wait3A_102 = tpu.memref_slice %arg2[%dma_wait3A_100, %dma_wait3A_101] : memref<10240x128xf32, #tpu.memory_space<hbm>> -> memref<10240x128xf32, #tpu.memory_space<hbm>>
      tpu.wait_indirect_dma semaphore(%arg13 : memref<!tpu.dma_semaphore, #tpu.memory_space<semaphore_mem>>) src(%dma_wait3A_102 : memref<10240x128xf32, #tpu.memory_space<hbm>>) dst(%arg10 : memref<128x128xf32, #tpu.memory_space<vmem>>)
      %add3A_103 = arith.constant 1 : i32
      %add3A_104 = arith.addi %mul3A_71, %add3A_103 : i32
      "tpu.region"() ({
        %run_scoped3A_106 = tpu.sem_alloc : memref<!tpu.dma_semaphore, #tpu.memory_space<semaphore_mem>>
        %dma_start3A_107 = arith.constant 0 : i32
        %dma_start3A_108 = tpu.memref_slice %arg8[%add3A_104, %dma_start3A_107] : memref<40x128xi32, #tpu.memory_space<vmem>> -> memref<1x128xi32, #tpu.memory_space<vmem>>
        %dma_start3A_109 = tpu.memref_squeeze %dma_start3A_108 : memref<1x128xi32, #tpu.memory_space<vmem>> -> memref<128xi32, #tpu.memory_space<vmem>>
        %dma_start3A_110 = arith.constant 0 : i32
        %dma_start3A_111 = arith.constant 0 : i32
        %dma_start3A_112 = tpu.memref_slice %arg11[%dma_start3A_110, %dma_start3A_111] : memref<10240x128xf32, #tpu.memory_space<vmem_shared>> -> memref<10240x128xf32, #tpu.memory_space<vmem_shared>>
        tpu.enqueue_indirect_dma source(%arg10 : memref<128x128xf32, #tpu.memory_space<vmem>>) target(%dma_start3A_112 : memref<10240x128xf32, #tpu.memory_space<vmem_shared>>) offsets(%dma_start3A_109 : memref<128xi32, #tpu.memory_space<vmem>>) semaphore(%run_scoped3A_106 : memref<!tpu.dma_semaphore, #tpu.memory_space<semaphore_mem>>) {add = true}
        %dma_wait3A_113 = arith.constant 0 : i32
        %dma_wait3A_114 = tpu.memref_slice %arg8[%add3A_104, %dma_wait3A_113] : memref<40x128xi32, #tpu.memory_space<vmem>> -> memref<1x128xi32, #tpu.memory_space<vmem>>
        %dma_wait3A_115 = tpu.memref_squeeze %dma_wait3A_114 : memref<1x128xi32, #tpu.memory_space<vmem>> -> memref<128xi32, #tpu.memory_space<vmem>>
        %dma_wait3A_116 = arith.constant 0 : i32
        %dma_wait3A_117 = arith.constant 0 : i32
        %dma_wait3A_118 = tpu.memref_slice %arg11[%dma_wait3A_116, %dma_wait3A_117] : memref<10240x128xf32, #tpu.memory_space<vmem_shared>> -> memref<10240x128xf32, #tpu.memory_space<vmem_shared>>
        tpu.wait_indirect_dma semaphore(%run_scoped3A_106 : memref<!tpu.dma_semaphore, #tpu.memory_space<semaphore_mem>>) src(%arg10 : memref<128x128xf32, #tpu.memory_space<vmem>>) dst(%dma_wait3A_118 : memref<10240x128xf32, #tpu.memory_space<vmem_shared>>)
        tpu.yield
      }) : () -> ()
      %scan3A_105 = arith.constant 0 : i32
      scf.yield %scan3A_105 : i32
    }
    %scan3A_55 = arith.constant 20 : i32
    %dma_wait3A_56 = arith.constant 39 : i32
    %dma_wait3A_57 = arith.constant 0 : i32
    %dma_wait3A_58 = tpu.memref_slice %arg7[%dma_wait3A_56, %dma_wait3A_57] : memref<40x128xi32, #tpu.memory_space<vmem>> -> memref<1x128xi32, #tpu.memory_space<vmem>>
    %dma_wait3A_59 = tpu.memref_squeeze %dma_wait3A_58 : memref<1x128xi32, #tpu.memory_space<vmem>> -> memref<128xi32, #tpu.memory_space<vmem>>
    %dma_wait3A_60 = arith.constant 0 : i32
    %dma_wait3A_61 = arith.constant 0 : i32
    %dma_wait3A_62 = tpu.memref_slice %arg2[%dma_wait3A_60, %dma_wait3A_61] : memref<10240x128xf32, #tpu.memory_space<hbm>> -> memref<10240x128xf32, #tpu.memory_space<hbm>>
    tpu.wait_indirect_dma semaphore(%arg12 : memref<!tpu.dma_semaphore, #tpu.memory_space<semaphore_mem>>) src(%dma_wait3A_62 : memref<10240x128xf32, #tpu.memory_space<hbm>>) dst(%arg9 : memref<128x128xf32, #tpu.memory_space<vmem>>)
    %barrier3A_63 = arith.constant 0 : index
    tpu.barrier barrier_id(%barrier3A_63)
    %mul3A_64 = arith.constant 640 : i32
    %mul3A_65 = arith.muli %arg1, %mul3A_64 : i32
    %mul3A_66 = arith.constant 640 : i32
    %mul3A_67 = arith.muli %arg1, %mul3A_66 : i32
    "tpu.region"() ({
      %run_scoped3A_68 = tpu.sem_alloc : memref<!tpu.dma_semaphore, #tpu.memory_space<semaphore_mem>>
      %dma_start3A_69 = arith.constant 0 : i32
      %dma_start3A_70 = tpu.memref_slice %arg6[%arg0, %mul3A_67, %dma_start3A_69] : memref<2x10240x128xf32, #tpu.memory_space<hbm>> -> memref<1x640x128xf32, #tpu.memory_space<hbm>>
      %dma_start3A_71 = tpu.memref_squeeze %dma_start3A_70 : memref<1x640x128xf32, #tpu.memory_space<hbm>> -> memref<640x128xf32, #tpu.memory_space<hbm>>
      %dma_start3A_72 = arith.constant 0 : i32
      %dma_start3A_73 = tpu.memref_slice %arg11[%mul3A_65, %dma_start3A_72] : memref<10240x128xf32, #tpu.memory_space<vmem_shared>> -> memref<640x128xf32, #tpu.memory_space<vmem_shared>>
      tpu.enqueue_dma source(%dma_start3A_73 : memref<640x128xf32, #tpu.memory_space<vmem_shared>>) target(%dma_start3A_71 : memref<640x128xf32, #tpu.memory_space<hbm>>) target_semaphore(%run_scoped3A_68 : memref<!tpu.dma_semaphore, #tpu.memory_space<semaphore_mem>>)
      %dma_wait3A_74 = arith.constant 0 : i32
      %dma_wait3A_75 = tpu.memref_slice %arg6[%arg0, %mul3A_67, %dma_wait3A_74] : memref<2x10240x128xf32, #tpu.memory_space<hbm>> -> memref<1x640x128xf32, #tpu.memory_space<hbm>>
      %dma_wait3A_76 = tpu.memref_squeeze %dma_wait3A_75 : memref<1x640x128xf32, #tpu.memory_space<hbm>> -> memref<640x128xf32, #tpu.memory_space<hbm>>
      %dma_wait3A_77 = arith.constant 0 : i32
      %dma_wait3A_78 = tpu.memref_slice %arg11[%mul3A_65, %dma_wait3A_77] : memref<10240x128xf32, #tpu.memory_space<vmem_shared>> -> memref<640x128xf32, #tpu.memory_space<vmem_shared>>
      tpu.wait_dma2 semaphore(%run_scoped3A_68 : memref<!tpu.dma_semaphore, #tpu.memory_space<semaphore_mem>>) src(%dma_wait3A_78 : memref<640x128xf32, #tpu.memory_space<vmem_shared>>) dst(%dma_wait3A_76 : memref<640x128xf32, #tpu.memory_space<hbm>>)
      tpu.yield
    }) : () -> ()
    return
  }
}

#map = affine_map<(d0, d1) -> (0, 0, 0, 0)>
#map1 = affine_map<(d0, d1) -> (0, 0, 0)>
module attributes {stable_mosaic.version = 14 : i64} {
  func.func @_deg_kernel(%arg0: i32, %arg1: i32, %arg2: memref<32x2x40x128xi32, #tpu.memory_space<hbm>>, %arg3: memref<2x10240x128xf32, #tpu.memory_space<hbm>>, %arg4: memref<40x128xi32, #tpu.memory_space<vmem>>, %arg5: memref<128x128xf32, #tpu.memory_space<vmem>>, %arg6: memref<10240x128xf32, #tpu.memory_space<vmem_shared>>, %arg7: memref<!tpu.dma_semaphore, #tpu.memory_space<semaphore_mem>>) attributes {dimension_semantics = [#tpu.dimension_semantics<core_parallel>, #tpu.dimension_semantics<subcore_parallel>], iteration_bounds = array<i64: 2, 16>, scalar_prefetch = 0 : i64, scratch_operands = 4 : i64, tpu.core_type = #tpu.core_type<sc_vector_subcore>, window_params = [{transform_indices = #map}, {transform_indices = #map1}]} {
    %mul3A = arith.constant 16 : i32
    %mul3A_0 = arith.muli %arg0, %mul3A : i32
    %add3A = arith.addi %mul3A_0, %arg1 : i32
    %scan3A = arith.constant 0 : i32
    %scan3A_1 = arith.constant 0 : i32
    %scan3A_2 = arith.constant 128 : i32
    %scan3A_3 = arith.addi %scan3A_1, %scan3A_2 : i32
    %scan3A_4 = arith.constant 1 : i32
    %scan3A_5 = scf.for %scan3A_108 = %scan3A_1 to %scan3A_3 step %scan3A_4 iter_args(%scan3A_109 = %scan3A) -> (i32)  : i32 {
      %broadcast_in_dim3A = arith.constant 0.000000e+00 : f32
      %broadcast_in_dim3A_110 = vector.broadcast %broadcast_in_dim3A : f32 to vector<16xf32>
      %swap3A = arith.index_cast %scan3A_108 : i32 to index
      %swap3A_111 = arith.constant 0 : index
      %swap3A_112 = tpu.vector_load %arg5[%swap3A, %swap3A_111] {strides = array<i32>} : memref<128x128xf32, #tpu.memory_space<vmem>>, vector<1x16xf32>,
      %swap3A_113 = vector.shape_cast %swap3A_112 : vector<1x16xf32> to vector<16xf32>
      %swap3A_114 = vector.shape_cast %broadcast_in_dim3A_110 : vector<16xf32> to vector<1x16xf32>
      tpu.vector_store %arg5[%swap3A, %swap3A_111], %swap3A_114 {strides = array<i32>} : memref<128x128xf32, #tpu.memory_space<vmem>>, vector<1x16xf32>,
      %broadcast_in_dim3A_115 = arith.constant 0.000000e+00 : f32
      %broadcast_in_dim3A_116 = vector.broadcast %broadcast_in_dim3A_115 : f32 to vector<16xf32>
      %swap3A_117 = arith.index_cast %scan3A_108 : i32 to index
      %swap3A_118 = arith.constant 16 : index
      %swap3A_119 = tpu.vector_load %arg5[%swap3A_117, %swap3A_118] {strides = array<i32>} : memref<128x128xf32, #tpu.memory_space<vmem>>, vector<1x16xf32>,
      %swap3A_120 = vector.shape_cast %swap3A_119 : vector<1x16xf32> to vector<16xf32>
      %swap3A_121 = vector.shape_cast %broadcast_in_dim3A_116 : vector<16xf32> to vector<1x16xf32>
      tpu.vector_store %arg5[%swap3A_117, %swap3A_118], %swap3A_121 {strides = array<i32>} : memref<128x128xf32, #tpu.memory_space<vmem>>, vector<1x16xf32>,
      %broadcast_in_dim3A_122 = arith.constant 0.000000e+00 : f32
      %broadcast_in_dim3A_123 = vector.broadcast %broadcast_in_dim3A_122 : f32 to vector<16xf32>
      %swap3A_124 = arith.index_cast %scan3A_108 : i32 to index
      %swap3A_125 = arith.constant 32 : index
      %swap3A_126 = tpu.vector_load %arg5[%swap3A_124, %swap3A_125] {strides = array<i32>} : memref<128x128xf32, #tpu.memory_space<vmem>>, vector<1x16xf32>,
      %swap3A_127 = vector.shape_cast %swap3A_126 : vector<1x16xf32> to vector<16xf32>
      %swap3A_128 = vector.shape_cast %broadcast_in_dim3A_123 : vector<16xf32> to vector<1x16xf32>
      tpu.vector_store %arg5[%swap3A_124, %swap3A_125], %swap3A_128 {strides = array<i32>} : memref<128x128xf32, #tpu.memory_space<vmem>>, vector<1x16xf32>,
      %broadcast_in_dim3A_129 = arith.constant 0.000000e+00 : f32
      %broadcast_in_dim3A_130 = vector.broadcast %broadcast_in_dim3A_129 : f32 to vector<16xf32>
      %swap3A_131 = arith.index_cast %scan3A_108 : i32 to index
      %swap3A_132 = arith.constant 48 : index
      %swap3A_133 = tpu.vector_load %arg5[%swap3A_131, %swap3A_132] {strides = array<i32>} : memref<128x128xf32, #tpu.memory_space<vmem>>, vector<1x16xf32>,
      %swap3A_134 = vector.shape_cast %swap3A_133 : vector<1x16xf32> to vector<16xf32>
      %swap3A_135 = vector.shape_cast %broadcast_in_dim3A_130 : vector<16xf32> to vector<1x16xf32>
      tpu.vector_store %arg5[%swap3A_131, %swap3A_132], %swap3A_135 {strides = array<i32>} : memref<128x128xf32, #tpu.memory_space<vmem>>, vector<1x16xf32>,
      %broadcast_in_dim3A_136 = arith.constant 0.000000e+00 : f32
      %broadcast_in_dim3A_137 = vector.broadcast %broadcast_in_dim3A_136 : f32 to vector<16xf32>
      %swap3A_138 = arith.index_cast %scan3A_108 : i32 to index
      %swap3A_139 = arith.constant 64 : index
      %swap3A_140 = tpu.vector_load %arg5[%swap3A_138, %swap3A_139] {strides = array<i32>} : memref<128x128xf32, #tpu.memory_space<vmem>>, vector<1x16xf32>,
      %swap3A_141 = vector.shape_cast %swap3A_140 : vector<1x16xf32> to vector<16xf32>
      %swap3A_142 = vector.shape_cast %broadcast_in_dim3A_137 : vector<16xf32> to vector<1x16xf32>
      tpu.vector_store %arg5[%swap3A_138, %swap3A_139], %swap3A_142 {strides = array<i32>} : memref<128x128xf32, #tpu.memory_space<vmem>>, vector<1x16xf32>,
      %broadcast_in_dim3A_143 = arith.constant 0.000000e+00 : f32
      %broadcast_in_dim3A_144 = vector.broadcast %broadcast_in_dim3A_143 : f32 to vector<16xf32>
      %swap3A_145 = arith.index_cast %scan3A_108 : i32 to index
      %swap3A_146 = arith.constant 80 : index
      %swap3A_147 = tpu.vector_load %arg5[%swap3A_145, %swap3A_146] {strides = array<i32>} : memref<128x128xf32, #tpu.memory_space<vmem>>, vector<1x16xf32>,
      %swap3A_148 = vector.shape_cast %swap3A_147 : vector<1x16xf32> to vector<16xf32>
      %swap3A_149 = vector.shape_cast %broadcast_in_dim3A_144 : vector<16xf32> to vector<1x16xf32>
      tpu.vector_store %arg5[%swap3A_145, %swap3A_146], %swap3A_149 {strides = array<i32>} : memref<128x128xf32, #tpu.memory_space<vmem>>, vector<1x16xf32>,
      %broadcast_in_dim3A_150 = arith.constant 0.000000e+00 : f32
      %broadcast_in_dim3A_151 = vector.broadcast %broadcast_in_dim3A_150 : f32 to vector<16xf32>
      %swap3A_152 = arith.index_cast %scan3A_108 : i32 to index
      %swap3A_153 = arith.constant 96 : index
      %swap3A_154 = tpu.vector_load %arg5[%swap3A_152, %swap3A_153] {strides = array<i32>} : memref<128x128xf32, #tpu.memory_space<vmem>>, vector<1x16xf32>,
      %swap3A_155 = vector.shape_cast %swap3A_154 : vector<1x16xf32> to vector<16xf32>
      %swap3A_156 = vector.shape_cast %broadcast_in_dim3A_151 : vector<16xf32> to vector<1x16xf32>
      tpu.vector_store %arg5[%swap3A_152, %swap3A_153], %swap3A_156 {strides = array<i32>} : memref<128x128xf32, #tpu.memory_space<vmem>>, vector<1x16xf32>,
      %broadcast_in_dim3A_157 = arith.constant 0.000000e+00 : f32
      %broadcast_in_dim3A_158 = vector.broadcast %broadcast_in_dim3A_157 : f32 to vector<16xf32>
      %swap3A_159 = arith.index_cast %scan3A_108 : i32 to index
      %swap3A_160 = arith.constant 112 : index
      %swap3A_161 = tpu.vector_load %arg5[%swap3A_159, %swap3A_160] {strides = array<i32>} : memref<128x128xf32, #tpu.memory_space<vmem>>, vector<1x16xf32>,
      %swap3A_162 = vector.shape_cast %swap3A_161 : vector<1x16xf32> to vector<16xf32>
      %swap3A_163 = vector.shape_cast %broadcast_in_dim3A_158 : vector<16xf32> to vector<1x16xf32>
      tpu.vector_store %arg5[%swap3A_159, %swap3A_160], %swap3A_163 {strides = array<i32>} : memref<128x128xf32, #tpu.memory_space<vmem>>, vector<1x16xf32>,
      %scan3A_164 = arith.constant 0 : i32
      scf.yield %scan3A_164 : i32
    }
    %scan3A_6 = arith.constant 128 : i32
    %mul3A_7 = arith.constant 640 : i32
    %mul3A_8 = arith.muli %arg1, %mul3A_7 : i32
    %add3A_9 = arith.constant 0 : i32
    %add3A_10 = arith.addi %mul3A_8, %add3A_9 : i32
    "tpu.region"() ({
      %run_scoped3A_108 = tpu.sem_alloc : memref<!tpu.dma_semaphore, #tpu.memory_space<semaphore_mem>>
      %dma_start3A_109 = arith.constant 0 : i32
      %dma_start3A_110 = tpu.memref_slice %arg6[%add3A_10, %dma_start3A_109] : memref<10240x128xf32, #tpu.memory_space<vmem_shared>> -> memref<128x128xf32, #tpu.memory_space<vmem_shared>>
      %dma_start3A_111 = arith.constant 0 : i32
      %dma_start3A_112 = tpu.memref_slice %arg6[%add3A_10, %dma_start3A_111] : memref<10240x128xf32, #tpu.memory_space<vmem_shared>> -> memref<128x128xf32, #tpu.memory_space<vmem_shared>>
      tpu.enqueue_dma source(%arg5 : memref<128x128xf32, #tpu.memory_space<vmem>>) target(%dma_start3A_112 : memref<128x128xf32, #tpu.memory_space<vmem_shared>>) target_semaphore(%run_scoped3A_108 : memref<!tpu.dma_semaphore, #tpu.memory_space<semaphore_mem>>)
      %dma_wait3A_113 = arith.constant 0 : i32
      %dma_wait3A_114 = tpu.memref_slice %arg6[%add3A_10, %dma_wait3A_113] : memref<10240x128xf32, #tpu.memory_space<vmem_shared>> -> memref<128x128xf32, #tpu.memory_space<vmem_shared>>
      %dma_wait3A_115 = arith.constant 0 : i32
      %dma_wait3A_116 = tpu.memref_slice %arg6[%add3A_10, %dma_wait3A_115] : memref<10240x128xf32, #tpu.memory_space<vmem_shared>> -> memref<128x128xf32, #tpu.memory_space<vmem_shared>>
      tpu.wait_dma2 semaphore(%run_scoped3A_108 : memref<!tpu.dma_semaphore, #tpu.memory_space<semaphore_mem>>) src(%arg5 : memref<128x128xf32, #tpu.memory_space<vmem>>) dst(%dma_wait3A_116 : memref<128x128xf32, #tpu.memory_space<vmem_shared>>)
      tpu.yield
    }) : () -> ()
    %mul3A_11 = arith.constant 640 : i32
    %mul3A_12 = arith.muli %arg1, %mul3A_11 : i32
    %add3A_13 = arith.constant 128 : i32
    %add3A_14 = arith.addi %mul3A_12, %add3A_13 : i32
    "tpu.region"() ({
      %run_scoped3A_108 = tpu.sem_alloc : memref<!tpu.dma_semaphore, #tpu.memory_space<semaphore_mem>>
      %dma_start3A_109 = arith.constant 0 : i32
      %dma_start3A_110 = tpu.memref_slice %arg6[%add3A_14, %dma_start3A_109] : memref<10240x128xf32, #tpu.memory_space<vmem_shared>> -> memref<128x128xf32, #tpu.memory_space<vmem_shared>>
      %dma_start3A_111 = arith.constant 0 : i32
      %dma_start3A_112 = tpu.memref_slice %arg6[%add3A_14, %dma_start3A_111] : memref<10240x128xf32, #tpu.memory_space<vmem_shared>> -> memref<128x128xf32, #tpu.memory_space<vmem_shared>>
      tpu.enqueue_dma source(%arg5 : memref<128x128xf32, #tpu.memory_space<vmem>>) target(%dma_start3A_112 : memref<128x128xf32, #tpu.memory_space<vmem_shared>>) target_semaphore(%run_scoped3A_108 : memref<!tpu.dma_semaphore, #tpu.memory_space<semaphore_mem>>)
      %dma_wait3A_113 = arith.constant 0 : i32
      %dma_wait3A_114 = tpu.memref_slice %arg6[%add3A_14, %dma_wait3A_113] : memref<10240x128xf32, #tpu.memory_space<vmem_shared>> -> memref<128x128xf32, #tpu.memory_space<vmem_shared>>
      %dma_wait3A_115 = arith.constant 0 : i32
      %dma_wait3A_116 = tpu.memref_slice %arg6[%add3A_14, %dma_wait3A_115] : memref<10240x128xf32, #tpu.memory_space<vmem_shared>> -> memref<128x128xf32, #tpu.memory_space<vmem_shared>>
      tpu.wait_dma2 semaphore(%run_scoped3A_108 : memref<!tpu.dma_semaphore, #tpu.memory_space<semaphore_mem>>) src(%arg5 : memref<128x128xf32, #tpu.memory_space<vmem>>) dst(%dma_wait3A_116 : memref<128x128xf32, #tpu.memory_space<vmem_shared>>)
      tpu.yield
    }) : () -> ()
    %mul3A_15 = arith.constant 640 : i32
    %mul3A_16 = arith.muli %arg1, %mul3A_15 : i32
    %add3A_17 = arith.constant 256 : i32
    %add3A_18 = arith.addi %mul3A_16, %add3A_17 : i32
    "tpu.region"() ({
      %run_scoped3A_108 = tpu.sem_alloc : memref<!tpu.dma_semaphore, #tpu.memory_space<semaphore_mem>>
      %dma_start3A_109 = arith.constant 0 : i32
      %dma_start3A_110 = tpu.memref_slice %arg6[%add3A_18, %dma_start3A_109] : memref<10240x128xf32, #tpu.memory_space<vmem_shared>> -> memref<128x128xf32, #tpu.memory_space<vmem_shared>>
      %dma_start3A_111 = arith.constant 0 : i32
      %dma_start3A_112 = tpu.memref_slice %arg6[%add3A_18, %dma_start3A_111] : memref<10240x128xf32, #tpu.memory_space<vmem_shared>> -> memref<128x128xf32, #tpu.memory_space<vmem_shared>>
      tpu.enqueue_dma source(%arg5 : memref<128x128xf32, #tpu.memory_space<vmem>>) target(%dma_start3A_112 : memref<128x128xf32, #tpu.memory_space<vmem_shared>>) target_semaphore(%run_scoped3A_108 : memref<!tpu.dma_semaphore, #tpu.memory_space<semaphore_mem>>)
      %dma_wait3A_113 = arith.constant 0 : i32
      %dma_wait3A_114 = tpu.memref_slice %arg6[%add3A_18, %dma_wait3A_113] : memref<10240x128xf32, #tpu.memory_space<vmem_shared>> -> memref<128x128xf32, #tpu.memory_space<vmem_shared>>
      %dma_wait3A_115 = arith.constant 0 : i32
      %dma_wait3A_116 = tpu.memref_slice %arg6[%add3A_18, %dma_wait3A_115] : memref<10240x128xf32, #tpu.memory_space<vmem_shared>> -> memref<128x128xf32, #tpu.memory_space<vmem_shared>>
      tpu.wait_dma2 semaphore(%run_scoped3A_108 : memref<!tpu.dma_semaphore, #tpu.memory_space<semaphore_mem>>) src(%arg5 : memref<128x128xf32, #tpu.memory_space<vmem>>) dst(%dma_wait3A_116 : memref<128x128xf32, #tpu.memory_space<vmem_shared>>)
      tpu.yield
    }) : () -> ()
    %mul3A_19 = arith.constant 640 : i32
    %mul3A_20 = arith.muli %arg1, %mul3A_19 : i32
    %add3A_21 = arith.constant 384 : i32
    %add3A_22 = arith.addi %mul3A_20, %add3A_21 : i32
    "tpu.region"() ({
      %run_scoped3A_108 = tpu.sem_alloc : memref<!tpu.dma_semaphore, #tpu.memory_space<semaphore_mem>>
      %dma_start3A_109 = arith.constant 0 : i32
      %dma_start3A_110 = tpu.memref_slice %arg6[%add3A_22, %dma_start3A_109] : memref<10240x128xf32, #tpu.memory_space<vmem_shared>> -> memref<128x128xf32, #tpu.memory_space<vmem_shared>>
      %dma_start3A_111 = arith.constant 0 : i32
      %dma_start3A_112 = tpu.memref_slice %arg6[%add3A_22, %dma_start3A_111] : memref<10240x128xf32, #tpu.memory_space<vmem_shared>> -> memref<128x128xf32, #tpu.memory_space<vmem_shared>>
      tpu.enqueue_dma source(%arg5 : memref<128x128xf32, #tpu.memory_space<vmem>>) target(%dma_start3A_112 : memref<128x128xf32, #tpu.memory_space<vmem_shared>>) target_semaphore(%run_scoped3A_108 : memref<!tpu.dma_semaphore, #tpu.memory_space<semaphore_mem>>)
      %dma_wait3A_113 = arith.constant 0 : i32
      %dma_wait3A_114 = tpu.memref_slice %arg6[%add3A_22, %dma_wait3A_113] : memref<10240x128xf32, #tpu.memory_space<vmem_shared>> -> memref<128x128xf32, #tpu.memory_space<vmem_shared>>
      %dma_wait3A_115 = arith.constant 0 : i32
      %dma_wait3A_116 = tpu.memref_slice %arg6[%add3A_22, %dma_wait3A_115] : memref<10240x128xf32, #tpu.memory_space<vmem_shared>> -> memref<128x128xf32, #tpu.memory_space<vmem_shared>>
      tpu.wait_dma2 semaphore(%run_scoped3A_108 : memref<!tpu.dma_semaphore, #tpu.memory_space<semaphore_mem>>) src(%arg5 : memref<128x128xf32, #tpu.memory_space<vmem>>) dst(%dma_wait3A_116 : memref<128x128xf32, #tpu.memory_space<vmem_shared>>)
      tpu.yield
    }) : () -> ()
    %mul3A_23 = arith.constant 640 : i32
    %mul3A_24 = arith.muli %arg1, %mul3A_23 : i32
    %add3A_25 = arith.constant 512 : i32
    %add3A_26 = arith.addi %mul3A_24, %add3A_25 : i32
    "tpu.region"() ({
      %run_scoped3A_108 = tpu.sem_alloc : memref<!tpu.dma_semaphore, #tpu.memory_space<semaphore_mem>>
      %dma_start3A_109 = arith.constant 0 : i32
      %dma_start3A_110 = tpu.memref_slice %arg6[%add3A_26, %dma_start3A_109] : memref<10240x128xf32, #tpu.memory_space<vmem_shared>> -> memref<128x128xf32, #tpu.memory_space<vmem_shared>>
      %dma_start3A_111 = arith.constant 0 : i32
      %dma_start3A_112 = tpu.memref_slice %arg6[%add3A_26, %dma_start3A_111] : memref<10240x128xf32, #tpu.memory_space<vmem_shared>> -> memref<128x128xf32, #tpu.memory_space<vmem_shared>>
      tpu.enqueue_dma source(%arg5 : memref<128x128xf32, #tpu.memory_space<vmem>>) target(%dma_start3A_112 : memref<128x128xf32, #tpu.memory_space<vmem_shared>>) target_semaphore(%run_scoped3A_108 : memref<!tpu.dma_semaphore, #tpu.memory_space<semaphore_mem>>)
      %dma_wait3A_113 = arith.constant 0 : i32
      %dma_wait3A_114 = tpu.memref_slice %arg6[%add3A_26, %dma_wait3A_113] : memref<10240x128xf32, #tpu.memory_space<vmem_shared>> -> memref<128x128xf32, #tpu.memory_space<vmem_shared>>
      %dma_wait3A_115 = arith.constant 0 : i32
      %dma_wait3A_116 = tpu.memref_slice %arg6[%add3A_26, %dma_wait3A_115] : memref<10240x128xf32, #tpu.memory_space<vmem_shared>> -> memref<128x128xf32, #tpu.memory_space<vmem_shared>>
      tpu.wait_dma2 semaphore(%run_scoped3A_108 : memref<!tpu.dma_semaphore, #tpu.memory_space<semaphore_mem>>) src(%arg5 : memref<128x128xf32, #tpu.memory_space<vmem>>) dst(%dma_wait3A_116 : memref<128x128xf32, #tpu.memory_space<vmem_shared>>)
      tpu.yield
    }) : () -> ()
    %scan3A_27 = arith.constant 0 : i32
    %scan3A_28 = arith.constant 0 : i32
    %scan3A_29 = arith.constant 128 : i32
    %scan3A_30 = arith.addi %scan3A_28, %scan3A_29 : i32
    %scan3A_31 = arith.constant 1 : i32
    %scan3A_32 = scf.for %scan3A_108 = %scan3A_28 to %scan3A_30 step %scan3A_31 iter_args(%scan3A_109 = %scan3A_27) -> (i32)  : i32 {
      %broadcast_in_dim3A = arith.constant 1.000000e+00 : f32
      %broadcast_in_dim3A_110 = vector.broadcast %broadcast_in_dim3A : f32 to vector<16xf32>
      %swap3A = arith.index_cast %scan3A_108 : i32 to index
      %swap3A_111 = arith.constant 0 : index
      %swap3A_112 = tpu.vector_load %arg5[%swap3A, %swap3A_111] {strides = array<i32>} : memref<128x128xf32, #tpu.memory_space<vmem>>, vector<1x16xf32>,
      %swap3A_113 = vector.shape_cast %swap3A_112 : vector<1x16xf32> to vector<16xf32>
      %swap3A_114 = vector.shape_cast %broadcast_in_dim3A_110 : vector<16xf32> to vector<1x16xf32>
      tpu.vector_store %arg5[%swap3A, %swap3A_111], %swap3A_114 {strides = array<i32>} : memref<128x128xf32, #tpu.memory_space<vmem>>, vector<1x16xf32>,
      %broadcast_in_dim3A_115 = arith.constant 1.000000e+00 : f32
      %broadcast_in_dim3A_116 = vector.broadcast %broadcast_in_dim3A_115 : f32 to vector<16xf32>
      %swap3A_117 = arith.index_cast %scan3A_108 : i32 to index
      %swap3A_118 = arith.constant 16 : index
      %swap3A_119 = tpu.vector_load %arg5[%swap3A_117, %swap3A_118] {strides = array<i32>} : memref<128x128xf32, #tpu.memory_space<vmem>>, vector<1x16xf32>,
      %swap3A_120 = vector.shape_cast %swap3A_119 : vector<1x16xf32> to vector<16xf32>
      %swap3A_121 = vector.shape_cast %broadcast_in_dim3A_116 : vector<16xf32> to vector<1x16xf32>
      tpu.vector_store %arg5[%swap3A_117, %swap3A_118], %swap3A_121 {strides = array<i32>} : memref<128x128xf32, #tpu.memory_space<vmem>>, vector<1x16xf32>,
      %broadcast_in_dim3A_122 = arith.constant 1.000000e+00 : f32
      %broadcast_in_dim3A_123 = vector.broadcast %broadcast_in_dim3A_122 : f32 to vector<16xf32>
      %swap3A_124 = arith.index_cast %scan3A_108 : i32 to index
      %swap3A_125 = arith.constant 32 : index
      %swap3A_126 = tpu.vector_load %arg5[%swap3A_124, %swap3A_125] {strides = array<i32>} : memref<128x128xf32, #tpu.memory_space<vmem>>, vector<1x16xf32>,
      %swap3A_127 = vector.shape_cast %swap3A_126 : vector<1x16xf32> to vector<16xf32>
      %swap3A_128 = vector.shape_cast %broadcast_in_dim3A_123 : vector<16xf32> to vector<1x16xf32>
      tpu.vector_store %arg5[%swap3A_124, %swap3A_125], %swap3A_128 {strides = array<i32>} : memref<128x128xf32, #tpu.memory_space<vmem>>, vector<1x16xf32>,
      %broadcast_in_dim3A_129 = arith.constant 1.000000e+00 : f32
      %broadcast_in_dim3A_130 = vector.broadcast %broadcast_in_dim3A_129 : f32 to vector<16xf32>
      %swap3A_131 = arith.index_cast %scan3A_108 : i32 to index
      %swap3A_132 = arith.constant 48 : index
      %swap3A_133 = tpu.vector_load %arg5[%swap3A_131, %swap3A_132] {strides = array<i32>} : memref<128x128xf32, #tpu.memory_space<vmem>>, vector<1x16xf32>,
      %swap3A_134 = vector.shape_cast %swap3A_133 : vector<1x16xf32> to vector<16xf32>
      %swap3A_135 = vector.shape_cast %broadcast_in_dim3A_130 : vector<16xf32> to vector<1x16xf32>
      tpu.vector_store %arg5[%swap3A_131, %swap3A_132], %swap3A_135 {strides = array<i32>} : memref<128x128xf32, #tpu.memory_space<vmem>>, vector<1x16xf32>,
      %broadcast_in_dim3A_136 = arith.constant 1.000000e+00 : f32
      %broadcast_in_dim3A_137 = vector.broadcast %broadcast_in_dim3A_136 : f32 to vector<16xf32>
      %swap3A_138 = arith.index_cast %scan3A_108 : i32 to index
      %swap3A_139 = arith.constant 64 : index
      %swap3A_140 = tpu.vector_load %arg5[%swap3A_138, %swap3A_139] {strides = array<i32>} : memref<128x128xf32, #tpu.memory_space<vmem>>, vector<1x16xf32>,
      %swap3A_141 = vector.shape_cast %swap3A_140 : vector<1x16xf32> to vector<16xf32>
      %swap3A_142 = vector.shape_cast %broadcast_in_dim3A_137 : vector<16xf32> to vector<1x16xf32>
      tpu.vector_store %arg5[%swap3A_138, %swap3A_139], %swap3A_142 {strides = array<i32>} : memref<128x128xf32, #tpu.memory_space<vmem>>, vector<1x16xf32>,
      %broadcast_in_dim3A_143 = arith.constant 1.000000e+00 : f32
      %broadcast_in_dim3A_144 = vector.broadcast %broadcast_in_dim3A_143 : f32 to vector<16xf32>
      %swap3A_145 = arith.index_cast %scan3A_108 : i32 to index
      %swap3A_146 = arith.constant 80 : index
      %swap3A_147 = tpu.vector_load %arg5[%swap3A_145, %swap3A_146] {strides = array<i32>} : memref<128x128xf32, #tpu.memory_space<vmem>>, vector<1x16xf32>,
      %swap3A_148 = vector.shape_cast %swap3A_147 : vector<1x16xf32> to vector<16xf32>
      %swap3A_149 = vector.shape_cast %broadcast_in_dim3A_144 : vector<16xf32> to vector<1x16xf32>
      tpu.vector_store %arg5[%swap3A_145, %swap3A_146], %swap3A_149 {strides = array<i32>} : memref<128x128xf32, #tpu.memory_space<vmem>>, vector<1x16xf32>,
      %broadcast_in_dim3A_150 = arith.constant 1.000000e+00 : f32
      %broadcast_in_dim3A_151 = vector.broadcast %broadcast_in_dim3A_150 : f32 to vector<16xf32>
      %swap3A_152 = arith.index_cast %scan3A_108 : i32 to index
      %swap3A_153 = arith.constant 96 : index
      %swap3A_154 = tpu.vector_load %arg5[%swap3A_152, %swap3A_153] {strides = array<i32>} : memref<128x128xf32, #tpu.memory_space<vmem>>, vector<1x16xf32>,
      %swap3A_155 = vector.shape_cast %swap3A_154 : vector<1x16xf32> to vector<16xf32>
      %swap3A_156 = vector.shape_cast %broadcast_in_dim3A_151 : vector<16xf32> to vector<1x16xf32>
      tpu.vector_store %arg5[%swap3A_152, %swap3A_153], %swap3A_156 {strides = array<i32>} : memref<128x128xf32, #tpu.memory_space<vmem>>, vector<1x16xf32>,
      %broadcast_in_dim3A_157 = arith.constant 1.000000e+00 : f32
      %broadcast_in_dim3A_158 = vector.broadcast %broadcast_in_dim3A_157 : f32 to vector<16xf32>
      %swap3A_159 = arith.index_cast %scan3A_108 : i32 to index
      %swap3A_160 = arith.constant 112 : index
      %swap3A_161 = tpu.vector_load %arg5[%swap3A_159, %swap3A_160] {strides = array<i32>} : memref<128x128xf32, #tpu.memory_space<vmem>>, vector<1x16xf32>,
      %swap3A_162 = vector.shape_cast %swap3A_161 : vector<1x16xf32> to vector<16xf32>
      %swap3A_163 = vector.shape_cast %broadcast_in_dim3A_158 : vector<16xf32> to vector<1x16xf32>
      tpu.vector_store %arg5[%swap3A_159, %swap3A_160], %swap3A_163 {strides = array<i32>} : memref<128x128xf32, #tpu.memory_space<vmem>>, vector<1x16xf32>,
      %scan3A_164 = arith.constant 0 : i32
      scf.yield %scan3A_164 : i32
    }
    %scan3A_33 = arith.constant 128 : i32
    %barrier3A = arith.constant 0 : index
    tpu.barrier barrier_id(%barrier3A)
    %run_scoped3A = arith.constant 0 : i32
    "tpu.region"() ({
      %run_scoped3A_108 = tpu.sem_alloc : memref<!tpu.dma_semaphore, #tpu.memory_space<semaphore_mem>>
      %dma_start3A_109 = arith.constant 0 : i32
      %dma_start3A_110 = arith.constant 0 : i32
      %dma_start3A_111 = tpu.memref_slice %arg2[%add3A, %run_scoped3A, %dma_start3A_109, %dma_start3A_110] : memref<32x2x40x128xi32, #tpu.memory_space<hbm>> -> memref<1x1x40x128xi32, #tpu.memory_space<hbm>>
      %dma_start3A_112 = tpu.memref_squeeze %dma_start3A_111 : memref<1x1x40x128xi32, #tpu.memory_space<hbm>> -> memref<40x128xi32, #tpu.memory_space<hbm>>
      %dma_start3A_113 = arith.constant 0 : i32
      %dma_start3A_114 = arith.constant 0 : i32
      %dma_start3A_115 = tpu.memref_slice %arg2[%add3A, %run_scoped3A, %dma_start3A_113, %dma_start3A_114] : memref<32x2x40x128xi32, #tpu.memory_space<hbm>> -> memref<1x1x40x128xi32, #tpu.memory_space<hbm>>
      %dma_start3A_116 = tpu.memref_squeeze %dma_start3A_115 : memref<1x1x40x128xi32, #tpu.memory_space<hbm>> -> memref<40x128xi32, #tpu.memory_space<hbm>>
      tpu.enqueue_dma source(%dma_start3A_116 : memref<40x128xi32, #tpu.memory_space<hbm>>) target(%arg4 : memref<40x128xi32, #tpu.memory_space<vmem>>) target_semaphore(%run_scoped3A_108 : memref<!tpu.dma_semaphore, #tpu.memory_space<semaphore_mem>>)
      %dma_wait3A_117 = arith.constant 0 : i32
      %dma_wait3A_118 = arith.constant 0 : i32
      %dma_wait3A_119 = tpu.memref_slice %arg2[%add3A, %run_scoped3A, %dma_wait3A_117, %dma_wait3A_118] : memref<32x2x40x128xi32, #tpu.memory_space<hbm>> -> memref<1x1x40x128xi32, #tpu.memory_space<hbm>>
      %dma_wait3A_120 = tpu.memref_squeeze %dma_wait3A_119 : memref<1x1x40x128xi32, #tpu.memory_space<hbm>> -> memref<40x128xi32, #tpu.memory_space<hbm>>
      %dma_wait3A_121 = arith.constant 0 : i32
      %dma_wait3A_122 = arith.constant 0 : i32
      %dma_wait3A_123 = tpu.memref_slice %arg2[%add3A, %run_scoped3A, %dma_wait3A_121, %dma_wait3A_122] : memref<32x2x40x128xi32, #tpu.memory_space<hbm>> -> memref<1x1x40x128xi32, #tpu.memory_space<hbm>>
      %dma_wait3A_124 = tpu.memref_squeeze %dma_wait3A_123 : memref<1x1x40x128xi32, #tpu.memory_space<hbm>> -> memref<40x128xi32, #tpu.memory_space<hbm>>
      tpu.wait_dma2 semaphore(%run_scoped3A_108 : memref<!tpu.dma_semaphore, #tpu.memory_space<semaphore_mem>>) src(%dma_wait3A_124 : memref<40x128xi32, #tpu.memory_space<hbm>>) dst(%arg4 : memref<40x128xi32, #tpu.memory_space<vmem>>)
      tpu.yield
    }) : () -> ()
    %dma_start3A = arith.constant 0 : i32
    %dma_start3A_34 = arith.constant 0 : i32
    %dma_start3A_35 = tpu.memref_slice %arg4[%dma_start3A, %dma_start3A_34] : memref<40x128xi32, #tpu.memory_space<vmem>> -> memref<1x128xi32, #tpu.memory_space<vmem>>
    %dma_start3A_36 = tpu.memref_squeeze %dma_start3A_35 : memref<1x128xi32, #tpu.memory_space<vmem>> -> memref<128xi32, #tpu.memory_space<vmem>>
    %dma_start3A_37 = arith.constant 0 : i32
    %dma_start3A_38 = arith.constant 0 : i32
    %dma_start3A_39 = tpu.memref_slice %arg6[%dma_start3A_37, %dma_start3A_38] : memref<10240x128xf32, #tpu.memory_space<vmem_shared>> -> memref<10240x128xf32, #tpu.memory_space<vmem_shared>>
    tpu.enqueue_indirect_dma source(%arg5 : memref<128x128xf32, #tpu.memory_space<vmem>>) target(%dma_start3A_39 : memref<10240x128xf32, #tpu.memory_space<vmem_shared>>) offsets(%dma_start3A_36 : memref<128xi32, #tpu.memory_space<vmem>>) semaphore(%arg7 : memref<!tpu.dma_semaphore, #tpu.memory_space<semaphore_mem>>) {add = true}
    %dma_start3A_40 = arith.constant 1 : i32
    %dma_start3A_41 = arith.constant 0 : i32
    %dma_start3A_42 = tpu.memref_slice %arg4[%dma_start3A_40, %dma_start3A_41] : memref<40x128xi32, #tpu.memory_space<vmem>> -> memref<1x128xi32, #tpu.memory_space<vmem>>
    %dma_start3A_43 = tpu.memref_squeeze %dma_start3A_42 : memref<1x128xi32, #tpu.memory_space<vmem>> -> memref<128xi32, #tpu.memory_space<vmem>>
    %dma_start3A_44 = arith.constant 0 : i32
    %dma_start3A_45 = arith.constant 0 : i32
    %dma_start3A_46 = tpu.memref_slice %arg6[%dma_start3A_44, %dma_start3A_45] : memref<10240x128xf32, #tpu.memory_space<vmem_shared>> -> memref<10240x128xf32, #tpu.memory_space<vmem_shared>>
    tpu.enqueue_indirect_dma source(%arg5 : memref<128x128xf32, #tpu.memory_space<vmem>>) target(%dma_start3A_46 : memref<10240x128xf32, #tpu.memory_space<vmem_shared>>) offsets(%dma_start3A_43 : memref<128xi32, #tpu.memory_space<vmem>>) semaphore(%arg7 : memref<!tpu.dma_semaphore, #tpu.memory_space<semaphore_mem>>) {add = true}
    %scan3A_47 = arith.constant 0 : i32
    %scan3A_48 = arith.constant 0 : i32
    %scan3A_49 = arith.constant 38 : i32
    %scan3A_50 = arith.addi %scan3A_48, %scan3A_49 : i32
    %scan3A_51 = arith.constant 1 : i32
    %scan3A_52 = scf.for %scan3A_108 = %scan3A_48 to %scan3A_50 step %scan3A_51 iter_args(%scan3A_109 = %scan3A_47) -> (i32)  : i32 {
      %add3A_110 = arith.constant 2 : i32
      %add3A_111 = arith.addi %scan3A_108, %add3A_110 : i32
      %dma_start3A_112 = arith.constant 0 : i32
      %dma_start3A_113 = tpu.memref_slice %arg4[%add3A_111, %dma_start3A_112] : memref<40x128xi32, #tpu.memory_space<vmem>> -> memref<1x128xi32, #tpu.memory_space<vmem>>
      %dma_start3A_114 = tpu.memref_squeeze %dma_start3A_113 : memref<1x128xi32, #tpu.memory_space<vmem>> -> memref<128xi32, #tpu.memory_space<vmem>>
      %dma_start3A_115 = arith.constant 0 : i32
      %dma_start3A_116 = arith.constant 0 : i32
      %dma_start3A_117 = tpu.memref_slice %arg6[%dma_start3A_115, %dma_start3A_116] : memref<10240x128xf32, #tpu.memory_space<vmem_shared>> -> memref<10240x128xf32, #tpu.memory_space<vmem_shared>>
      tpu.enqueue_indirect_dma source(%arg5 : memref<128x128xf32, #tpu.memory_space<vmem>>) target(%dma_start3A_117 : memref<10240x128xf32, #tpu.memory_space<vmem_shared>>) offsets(%dma_start3A_114 : memref<128xi32, #tpu.memory_space<vmem>>) semaphore(%arg7 : memref<!tpu.dma_semaphore, #tpu.memory_space<semaphore_mem>>) {add = true}
      %dma_wait3A_118 = arith.constant 0 : i32
      %dma_wait3A_119 = tpu.memref_slice %arg4[%scan3A_108, %dma_wait3A_118] : memref<40x128xi32, #tpu.memory_space<vmem>> -> memref<1x128xi32, #tpu.memory_space<vmem>>
      %dma_wait3A_120 = tpu.memref_squeeze %dma_wait3A_119 : memref<1x128xi32, #tpu.memory_space<vmem>> -> memref<128xi32, #tpu.memory_space<vmem>>
      %dma_wait3A_121 = arith.constant 0 : i32
      %dma_wait3A_122 = arith.constant 0 : i32
      %dma_wait3A_123 = tpu.memref_slice %arg6[%dma_wait3A_121, %dma_wait3A_122] : memref<10240x128xf32, #tpu.memory_space<vmem_shared>> -> memref<10240x128xf32, #tpu.memory_space<vmem_shared>>
      tpu.wait_indirect_dma semaphore(%arg7 : memref<!tpu.dma_semaphore, #tpu.memory_space<semaphore_mem>>) src(%arg5 : memref<128x128xf32, #tpu.memory_space<vmem>>) dst(%dma_wait3A_123 : memref<10240x128xf32, #tpu.memory_space<vmem_shared>>)
      %scan3A_124 = arith.constant 0 : i32
      scf.yield %scan3A_124 : i32
    }
    %scan3A_53 = arith.constant 38 : i32
    %dma_wait3A = arith.constant 38 : i32
    %dma_wait3A_54 = arith.constant 0 : i32
    %dma_wait3A_55 = tpu.memref_slice %arg4[%dma_wait3A, %dma_wait3A_54] : memref<40x128xi32, #tpu.memory_space<vmem>> -> memref<1x128xi32, #tpu.memory_space<vmem>>
    %dma_wait3A_56 = tpu.memref_squeeze %dma_wait3A_55 : memref<1x128xi32, #tpu.memory_space<vmem>> -> memref<128xi32, #tpu.memory_space<vmem>>
    %dma_wait3A_57 = arith.constant 0 : i32
    %dma_wait3A_58 = arith.constant 0 : i32
    %dma_wait3A_59 = tpu.memref_slice %arg6[%dma_wait3A_57, %dma_wait3A_58] : memref<10240x128xf32, #tpu.memory_space<vmem_shared>> -> memref<10240x128xf32, #tpu.memory_space<vmem_shared>>
    tpu.wait_indirect_dma semaphore(%arg7 : memref<!tpu.dma_semaphore, #tpu.memory_space<semaphore_mem>>) src(%arg5 : memref<128x128xf32, #tpu.memory_space<vmem>>) dst(%dma_wait3A_59 : memref<10240x128xf32, #tpu.memory_space<vmem_shared>>)
    %dma_wait3A_60 = arith.constant 39 : i32
    %dma_wait3A_61 = arith.constant 0 : i32
    %dma_wait3A_62 = tpu.memref_slice %arg4[%dma_wait3A_60, %dma_wait3A_61] : memref<40x128xi32, #tpu.memory_space<vmem>> -> memref<1x128xi32, #tpu.memory_space<vmem>>
    %dma_wait3A_63 = tpu.memref_squeeze %dma_wait3A_62 : memref<1x128xi32, #tpu.memory_space<vmem>> -> memref<128xi32, #tpu.memory_space<vmem>>
    %dma_wait3A_64 = arith.constant 0 : i32
    %dma_wait3A_65 = arith.constant 0 : i32
    %dma_wait3A_66 = tpu.memref_slice %arg6[%dma_wait3A_64, %dma_wait3A_65] : memref<10240x128xf32, #tpu.memory_space<vmem_shared>> -> memref<10240x128xf32, #tpu.memory_space<vmem_shared>>
    tpu.wait_indirect_dma semaphore(%arg7 : memref<!tpu.dma_semaphore, #tpu.memory_space<semaphore_mem>>) src(%arg5 : memref<128x128xf32, #tpu.memory_space<vmem>>) dst(%dma_wait3A_66 : memref<10240x128xf32, #tpu.memory_space<vmem_shared>>)
    %run_scoped3A_67 = arith.constant 1 : i32
    "tpu.region"() ({
      %run_scoped3A_108 = tpu.sem_alloc : memref<!tpu.dma_semaphore, #tpu.memory_space<semaphore_mem>>
      %dma_start3A_109 = arith.constant 0 : i32
      %dma_start3A_110 = arith.constant 0 : i32
      %dma_start3A_111 = tpu.memref_slice %arg2[%add3A, %run_scoped3A_67, %dma_start3A_109, %dma_start3A_110] : memref<32x2x40x128xi32, #tpu.memory_space<hbm>> -> memref<1x1x40x128xi32, #tpu.memory_space<hbm>>
      %dma_start3A_112 = tpu.memref_squeeze %dma_start3A_111 : memref<1x1x40x128xi32, #tpu.memory_space<hbm>> -> memref<40x128xi32, #tpu.memory_space<hbm>>
      %dma_start3A_113 = arith.constant 0 : i32
      %dma_start3A_114 = arith.constant 0 : i32
      %dma_start3A_115 = tpu.memref_slice %arg2[%add3A, %run_scoped3A_67, %dma_start3A_113, %dma_start3A_114] : memref<32x2x40x128xi32, #tpu.memory_space<hbm>> -> memref<1x1x40x128xi32, #tpu.memory_space<hbm>>
      %dma_start3A_116 = tpu.memref_squeeze %dma_start3A_115 : memref<1x1x40x128xi32, #tpu.memory_space<hbm>> -> memref<40x128xi32, #tpu.memory_space<hbm>>
      tpu.enqueue_dma source(%dma_start3A_116 : memref<40x128xi32, #tpu.memory_space<hbm>>) target(%arg4 : memref<40x128xi32, #tpu.memory_space<vmem>>) target_semaphore(%run_scoped3A_108 : memref<!tpu.dma_semaphore, #tpu.memory_space<semaphore_mem>>)
      %dma_wait3A_117 = arith.constant 0 : i32
      %dma_wait3A_118 = arith.constant 0 : i32
      %dma_wait3A_119 = tpu.memref_slice %arg2[%add3A, %run_scoped3A_67, %dma_wait3A_117, %dma_wait3A_118] : memref<32x2x40x128xi32, #tpu.memory_space<hbm>> -> memref<1x1x40x128xi32, #tpu.memory_space<hbm>>
      %dma_wait3A_120 = tpu.memref_squeeze %dma_wait3A_119 : memref<1x1x40x128xi32, #tpu.memory_space<hbm>> -> memref<40x128xi32, #tpu.memory_space<hbm>>
      %dma_wait3A_121 = arith.constant 0 : i32
      %dma_wait3A_122 = arith.constant 0 : i32
      %dma_wait3A_123 = tpu.memref_slice %arg2[%add3A, %run_scoped3A_67, %dma_wait3A_121, %dma_wait3A_122] : memref<32x2x40x128xi32, #tpu.memory_space<hbm>> -> memref<1x1x40x128xi32, #tpu.memory_space<hbm>>
      %dma_wait3A_124 = tpu.memref_squeeze %dma_wait3A_123 : memref<1x1x40x128xi32, #tpu.memory_space<hbm>> -> memref<40x128xi32, #tpu.memory_space<hbm>>
      tpu.wait_dma2 semaphore(%run_scoped3A_108 : memref<!tpu.dma_semaphore, #tpu.memory_space<semaphore_mem>>) src(%dma_wait3A_124 : memref<40x128xi32, #tpu.memory_space<hbm>>) dst(%arg4 : memref<40x128xi32, #tpu.memory_space<vmem>>)
      tpu.yield
    }) : () -> ()
    %dma_start3A_68 = arith.constant 0 : i32
    %dma_start3A_69 = arith.constant 0 : i32
    %dma_start3A_70 = tpu.memref_slice %arg4[%dma_start3A_68, %dma_start3A_69] : memref<40x128xi32, #tpu.memory_space<vmem>> -> memref<1x128xi32, #tpu.memory_space<vmem>>
    %dma_start3A_71 = tpu.memref_squeeze %dma_start3A_70 : memref<1x128xi32, #tpu.memory_space<vmem>> -> memref<128xi32, #tpu.memory_space<vmem>>
    %dma_start3A_72 = arith.constant 0 : i32
    %dma_start3A_73 = arith.constant 0 : i32
    %dma_start3A_74 = tpu.memref_slice %arg6[%dma_start3A_72, %dma_start3A_73] : memref<10240x128xf32, #tpu.memory_space<vmem_shared>> -> memref<10240x128xf32, #tpu.memory_space<vmem_shared>>
    tpu.enqueue_indirect_dma source(%arg5 : memref<128x128xf32, #tpu.memory_space<vmem>>) target(%dma_start3A_74 : memref<10240x128xf32, #tpu.memory_space<vmem_shared>>) offsets(%dma_start3A_71 : memref<128xi32, #tpu.memory_space<vmem>>) semaphore(%arg7 : memref<!tpu.dma_semaphore, #tpu.memory_space<semaphore_mem>>) {add = true}
    %dma_start3A_75 = arith.constant 1 : i32
    %dma_start3A_76 = arith.constant 0 : i32
    %dma_start3A_77 = tpu.memref_slice %arg4[%dma_start3A_75, %dma_start3A_76] : memref<40x128xi32, #tpu.memory_space<vmem>> -> memref<1x128xi32, #tpu.memory_space<vmem>>
    %dma_start3A_78 = tpu.memref_squeeze %dma_start3A_77 : memref<1x128xi32, #tpu.memory_space<vmem>> -> memref<128xi32, #tpu.memory_space<vmem>>
    %dma_start3A_79 = arith.constant 0 : i32
    %dma_start3A_80 = arith.constant 0 : i32
    %dma_start3A_81 = tpu.memref_slice %arg6[%dma_start3A_79, %dma_start3A_80] : memref<10240x128xf32, #tpu.memory_space<vmem_shared>> -> memref<10240x128xf32, #tpu.memory_space<vmem_shared>>
    tpu.enqueue_indirect_dma source(%arg5 : memref<128x128xf32, #tpu.memory_space<vmem>>) target(%dma_start3A_81 : memref<10240x128xf32, #tpu.memory_space<vmem_shared>>) offsets(%dma_start3A_78 : memref<128xi32, #tpu.memory_space<vmem>>) semaphore(%arg7 : memref<!tpu.dma_semaphore, #tpu.memory_space<semaphore_mem>>) {add = true}
    %scan3A_82 = arith.constant 0 : i32
    %scan3A_83 = arith.constant 0 : i32
    %scan3A_84 = arith.constant 38 : i32
    %scan3A_85 = arith.addi %scan3A_83, %scan3A_84 : i32
    %scan3A_86 = arith.constant 1 : i32
    %scan3A_87 = scf.for %scan3A_108 = %scan3A_83 to %scan3A_85 step %scan3A_86 iter_args(%scan3A_109 = %scan3A_82) -> (i32)  : i32 {
      %add3A_110 = arith.constant 2 : i32
      %add3A_111 = arith.addi %scan3A_108, %add3A_110 : i32
      %dma_start3A_112 = arith.constant 0 : i32
      %dma_start3A_113 = tpu.memref_slice %arg4[%add3A_111, %dma_start3A_112] : memref<40x128xi32, #tpu.memory_space<vmem>> -> memref<1x128xi32, #tpu.memory_space<vmem>>
      %dma_start3A_114 = tpu.memref_squeeze %dma_start3A_113 : memref<1x128xi32, #tpu.memory_space<vmem>> -> memref<128xi32, #tpu.memory_space<vmem>>
      %dma_start3A_115 = arith.constant 0 : i32
      %dma_start3A_116 = arith.constant 0 : i32
      %dma_start3A_117 = tpu.memref_slice %arg6[%dma_start3A_115, %dma_start3A_116] : memref<10240x128xf32, #tpu.memory_space<vmem_shared>> -> memref<10240x128xf32, #tpu.memory_space<vmem_shared>>
      tpu.enqueue_indirect_dma source(%arg5 : memref<128x128xf32, #tpu.memory_space<vmem>>) target(%dma_start3A_117 : memref<10240x128xf32, #tpu.memory_space<vmem_shared>>) offsets(%dma_start3A_114 : memref<128xi32, #tpu.memory_space<vmem>>) semaphore(%arg7 : memref<!tpu.dma_semaphore, #tpu.memory_space<semaphore_mem>>) {add = true}
      %dma_wait3A_118 = arith.constant 0 : i32
      %dma_wait3A_119 = tpu.memref_slice %arg4[%scan3A_108, %dma_wait3A_118] : memref<40x128xi32, #tpu.memory_space<vmem>> -> memref<1x128xi32, #tpu.memory_space<vmem>>
      %dma_wait3A_120 = tpu.memref_squeeze %dma_wait3A_119 : memref<1x128xi32, #tpu.memory_space<vmem>> -> memref<128xi32, #tpu.memory_space<vmem>>
      %dma_wait3A_121 = arith.constant 0 : i32
      %dma_wait3A_122 = arith.constant 0 : i32
      %dma_wait3A_123 = tpu.memref_slice %arg6[%dma_wait3A_121, %dma_wait3A_122] : memref<10240x128xf32, #tpu.memory_space<vmem_shared>> -> memref<10240x128xf32, #tpu.memory_space<vmem_shared>>
      tpu.wait_indirect_dma semaphore(%arg7 : memref<!tpu.dma_semaphore, #tpu.memory_space<semaphore_mem>>) src(%arg5 : memref<128x128xf32, #tpu.memory_space<vmem>>) dst(%dma_wait3A_123 : memref<10240x128xf32, #tpu.memory_space<vmem_shared>>)
      %scan3A_124 = arith.constant 0 : i32
      scf.yield %scan3A_124 : i32
    }
    %scan3A_88 = arith.constant 38 : i32
    %dma_wait3A_89 = arith.constant 38 : i32
    %dma_wait3A_90 = arith.constant 0 : i32
    %dma_wait3A_91 = tpu.memref_slice %arg4[%dma_wait3A_89, %dma_wait3A_90] : memref<40x128xi32, #tpu.memory_space<vmem>> -> memref<1x128xi32, #tpu.memory_space<vmem>>
    %dma_wait3A_92 = tpu.memref_squeeze %dma_wait3A_91 : memref<1x128xi32, #tpu.memory_space<vmem>> -> memref<128xi32, #tpu.memory_space<vmem>>
    %dma_wait3A_93 = arith.constant 0 : i32
    %dma_wait3A_94 = arith.constant 0 : i32
    %dma_wait3A_95 = tpu.memref_slice %arg6[%dma_wait3A_93, %dma_wait3A_94] : memref<10240x128xf32, #tpu.memory_space<vmem_shared>> -> memref<10240x128xf32, #tpu.memory_space<vmem_shared>>
    tpu.wait_indirect_dma semaphore(%arg7 : memref<!tpu.dma_semaphore, #tpu.memory_space<semaphore_mem>>) src(%arg5 : memref<128x128xf32, #tpu.memory_space<vmem>>) dst(%dma_wait3A_95 : memref<10240x128xf32, #tpu.memory_space<vmem_shared>>)
    %dma_wait3A_96 = arith.constant 39 : i32
    %dma_wait3A_97 = arith.constant 0 : i32
    %dma_wait3A_98 = tpu.memref_slice %arg4[%dma_wait3A_96, %dma_wait3A_97] : memref<40x128xi32, #tpu.memory_space<vmem>> -> memref<1x128xi32, #tpu.memory_space<vmem>>
    %dma_wait3A_99 = tpu.memref_squeeze %dma_wait3A_98 : memref<1x128xi32, #tpu.memory_space<vmem>> -> memref<128xi32, #tpu.memory_space<vmem>>
    %dma_wait3A_100 = arith.constant 0 : i32
    %dma_wait3A_101 = arith.constant 0 : i32
    %dma_wait3A_102 = tpu.memref_slice %arg6[%dma_wait3A_100, %dma_wait3A_101] : memref<10240x128xf32, #tpu.memory_space<vmem_shared>> -> memref<10240x128xf32, #tpu.memory_space<vmem_shared>>
    tpu.wait_indirect_dma semaphore(%arg7 : memref<!tpu.dma_semaphore, #tpu.memory_space<semaphore_mem>>) src(%arg5 : memref<128x128xf32, #tpu.memory_space<vmem>>) dst(%dma_wait3A_102 : memref<10240x128xf32, #tpu.memory_space<vmem_shared>>)
    %barrier3A_103 = arith.constant 0 : index
    tpu.barrier barrier_id(%barrier3A_103)
    %mul3A_104 = arith.constant 640 : i32
    %mul3A_105 = arith.muli %arg1, %mul3A_104 : i32
    %mul3A_106 = arith.constant 640 : i32
    %mul3A_107 = arith.muli %arg1, %mul3A_106 : i32
    "tpu.region"() ({
      %run_scoped3A_108 = tpu.sem_alloc : memref<!tpu.dma_semaphore, #tpu.memory_space<semaphore_mem>>
      %dma_start3A_109 = arith.constant 0 : i32
      %dma_start3A_110 = tpu.memref_slice %arg3[%arg0, %mul3A_107, %dma_start3A_109] : memref<2x10240x128xf32, #tpu.memory_space<hbm>> -> memref<1x640x128xf32, #tpu.memory_space<hbm>>
      %dma_start3A_111 = tpu.memref_squeeze %dma_start3A_110 : memref<1x640x128xf32, #tpu.memory_space<hbm>> -> memref<640x128xf32, #tpu.memory_space<hbm>>
      %dma_start3A_112 = arith.constant 0 : i32
      %dma_start3A_113 = tpu.memref_slice %arg6[%mul3A_105, %dma_start3A_112] : memref<10240x128xf32, #tpu.memory_space<vmem_shared>> -> memref<640x128xf32, #tpu.memory_space<vmem_shared>>
      tpu.enqueue_dma source(%dma_start3A_113 : memref<640x128xf32, #tpu.memory_space<vmem_shared>>) target(%dma_start3A_111 : memref<640x128xf32, #tpu.memory_space<hbm>>) target_semaphore(%run_scoped3A_108 : memref<!tpu.dma_semaphore, #tpu.memory_space<semaphore_mem>>)
      %dma_wait3A_114 = arith.constant 0 : i32
      %dma_wait3A_115 = tpu.memref_slice %arg3[%arg0, %mul3A_107, %dma_wait3A_114] : memref<2x10240x128xf32, #tpu.memory_space<hbm>> -> memref<1x640x128xf32, #tpu.memory_space<hbm>>
      %dma_wait3A_116 = tpu.memref_squeeze %dma_wait3A_115 : memref<1x640x128xf32, #tpu.memory_space<hbm>> -> memref<640x128xf32, #tpu.memory_space<hbm>>
      %dma_wait3A_117 = arith.constant 0 : i32
      %dma_wait3A_118 = tpu.memref_slice %arg6[%mul3A_105, %dma_wait3A_117] : memref<10240x128xf32, #tpu.memory_space<vmem_shared>> -> memref<640x128xf32, #tpu.memory_space<vmem_shared>>
      tpu.wait_dma2 semaphore(%run_scoped3A_108 : memref<!tpu.dma_semaphore, #tpu.memory_space<semaphore_mem>>) src(%dma_wait3A_118 : memref<640x128xf32, #tpu.memory_space<vmem_shared>>) dst(%dma_wait3A_116 : memref<640x128xf32, #tpu.memory_space<hbm>>)
      tpu.yield
    }) : () -> ()
    return
  }
}

#map = affine_map<(d0, d1) -> (0, 0)>
#map1 = affine_map<(d0, d1) -> (0, 0, 0, 0)>
#map2 = affine_map<(d0, d1) -> (0, 0, 0)>
module attributes {stable_mosaic.version = 14 : i64} {
  func.func @_scat_kernel(%arg0: i32, %arg1: i32, %arg2: memref<10240x128xf32, #tpu.memory_space<hbm>>, %arg3: memref<32x2x40x128xi32, #tpu.memory_space<hbm>>, %arg4: memref<32x2x40x128xi32, #tpu.memory_space<hbm>>, %arg5: memref<128x128xf32, #tpu.memory_space<hbm>>, %arg6: memref<2x10240x128xf32, #tpu.memory_space<hbm>>, %arg7: memref<40x128xi32, #tpu.memory_space<vmem>>, %arg8: memref<40x128xi32, #tpu.memory_space<vmem>>, %arg9: memref<128x128xf32, #tpu.memory_space<vmem>>, %arg10: memref<128x128xf32, #tpu.memory_space<vmem>>, %arg11: memref<10240x128xf32, #tpu.memory_space<vmem_shared>>, %arg12: memref<!tpu.dma_semaphore, #tpu.memory_space<semaphore_mem>>, %arg13: memref<!tpu.dma_semaphore, #tpu.memory_space<semaphore_mem>>) attributes {dimension_semantics = [#tpu.dimension_semantics<core_parallel>, #tpu.dimension_semantics<subcore_parallel>], iteration_bounds = array<i64: 2, 16>, scalar_prefetch = 0 : i64, scratch_operands = 7 : i64, tpu.core_type = #tpu.core_type<sc_vector_subcore>, window_params = [{transform_indices = #map}, {transform_indices = #map1}, {transform_indices = #map1}, {transform_indices = #map}, {transform_indices = #map2}]} {
    %mul3A = arith.constant 16 : i32
    %mul3A_0 = arith.muli %arg0, %mul3A : i32
    %add3A = arith.addi %mul3A_0, %arg1 : i32
    "tpu.region"() ({
      %run_scoped3A_68 = tpu.sem_alloc : memref<!tpu.dma_semaphore, #tpu.memory_space<semaphore_mem>>
      tpu.enqueue_dma source(%arg5 : memref<128x128xf32, #tpu.memory_space<hbm>>) target(%arg9 : memref<128x128xf32, #tpu.memory_space<vmem>>) target_semaphore(%run_scoped3A_68 : memref<!tpu.dma_semaphore, #tpu.memory_space<semaphore_mem>>)
      tpu.wait_dma2 semaphore(%run_scoped3A_68 : memref<!tpu.dma_semaphore, #tpu.memory_space<semaphore_mem>>) src(%arg5 : memref<128x128xf32, #tpu.memory_space<hbm>>) dst(%arg9 : memref<128x128xf32, #tpu.memory_space<vmem>>)
      tpu.yield
    }) : () -> ()
    %mul3A_1 = arith.constant 640 : i32
    %mul3A_2 = arith.muli %arg1, %mul3A_1 : i32
    %add3A_3 = arith.constant 0 : i32
    %add3A_4 = arith.addi %mul3A_2, %add3A_3 : i32
    "tpu.region"() ({
      %run_scoped3A_68 = tpu.sem_alloc : memref<!tpu.dma_semaphore, #tpu.memory_space<semaphore_mem>>
      %dma_start3A_69 = arith.constant 0 : i32
      %dma_start3A_70 = tpu.memref_slice %arg11[%add3A_4, %dma_start3A_69] : memref<10240x128xf32, #tpu.memory_space<vmem_shared>> -> memref<128x128xf32, #tpu.memory_space<vmem_shared>>
      %dma_start3A_71 = arith.constant 0 : i32
      %dma_start3A_72 = tpu.memref_slice %arg11[%add3A_4, %dma_start3A_71] : memref<10240x128xf32, #tpu.memory_space<vmem_shared>> -> memref<128x128xf32, #tpu.memory_space<vmem_shared>>
      tpu.enqueue_dma source(%arg9 : memref<128x128xf32, #tpu.memory_space<vmem>>) target(%dma_start3A_72 : memref<128x128xf32, #tpu.memory_space<vmem_shared>>) target_semaphore(%run_scoped3A_68 : memref<!tpu.dma_semaphore, #tpu.memory_space<semaphore_mem>>)
      %dma_wait3A_73 = arith.constant 0 : i32
      %dma_wait3A_74 = tpu.memref_slice %arg11[%add3A_4, %dma_wait3A_73] : memref<10240x128xf32, #tpu.memory_space<vmem_shared>> -> memref<128x128xf32, #tpu.memory_space<vmem_shared>>
      %dma_wait3A_75 = arith.constant 0 : i32
      %dma_wait3A_76 = tpu.memref_slice %arg11[%add3A_4, %dma_wait3A_75] : memref<10240x128xf32, #tpu.memory_space<vmem_shared>> -> memref<128x128xf32, #tpu.memory_space<vmem_shared>>
      tpu.wait_dma2 semaphore(%run_scoped3A_68 : memref<!tpu.dma_semaphore, #tpu.memory_space<semaphore_mem>>) src(%arg9 : memref<128x128xf32, #tpu.memory_space<vmem>>) dst(%dma_wait3A_76 : memref<128x128xf32, #tpu.memory_space<vmem_shared>>)
      tpu.yield
    }) : () -> ()
    %mul3A_5 = arith.constant 640 : i32
    %mul3A_6 = arith.muli %arg1, %mul3A_5 : i32
    %add3A_7 = arith.constant 128 : i32
    %add3A_8 = arith.addi %mul3A_6, %add3A_7 : i32
    "tpu.region"() ({
      %run_scoped3A_68 = tpu.sem_alloc : memref<!tpu.dma_semaphore, #tpu.memory_space<semaphore_mem>>
      %dma_start3A_69 = arith.constant 0 : i32
      %dma_start3A_70 = tpu.memref_slice %arg11[%add3A_8, %dma_start3A_69] : memref<10240x128xf32, #tpu.memory_space<vmem_shared>> -> memref<128x128xf32, #tpu.memory_space<vmem_shared>>
      %dma_start3A_71 = arith.constant 0 : i32
      %dma_start3A_72 = tpu.memref_slice %arg11[%add3A_8, %dma_start3A_71] : memref<10240x128xf32, #tpu.memory_space<vmem_shared>> -> memref<128x128xf32, #tpu.memory_space<vmem_shared>>
      tpu.enqueue_dma source(%arg9 : memref<128x128xf32, #tpu.memory_space<vmem>>) target(%dma_start3A_72 : memref<128x128xf32, #tpu.memory_space<vmem_shared>>) target_semaphore(%run_scoped3A_68 : memref<!tpu.dma_semaphore, #tpu.memory_space<semaphore_mem>>)
      %dma_wait3A_73 = arith.constant 0 : i32
      %dma_wait3A_74 = tpu.memref_slice %arg11[%add3A_8, %dma_wait3A_73] : memref<10240x128xf32, #tpu.memory_space<vmem_shared>> -> memref<128x128xf32, #tpu.memory_space<vmem_shared>>
      %dma_wait3A_75 = arith.constant 0 : i32
      %dma_wait3A_76 = tpu.memref_slice %arg11[%add3A_8, %dma_wait3A_75] : memref<10240x128xf32, #tpu.memory_space<vmem_shared>> -> memref<128x128xf32, #tpu.memory_space<vmem_shared>>
      tpu.wait_dma2 semaphore(%run_scoped3A_68 : memref<!tpu.dma_semaphore, #tpu.memory_space<semaphore_mem>>) src(%arg9 : memref<128x128xf32, #tpu.memory_space<vmem>>) dst(%dma_wait3A_76 : memref<128x128xf32, #tpu.memory_space<vmem_shared>>)
      tpu.yield
    }) : () -> ()
    %mul3A_9 = arith.constant 640 : i32
    %mul3A_10 = arith.muli %arg1, %mul3A_9 : i32
    %add3A_11 = arith.constant 256 : i32
    %add3A_12 = arith.addi %mul3A_10, %add3A_11 : i32
    "tpu.region"() ({
      %run_scoped3A_68 = tpu.sem_alloc : memref<!tpu.dma_semaphore, #tpu.memory_space<semaphore_mem>>
      %dma_start3A_69 = arith.constant 0 : i32
      %dma_start3A_70 = tpu.memref_slice %arg11[%add3A_12, %dma_start3A_69] : memref<10240x128xf32, #tpu.memory_space<vmem_shared>> -> memref<128x128xf32, #tpu.memory_space<vmem_shared>>
      %dma_start3A_71 = arith.constant 0 : i32
      %dma_start3A_72 = tpu.memref_slice %arg11[%add3A_12, %dma_start3A_71] : memref<10240x128xf32, #tpu.memory_space<vmem_shared>> -> memref<128x128xf32, #tpu.memory_space<vmem_shared>>
      tpu.enqueue_dma source(%arg9 : memref<128x128xf32, #tpu.memory_space<vmem>>) target(%dma_start3A_72 : memref<128x128xf32, #tpu.memory_space<vmem_shared>>) target_semaphore(%run_scoped3A_68 : memref<!tpu.dma_semaphore, #tpu.memory_space<semaphore_mem>>)
      %dma_wait3A_73 = arith.constant 0 : i32
      %dma_wait3A_74 = tpu.memref_slice %arg11[%add3A_12, %dma_wait3A_73] : memref<10240x128xf32, #tpu.memory_space<vmem_shared>> -> memref<128x128xf32, #tpu.memory_space<vmem_shared>>
      %dma_wait3A_75 = arith.constant 0 : i32
      %dma_wait3A_76 = tpu.memref_slice %arg11[%add3A_12, %dma_wait3A_75] : memref<10240x128xf32, #tpu.memory_space<vmem_shared>> -> memref<128x128xf32, #tpu.memory_space<vmem_shared>>
      tpu.wait_dma2 semaphore(%run_scoped3A_68 : memref<!tpu.dma_semaphore, #tpu.memory_space<semaphore_mem>>) src(%arg9 : memref<128x128xf32, #tpu.memory_space<vmem>>) dst(%dma_wait3A_76 : memref<128x128xf32, #tpu.memory_space<vmem_shared>>)
      tpu.yield
    }) : () -> ()
    %mul3A_13 = arith.constant 640 : i32
    %mul3A_14 = arith.muli %arg1, %mul3A_13 : i32
    %add3A_15 = arith.constant 384 : i32
    %add3A_16 = arith.addi %mul3A_14, %add3A_15 : i32
    "tpu.region"() ({
      %run_scoped3A_68 = tpu.sem_alloc : memref<!tpu.dma_semaphore, #tpu.memory_space<semaphore_mem>>
      %dma_start3A_69 = arith.constant 0 : i32
      %dma_start3A_70 = tpu.memref_slice %arg11[%add3A_16, %dma_start3A_69] : memref<10240x128xf32, #tpu.memory_space<vmem_shared>> -> memref<128x128xf32, #tpu.memory_space<vmem_shared>>
      %dma_start3A_71 = arith.constant 0 : i32
      %dma_start3A_72 = tpu.memref_slice %arg11[%add3A_16, %dma_start3A_71] : memref<10240x128xf32, #tpu.memory_space<vmem_shared>> -> memref<128x128xf32, #tpu.memory_space<vmem_shared>>
      tpu.enqueue_dma source(%arg9 : memref<128x128xf32, #tpu.memory_space<vmem>>) target(%dma_start3A_72 : memref<128x128xf32, #tpu.memory_space<vmem_shared>>) target_semaphore(%run_scoped3A_68 : memref<!tpu.dma_semaphore, #tpu.memory_space<semaphore_mem>>)
      %dma_wait3A_73 = arith.constant 0 : i32
      %dma_wait3A_74 = tpu.memref_slice %arg11[%add3A_16, %dma_wait3A_73] : memref<10240x128xf32, #tpu.memory_space<vmem_shared>> -> memref<128x128xf32, #tpu.memory_space<vmem_shared>>
      %dma_wait3A_75 = arith.constant 0 : i32
      %dma_wait3A_76 = tpu.memref_slice %arg11[%add3A_16, %dma_wait3A_75] : memref<10240x128xf32, #tpu.memory_space<vmem_shared>> -> memref<128x128xf32, #tpu.memory_space<vmem_shared>>
      tpu.wait_dma2 semaphore(%run_scoped3A_68 : memref<!tpu.dma_semaphore, #tpu.memory_space<semaphore_mem>>) src(%arg9 : memref<128x128xf32, #tpu.memory_space<vmem>>) dst(%dma_wait3A_76 : memref<128x128xf32, #tpu.memory_space<vmem_shared>>)
      tpu.yield
    }) : () -> ()
    %mul3A_17 = arith.constant 640 : i32
    %mul3A_18 = arith.muli %arg1, %mul3A_17 : i32
    %add3A_19 = arith.constant 512 : i32
    %add3A_20 = arith.addi %mul3A_18, %add3A_19 : i32
    "tpu.region"() ({
      %run_scoped3A_68 = tpu.sem_alloc : memref<!tpu.dma_semaphore, #tpu.memory_space<semaphore_mem>>
      %dma_start3A_69 = arith.constant 0 : i32
      %dma_start3A_70 = tpu.memref_slice %arg11[%add3A_20, %dma_start3A_69] : memref<10240x128xf32, #tpu.memory_space<vmem_shared>> -> memref<128x128xf32, #tpu.memory_space<vmem_shared>>
      %dma_start3A_71 = arith.constant 0 : i32
      %dma_start3A_72 = tpu.memref_slice %arg11[%add3A_20, %dma_start3A_71] : memref<10240x128xf32, #tpu.memory_space<vmem_shared>> -> memref<128x128xf32, #tpu.memory_space<vmem_shared>>
      tpu.enqueue_dma source(%arg9 : memref<128x128xf32, #tpu.memory_space<vmem>>) target(%dma_start3A_72 : memref<128x128xf32, #tpu.memory_space<vmem_shared>>) target_semaphore(%run_scoped3A_68 : memref<!tpu.dma_semaphore, #tpu.memory_space<semaphore_mem>>)
      %dma_wait3A_73 = arith.constant 0 : i32
      %dma_wait3A_74 = tpu.memref_slice %arg11[%add3A_20, %dma_wait3A_73] : memref<10240x128xf32, #tpu.memory_space<vmem_shared>> -> memref<128x128xf32, #tpu.memory_space<vmem_shared>>
      %dma_wait3A_75 = arith.constant 0 : i32
      %dma_wait3A_76 = tpu.memref_slice %arg11[%add3A_20, %dma_wait3A_75] : memref<10240x128xf32, #tpu.memory_space<vmem_shared>> -> memref<128x128xf32, #tpu.memory_space<vmem_shared>>
      tpu.wait_dma2 semaphore(%run_scoped3A_68 : memref<!tpu.dma_semaphore, #tpu.memory_space<semaphore_mem>>) src(%arg9 : memref<128x128xf32, #tpu.memory_space<vmem>>) dst(%dma_wait3A_76 : memref<128x128xf32, #tpu.memory_space<vmem_shared>>)
      tpu.yield
    }) : () -> ()
    %barrier3A = arith.constant 0 : index
    tpu.barrier barrier_id(%barrier3A)
    %run_scoped3A = arith.constant 0 : i32
    "tpu.region"() ({
      %run_scoped3A_68 = tpu.sem_alloc : memref<!tpu.dma_semaphore, #tpu.memory_space<semaphore_mem>>
      %dma_start3A_69 = arith.constant 0 : i32
      %dma_start3A_70 = arith.constant 0 : i32
      %dma_start3A_71 = tpu.memref_slice %arg3[%add3A, %run_scoped3A, %dma_start3A_69, %dma_start3A_70] : memref<32x2x40x128xi32, #tpu.memory_space<hbm>> -> memref<1x1x40x128xi32, #tpu.memory_space<hbm>>
      %dma_start3A_72 = tpu.memref_squeeze %dma_start3A_71 : memref<1x1x40x128xi32, #tpu.memory_space<hbm>> -> memref<40x128xi32, #tpu.memory_space<hbm>>
      %dma_start3A_73 = arith.constant 0 : i32
      %dma_start3A_74 = arith.constant 0 : i32
      %dma_start3A_75 = tpu.memref_slice %arg3[%add3A, %run_scoped3A, %dma_start3A_73, %dma_start3A_74] : memref<32x2x40x128xi32, #tpu.memory_space<hbm>> -> memref<1x1x40x128xi32, #tpu.memory_space<hbm>>
      %dma_start3A_76 = tpu.memref_squeeze %dma_start3A_75 : memref<1x1x40x128xi32, #tpu.memory_space<hbm>> -> memref<40x128xi32, #tpu.memory_space<hbm>>
      tpu.enqueue_dma source(%dma_start3A_76 : memref<40x128xi32, #tpu.memory_space<hbm>>) target(%arg7 : memref<40x128xi32, #tpu.memory_space<vmem>>) target_semaphore(%run_scoped3A_68 : memref<!tpu.dma_semaphore, #tpu.memory_space<semaphore_mem>>)
      %dma_wait3A_77 = arith.constant 0 : i32
      %dma_wait3A_78 = arith.constant 0 : i32
      %dma_wait3A_79 = tpu.memref_slice %arg3[%add3A, %run_scoped3A, %dma_wait3A_77, %dma_wait3A_78] : memref<32x2x40x128xi32, #tpu.memory_space<hbm>> -> memref<1x1x40x128xi32, #tpu.memory_space<hbm>>
      %dma_wait3A_80 = tpu.memref_squeeze %dma_wait3A_79 : memref<1x1x40x128xi32, #tpu.memory_space<hbm>> -> memref<40x128xi32, #tpu.memory_space<hbm>>
      %dma_wait3A_81 = arith.constant 0 : i32
      %dma_wait3A_82 = arith.constant 0 : i32
      %dma_wait3A_83 = tpu.memref_slice %arg3[%add3A, %run_scoped3A, %dma_wait3A_81, %dma_wait3A_82] : memref<32x2x40x128xi32, #tpu.memory_space<hbm>> -> memref<1x1x40x128xi32, #tpu.memory_space<hbm>>
      %dma_wait3A_84 = tpu.memref_squeeze %dma_wait3A_83 : memref<1x1x40x128xi32, #tpu.memory_space<hbm>> -> memref<40x128xi32, #tpu.memory_space<hbm>>
      tpu.wait_dma2 semaphore(%run_scoped3A_68 : memref<!tpu.dma_semaphore, #tpu.memory_space<semaphore_mem>>) src(%dma_wait3A_84 : memref<40x128xi32, #tpu.memory_space<hbm>>) dst(%arg7 : memref<40x128xi32, #tpu.memory_space<vmem>>)
      tpu.yield
    }) : () -> ()
    %run_scoped3A_21 = arith.constant 0 : i32
    "tpu.region"() ({
      %run_scoped3A_68 = tpu.sem_alloc : memref<!tpu.dma_semaphore, #tpu.memory_space<semaphore_mem>>
      %dma_start3A_69 = arith.constant 0 : i32
      %dma_start3A_70 = arith.constant 0 : i32
      %dma_start3A_71 = tpu.memref_slice %arg4[%add3A, %run_scoped3A_21, %dma_start3A_69, %dma_start3A_70] : memref<32x2x40x128xi32, #tpu.memory_space<hbm>> -> memref<1x1x40x128xi32, #tpu.memory_space<hbm>>
      %dma_start3A_72 = tpu.memref_squeeze %dma_start3A_71 : memref<1x1x40x128xi32, #tpu.memory_space<hbm>> -> memref<40x128xi32, #tpu.memory_space<hbm>>
      %dma_start3A_73 = arith.constant 0 : i32
      %dma_start3A_74 = arith.constant 0 : i32
      %dma_start3A_75 = tpu.memref_slice %arg4[%add3A, %run_scoped3A_21, %dma_start3A_73, %dma_start3A_74] : memref<32x2x40x128xi32, #tpu.memory_space<hbm>> -> memref<1x1x40x128xi32, #tpu.memory_space<hbm>>
      %dma_start3A_76 = tpu.memref_squeeze %dma_start3A_75 : memref<1x1x40x128xi32, #tpu.memory_space<hbm>> -> memref<40x128xi32, #tpu.memory_space<hbm>>
      tpu.enqueue_dma source(%dma_start3A_76 : memref<40x128xi32, #tpu.memory_space<hbm>>) target(%arg8 : memref<40x128xi32, #tpu.memory_space<vmem>>) target_semaphore(%run_scoped3A_68 : memref<!tpu.dma_semaphore, #tpu.memory_space<semaphore_mem>>)
      %dma_wait3A_77 = arith.constant 0 : i32
      %dma_wait3A_78 = arith.constant 0 : i32
      %dma_wait3A_79 = tpu.memref_slice %arg4[%add3A, %run_scoped3A_21, %dma_wait3A_77, %dma_wait3A_78] : memref<32x2x40x128xi32, #tpu.memory_space<hbm>> -> memref<1x1x40x128xi32, #tpu.memory_space<hbm>>
      %dma_wait3A_80 = tpu.memref_squeeze %dma_wait3A_79 : memref<1x1x40x128xi32, #tpu.memory_space<hbm>> -> memref<40x128xi32, #tpu.memory_space<hbm>>
      %dma_wait3A_81 = arith.constant 0 : i32
      %dma_wait3A_82 = arith.constant 0 : i32
      %dma_wait3A_83 = tpu.memref_slice %arg4[%add3A, %run_scoped3A_21, %dma_wait3A_81, %dma_wait3A_82] : memref<32x2x40x128xi32, #tpu.memory_space<hbm>> -> memref<1x1x40x128xi32, #tpu.memory_space<hbm>>
      %dma_wait3A_84 = tpu.memref_squeeze %dma_wait3A_83 : memref<1x1x40x128xi32, #tpu.memory_space<hbm>> -> memref<40x128xi32, #tpu.memory_space<hbm>>
      tpu.wait_dma2 semaphore(%run_scoped3A_68 : memref<!tpu.dma_semaphore, #tpu.memory_space<semaphore_mem>>) src(%dma_wait3A_84 : memref<40x128xi32, #tpu.memory_space<hbm>>) dst(%arg8 : memref<40x128xi32, #tpu.memory_space<vmem>>)
      tpu.yield
    }) : () -> ()
    %dma_start3A = arith.constant 0 : i32
    %dma_start3A_22 = arith.constant 0 : i32
    %dma_start3A_23 = tpu.memref_slice %arg7[%dma_start3A, %dma_start3A_22] : memref<40x128xi32, #tpu.memory_space<vmem>> -> memref<1x128xi32, #tpu.memory_space<vmem>>
    %dma_start3A_24 = tpu.memref_squeeze %dma_start3A_23 : memref<1x128xi32, #tpu.memory_space<vmem>> -> memref<128xi32, #tpu.memory_space<vmem>>
    %dma_start3A_25 = arith.constant 0 : i32
    %dma_start3A_26 = arith.constant 0 : i32
    %dma_start3A_27 = tpu.memref_slice %arg2[%dma_start3A_25, %dma_start3A_26] : memref<10240x128xf32, #tpu.memory_space<hbm>> -> memref<10240x128xf32, #tpu.memory_space<hbm>>
    tpu.enqueue_indirect_dma source(%dma_start3A_27 : memref<10240x128xf32, #tpu.memory_space<hbm>>) target(%arg9 : memref<128x128xf32, #tpu.memory_space<vmem>>) offsets(%dma_start3A_24 : memref<128xi32, #tpu.memory_space<vmem>>) semaphore(%arg12 : memref<!tpu.dma_semaphore, #tpu.memory_space<semaphore_mem>>)
    %scan3A = arith.constant 0 : i32
    %scan3A_28 = arith.constant 0 : i32
    %scan3A_29 = arith.constant 20 : i32
    %scan3A_30 = arith.addi %scan3A_28, %scan3A_29 : i32
    %scan3A_31 = arith.constant 1 : i32
    %scan3A_32 = scf.for %scan3A_68 = %scan3A_28 to %scan3A_30 step %scan3A_31 iter_args(%scan3A_69 = %scan3A) -> (i32)  : i32 {
      %mul3A_70 = arith.constant 2 : i32
      %mul3A_71 = arith.muli %mul3A_70, %scan3A_68 : i32
      %add3A_72 = arith.constant 1 : i32
      %add3A_73 = arith.addi %mul3A_71, %add3A_72 : i32
      %dma_start3A_74 = arith.constant 0 : i32
      %dma_start3A_75 = tpu.memref_slice %arg7[%add3A_73, %dma_start3A_74] : memref<40x128xi32, #tpu.memory_space<vmem>> -> memref<1x128xi32, #tpu.memory_space<vmem>>
      %dma_start3A_76 = tpu.memref_squeeze %dma_start3A_75 : memref<1x128xi32, #tpu.memory_space<vmem>> -> memref<128xi32, #tpu.memory_space<vmem>>
      %dma_start3A_77 = arith.constant 0 : i32
      %dma_start3A_78 = arith.constant 0 : i32
      %dma_start3A_79 = tpu.memref_slice %arg2[%dma_start3A_77, %dma_start3A_78] : memref<10240x128xf32, #tpu.memory_space<hbm>> -> memref<10240x128xf32, #tpu.memory_space<hbm>>
      tpu.enqueue_indirect_dma source(%dma_start3A_79 : memref<10240x128xf32, #tpu.memory_space<hbm>>) target(%arg10 : memref<128x128xf32, #tpu.memory_space<vmem>>) offsets(%dma_start3A_76 : memref<128xi32, #tpu.memory_space<vmem>>) semaphore(%arg13 : memref<!tpu.dma_semaphore, #tpu.memory_space<semaphore_mem>>)
      %dma_wait3A_80 = arith.constant 0 : i32
      %dma_wait3A_81 = tpu.memref_slice %arg7[%mul3A_71, %dma_wait3A_80] : memref<40x128xi32, #tpu.memory_space<vmem>> -> memref<1x128xi32, #tpu.memory_space<vmem>>
      %dma_wait3A_82 = tpu.memref_squeeze %dma_wait3A_81 : memref<1x128xi32, #tpu.memory_space<vmem>> -> memref<128xi32, #tpu.memory_space<vmem>>
      %dma_wait3A_83 = arith.constant 0 : i32
      %dma_wait3A_84 = arith.constant 0 : i32
      %dma_wait3A_85 = tpu.memref_slice %arg2[%dma_wait3A_83, %dma_wait3A_84] : memref<10240x128xf32, #tpu.memory_space<hbm>> -> memref<10240x128xf32, #tpu.memory_space<hbm>>
      tpu.wait_indirect_dma semaphore(%arg12 : memref<!tpu.dma_semaphore, #tpu.memory_space<semaphore_mem>>) src(%dma_wait3A_85 : memref<10240x128xf32, #tpu.memory_space<hbm>>) dst(%arg9 : memref<128x128xf32, #tpu.memory_space<vmem>>)
      "tpu.region"() ({
        %run_scoped3A_106 = tpu.sem_alloc : memref<!tpu.dma_semaphore, #tpu.memory_space<semaphore_mem>>
        %dma_start3A_107 = arith.constant 0 : i32
        %dma_start3A_108 = tpu.memref_slice %arg8[%mul3A_71, %dma_start3A_107] : memref<40x128xi32, #tpu.memory_space<vmem>> -> memref<1x128xi32, #tpu.memory_space<vmem>>
        %dma_start3A_109 = tpu.memref_squeeze %dma_start3A_108 : memref<1x128xi32, #tpu.memory_space<vmem>> -> memref<128xi32, #tpu.memory_space<vmem>>
        %dma_start3A_110 = arith.constant 0 : i32
        %dma_start3A_111 = arith.constant 0 : i32
        %dma_start3A_112 = tpu.memref_slice %arg11[%dma_start3A_110, %dma_start3A_111] : memref<10240x128xf32, #tpu.memory_space<vmem_shared>> -> memref<10240x128xf32, #tpu.memory_space<vmem_shared>>
        tpu.enqueue_indirect_dma source(%arg9 : memref<128x128xf32, #tpu.memory_space<vmem>>) target(%dma_start3A_112 : memref<10240x128xf32, #tpu.memory_space<vmem_shared>>) offsets(%dma_start3A_109 : memref<128xi32, #tpu.memory_space<vmem>>) semaphore(%run_scoped3A_106 : memref<!tpu.dma_semaphore, #tpu.memory_space<semaphore_mem>>) {add = true}
        %dma_wait3A_113 = arith.constant 0 : i32
        %dma_wait3A_114 = tpu.memref_slice %arg8[%mul3A_71, %dma_wait3A_113] : memref<40x128xi32, #tpu.memory_space<vmem>> -> memref<1x128xi32, #tpu.memory_space<vmem>>
        %dma_wait3A_115 = tpu.memref_squeeze %dma_wait3A_114 : memref<1x128xi32, #tpu.memory_space<vmem>> -> memref<128xi32, #tpu.memory_space<vmem>>
        %dma_wait3A_116 = arith.constant 0 : i32
        %dma_wait3A_117 = arith.constant 0 : i32
        %dma_wait3A_118 = tpu.memref_slice %arg11[%dma_wait3A_116, %dma_wait3A_117] : memref<10240x128xf32, #tpu.memory_space<vmem_shared>> -> memref<10240x128xf32, #tpu.memory_space<vmem_shared>>
        tpu.wait_indirect_dma semaphore(%run_scoped3A_106 : memref<!tpu.dma_semaphore, #tpu.memory_space<semaphore_mem>>) src(%arg9 : memref<128x128xf32, #tpu.memory_space<vmem>>) dst(%dma_wait3A_118 : memref<10240x128xf32, #tpu.memory_space<vmem_shared>>)
        tpu.yield
      }) : () -> ()
      %add3A_86 = arith.constant 2 : i32
      %add3A_87 = arith.addi %mul3A_71, %add3A_86 : i32
      %min3A = arith.constant 39 : i32
      %min3A_88 = arith.minsi %add3A_87, %min3A : i32
      %dma_start3A_89 = arith.constant 0 : i32
      %dma_start3A_90 = tpu.memref_slice %arg7[%min3A_88, %dma_start3A_89] : memref<40x128xi32, #tpu.memory_space<vmem>> -> memref<1x128xi32, #tpu.memory_space<vmem>>
      %dma_start3A_91 = tpu.memref_squeeze %dma_start3A_90 : memref<1x128xi32, #tpu.memory_space<vmem>> -> memref<128xi32, #tpu.memory_space<vmem>>
      %dma_start3A_92 = arith.constant 0 : i32
      %dma_start3A_93 = arith.constant 0 : i32
      %dma_start3A_94 = tpu.memref_slice %arg2[%dma_start3A_92, %dma_start3A_93] : memref<10240x128xf32, #tpu.memory_space<hbm>> -> memref<10240x128xf32, #tpu.memory_space<hbm>>
      tpu.enqueue_indirect_dma source(%dma_start3A_94 : memref<10240x128xf32, #tpu.memory_space<hbm>>) target(%arg9 : memref<128x128xf32, #tpu.memory_space<vmem>>) offsets(%dma_start3A_91 : memref<128xi32, #tpu.memory_space<vmem>>) semaphore(%arg12 : memref<!tpu.dma_semaphore, #tpu.memory_space<semaphore_mem>>)
      %add3A_95 = arith.constant 1 : i32
      %add3A_96 = arith.addi %mul3A_71, %add3A_95 : i32
      %dma_wait3A_97 = arith.constant 0 : i32
      %dma_wait3A_98 = tpu.memref_slice %arg7[%add3A_96, %dma_wait3A_97] : memref<40x128xi32, #tpu.memory_space<vmem>> -> memref<1x128xi32, #tpu.memory_space<vmem>>
      %dma_wait3A_99 = tpu.memref_squeeze %dma_wait3A_98 : memref<1x128xi32, #tpu.memory_space<vmem>> -> memref<128xi32, #tpu.memory_space<vmem>>
      %dma_wait3A_100 = arith.constant 0 : i32
      %dma_wait3A_101 = arith.constant 0 : i32
      %dma_wait3A_102 = tpu.memref_slice %arg2[%dma_wait3A_100, %dma_wait3A_101] : memref<10240x128xf32, #tpu.memory_space<hbm>> -> memref<10240x128xf32, #tpu.memory_space<hbm>>
      tpu.wait_indirect_dma semaphore(%arg13 : memref<!tpu.dma_semaphore, #tpu.memory_space<semaphore_mem>>) src(%dma_wait3A_102 : memref<10240x128xf32, #tpu.memory_space<hbm>>) dst(%arg10 : memref<128x128xf32, #tpu.memory_space<vmem>>)
      %add3A_103 = arith.constant 1 : i32
      %add3A_104 = arith.addi %mul3A_71, %add3A_103 : i32
      "tpu.region"() ({
        %run_scoped3A_106 = tpu.sem_alloc : memref<!tpu.dma_semaphore, #tpu.memory_space<semaphore_mem>>
        %dma_start3A_107 = arith.constant 0 : i32
        %dma_start3A_108 = tpu.memref_slice %arg8[%add3A_104, %dma_start3A_107] : memref<40x128xi32, #tpu.memory_space<vmem>> -> memref<1x128xi32, #tpu.memory_space<vmem>>
        %dma_start3A_109 = tpu.memref_squeeze %dma_start3A_108 : memref<1x128xi32, #tpu.memory_space<vmem>> -> memref<128xi32, #tpu.memory_space<vmem>>
        %dma_start3A_110 = arith.constant 0 : i32
        %dma_start3A_111 = arith.constant 0 : i32
        %dma_start3A_112 = tpu.memref_slice %arg11[%dma_start3A_110, %dma_start3A_111] : memref<10240x128xf32, #tpu.memory_space<vmem_shared>> -> memref<10240x128xf32, #tpu.memory_space<vmem_shared>>
        tpu.enqueue_indirect_dma source(%arg10 : memref<128x128xf32, #tpu.memory_space<vmem>>) target(%dma_start3A_112 : memref<10240x128xf32, #tpu.memory_space<vmem_shared>>) offsets(%dma_start3A_109 : memref<128xi32, #tpu.memory_space<vmem>>) semaphore(%run_scoped3A_106 : memref<!tpu.dma_semaphore, #tpu.memory_space<semaphore_mem>>) {add = true}
        %dma_wait3A_113 = arith.constant 0 : i32
        %dma_wait3A_114 = tpu.memref_slice %arg8[%add3A_104, %dma_wait3A_113] : memref<40x128xi32, #tpu.memory_space<vmem>> -> memref<1x128xi32, #tpu.memory_space<vmem>>
        %dma_wait3A_115 = tpu.memref_squeeze %dma_wait3A_114 : memref<1x128xi32, #tpu.memory_space<vmem>> -> memref<128xi32, #tpu.memory_space<vmem>>
        %dma_wait3A_116 = arith.constant 0 : i32
        %dma_wait3A_117 = arith.constant 0 : i32
        %dma_wait3A_118 = tpu.memref_slice %arg11[%dma_wait3A_116, %dma_wait3A_117] : memref<10240x128xf32, #tpu.memory_space<vmem_shared>> -> memref<10240x128xf32, #tpu.memory_space<vmem_shared>>
        tpu.wait_indirect_dma semaphore(%run_scoped3A_106 : memref<!tpu.dma_semaphore, #tpu.memory_space<semaphore_mem>>) src(%arg10 : memref<128x128xf32, #tpu.memory_space<vmem>>) dst(%dma_wait3A_118 : memref<10240x128xf32, #tpu.memory_space<vmem_shared>>)
        tpu.yield
      }) : () -> ()
      %scan3A_105 = arith.constant 0 : i32
      scf.yield %scan3A_105 : i32
    }
    %scan3A_33 = arith.constant 20 : i32
    %dma_wait3A = arith.constant 39 : i32
    %dma_wait3A_34 = arith.constant 0 : i32
    %dma_wait3A_35 = tpu.memref_slice %arg7[%dma_wait3A, %dma_wait3A_34] : memref<40x128xi32, #tpu.memory_space<vmem>> -> memref<1x128xi32, #tpu.memory_space<vmem>>
    %dma_wait3A_36 = tpu.memref_squeeze %dma_wait3A_35 : memref<1x128xi32, #tpu.memory_space<vmem>> -> memref<128xi32, #tpu.memory_space<vmem>>
    %dma_wait3A_37 = arith.constant 0 : i32
    %dma_wait3A_38 = arith.constant 0 : i32
    %dma_wait3A_39 = tpu.memref_slice %arg2[%dma_wait3A_37, %dma_wait3A_38] : memref<10240x128xf32, #tpu.memory_space<hbm>> -> memref<10240x128xf32, #tpu.memory_space<hbm>>
    tpu.wait_indirect_dma semaphore(%arg12 : memref<!tpu.dma_semaphore, #tpu.memory_space<semaphore_mem>>) src(%dma_wait3A_39 : memref<10240x128xf32, #tpu.memory_space<hbm>>) dst(%arg9 : memref<128x128xf32, #tpu.memory_space<vmem>>)
    %run_scoped3A_40 = arith.constant 1 : i32
    "tpu.region"() ({
      %run_scoped3A_68 = tpu.sem_alloc : memref<!tpu.dma_semaphore, #tpu.memory_space<semaphore_mem>>
      %dma_start3A_69 = arith.constant 0 : i32
      %dma_start3A_70 = arith.constant 0 : i32
      %dma_start3A_71 = tpu.memref_slice %arg3[%add3A, %run_scoped3A_40, %dma_start3A_69, %dma_start3A_70] : memref<32x2x40x128xi32, #tpu.memory_space<hbm>> -> memref<1x1x40x128xi32, #tpu.memory_space<hbm>>
      %dma_start3A_72 = tpu.memref_squeeze %dma_start3A_71 : memref<1x1x40x128xi32, #tpu.memory_space<hbm>> -> memref<40x128xi32, #tpu.memory_space<hbm>>
      %dma_start3A_73 = arith.constant 0 : i32
      %dma_start3A_74 = arith.constant 0 : i32
      %dma_start3A_75 = tpu.memref_slice %arg3[%add3A, %run_scoped3A_40, %dma_start3A_73, %dma_start3A_74] : memref<32x2x40x128xi32, #tpu.memory_space<hbm>> -> memref<1x1x40x128xi32, #tpu.memory_space<hbm>>
      %dma_start3A_76 = tpu.memref_squeeze %dma_start3A_75 : memref<1x1x40x128xi32, #tpu.memory_space<hbm>> -> memref<40x128xi32, #tpu.memory_space<hbm>>
      tpu.enqueue_dma source(%dma_start3A_76 : memref<40x128xi32, #tpu.memory_space<hbm>>) target(%arg7 : memref<40x128xi32, #tpu.memory_space<vmem>>) target_semaphore(%run_scoped3A_68 : memref<!tpu.dma_semaphore, #tpu.memory_space<semaphore_mem>>)
      %dma_wait3A_77 = arith.constant 0 : i32
      %dma_wait3A_78 = arith.constant 0 : i32
      %dma_wait3A_79 = tpu.memref_slice %arg3[%add3A, %run_scoped3A_40, %dma_wait3A_77, %dma_wait3A_78] : memref<32x2x40x128xi32, #tpu.memory_space<hbm>> -> memref<1x1x40x128xi32, #tpu.memory_space<hbm>>
      %dma_wait3A_80 = tpu.memref_squeeze %dma_wait3A_79 : memref<1x1x40x128xi32, #tpu.memory_space<hbm>> -> memref<40x128xi32, #tpu.memory_space<hbm>>
      %dma_wait3A_81 = arith.constant 0 : i32
      %dma_wait3A_82 = arith.constant 0 : i32
      %dma_wait3A_83 = tpu.memref_slice %arg3[%add3A, %run_scoped3A_40, %dma_wait3A_81, %dma_wait3A_82] : memref<32x2x40x128xi32, #tpu.memory_space<hbm>> -> memref<1x1x40x128xi32, #tpu.memory_space<hbm>>
      %dma_wait3A_84 = tpu.memref_squeeze %dma_wait3A_83 : memref<1x1x40x128xi32, #tpu.memory_space<hbm>> -> memref<40x128xi32, #tpu.memory_space<hbm>>
      tpu.wait_dma2 semaphore(%run_scoped3A_68 : memref<!tpu.dma_semaphore, #tpu.memory_space<semaphore_mem>>) src(%dma_wait3A_84 : memref<40x128xi32, #tpu.memory_space<hbm>>) dst(%arg7 : memref<40x128xi32, #tpu.memory_space<vmem>>)
      tpu.yield
    }) : () -> ()
    %run_scoped3A_41 = arith.constant 1 : i32
    "tpu.region"() ({
      %run_scoped3A_68 = tpu.sem_alloc : memref<!tpu.dma_semaphore, #tpu.memory_space<semaphore_mem>>
      %dma_start3A_69 = arith.constant 0 : i32
      %dma_start3A_70 = arith.constant 0 : i32
      %dma_start3A_71 = tpu.memref_slice %arg4[%add3A, %run_scoped3A_41, %dma_start3A_69, %dma_start3A_70] : memref<32x2x40x128xi32, #tpu.memory_space<hbm>> -> memref<1x1x40x128xi32, #tpu.memory_space<hbm>>
      %dma_start3A_72 = tpu.memref_squeeze %dma_start3A_71 : memref<1x1x40x128xi32, #tpu.memory_space<hbm>> -> memref<40x128xi32, #tpu.memory_space<hbm>>
      %dma_start3A_73 = arith.constant 0 : i32
      %dma_start3A_74 = arith.constant 0 : i32
      %dma_start3A_75 = tpu.memref_slice %arg4[%add3A, %run_scoped3A_41, %dma_start3A_73, %dma_start3A_74] : memref<32x2x40x128xi32, #tpu.memory_space<hbm>> -> memref<1x1x40x128xi32, #tpu.memory_space<hbm>>
      %dma_start3A_76 = tpu.memref_squeeze %dma_start3A_75 : memref<1x1x40x128xi32, #tpu.memory_space<hbm>> -> memref<40x128xi32, #tpu.memory_space<hbm>>
      tpu.enqueue_dma source(%dma_start3A_76 : memref<40x128xi32, #tpu.memory_space<hbm>>) target(%arg8 : memref<40x128xi32, #tpu.memory_space<vmem>>) target_semaphore(%run_scoped3A_68 : memref<!tpu.dma_semaphore, #tpu.memory_space<semaphore_mem>>)
      %dma_wait3A_77 = arith.constant 0 : i32
      %dma_wait3A_78 = arith.constant 0 : i32
      %dma_wait3A_79 = tpu.memref_slice %arg4[%add3A, %run_scoped3A_41, %dma_wait3A_77, %dma_wait3A_78] : memref<32x2x40x128xi32, #tpu.memory_space<hbm>> -> memref<1x1x40x128xi32, #tpu.memory_space<hbm>>
      %dma_wait3A_80 = tpu.memref_squeeze %dma_wait3A_79 : memref<1x1x40x128xi32, #tpu.memory_space<hbm>> -> memref<40x128xi32, #tpu.memory_space<hbm>>
      %dma_wait3A_81 = arith.constant 0 : i32
      %dma_wait3A_82 = arith.constant 0 : i32
      %dma_wait3A_83 = tpu.memref_slice %arg4[%add3A, %run_scoped3A_41, %dma_wait3A_81, %dma_wait3A_82] : memref<32x2x40x128xi32, #tpu.memory_space<hbm>> -> memref<1x1x40x128xi32, #tpu.memory_space<hbm>>
      %dma_wait3A_84 = tpu.memref_squeeze %dma_wait3A_83 : memref<1x1x40x128xi32, #tpu.memory_space<hbm>> -> memref<40x128xi32, #tpu.memory_space<hbm>>
      tpu.wait_dma2 semaphore(%run_scoped3A_68 : memref<!tpu.dma_semaphore, #tpu.memory_space<semaphore_mem>>) src(%dma_wait3A_84 : memref<40x128xi32, #tpu.memory_space<hbm>>) dst(%arg8 : memref<40x128xi32, #tpu.memory_space<vmem>>)
      tpu.yield
    }) : () -> ()
    %dma_start3A_42 = arith.constant 0 : i32
    %dma_start3A_43 = arith.constant 0 : i32
    %dma_start3A_44 = tpu.memref_slice %arg7[%dma_start3A_42, %dma_start3A_43] : memref<40x128xi32, #tpu.memory_space<vmem>> -> memref<1x128xi32, #tpu.memory_space<vmem>>
    %dma_start3A_45 = tpu.memref_squeeze %dma_start3A_44 : memref<1x128xi32, #tpu.memory_space<vmem>> -> memref<128xi32, #tpu.memory_space<vmem>>
    %dma_start3A_46 = arith.constant 0 : i32
    %dma_start3A_47 = arith.constant 0 : i32
    %dma_start3A_48 = tpu.memref_slice %arg2[%dma_start3A_46, %dma_start3A_47] : memref<10240x128xf32, #tpu.memory_space<hbm>> -> memref<10240x128xf32, #tpu.memory_space<hbm>>
    tpu.enqueue_indirect_dma source(%dma_start3A_48 : memref<10240x128xf32, #tpu.memory_space<hbm>>) target(%arg9 : memref<128x128xf32, #tpu.memory_space<vmem>>) offsets(%dma_start3A_45 : memref<128xi32, #tpu.memory_space<vmem>>) semaphore(%arg12 : memref<!tpu.dma_semaphore, #tpu.memory_space<semaphore_mem>>)
    %scan3A_49 = arith.constant 0 : i32
    %scan3A_50 = arith.constant 0 : i32
    %scan3A_51 = arith.constant 20 : i32
    %scan3A_52 = arith.addi %scan3A_50, %scan3A_51 : i32
    %scan3A_53 = arith.constant 1 : i32
    %scan3A_54 = scf.for %scan3A_68 = %scan3A_50 to %scan3A_52 step %scan3A_53 iter_args(%scan3A_69 = %scan3A_49) -> (i32)  : i32 {
      %mul3A_70 = arith.constant 2 : i32
      %mul3A_71 = arith.muli %mul3A_70, %scan3A_68 : i32
      %add3A_72 = arith.constant 1 : i32
      %add3A_73 = arith.addi %mul3A_71, %add3A_72 : i32
      %dma_start3A_74 = arith.constant 0 : i32
      %dma_start3A_75 = tpu.memref_slice %arg7[%add3A_73, %dma_start3A_74] : memref<40x128xi32, #tpu.memory_space<vmem>> -> memref<1x128xi32, #tpu.memory_space<vmem>>
      %dma_start3A_76 = tpu.memref_squeeze %dma_start3A_75 : memref<1x128xi32, #tpu.memory_space<vmem>> -> memref<128xi32, #tpu.memory_space<vmem>>
      %dma_start3A_77 = arith.constant 0 : i32
      %dma_start3A_78 = arith.constant 0 : i32
      %dma_start3A_79 = tpu.memref_slice %arg2[%dma_start3A_77, %dma_start3A_78] : memref<10240x128xf32, #tpu.memory_space<hbm>> -> memref<10240x128xf32, #tpu.memory_space<hbm>>
      tpu.enqueue_indirect_dma source(%dma_start3A_79 : memref<10240x128xf32, #tpu.memory_space<hbm>>) target(%arg10 : memref<128x128xf32, #tpu.memory_space<vmem>>) offsets(%dma_start3A_76 : memref<128xi32, #tpu.memory_space<vmem>>) semaphore(%arg13 : memref<!tpu.dma_semaphore, #tpu.memory_space<semaphore_mem>>)
      %dma_wait3A_80 = arith.constant 0 : i32
      %dma_wait3A_81 = tpu.memref_slice %arg7[%mul3A_71, %dma_wait3A_80] : memref<40x128xi32, #tpu.memory_space<vmem>> -> memref<1x128xi32, #tpu.memory_space<vmem>>
      %dma_wait3A_82 = tpu.memref_squeeze %dma_wait3A_81 : memref<1x128xi32, #tpu.memory_space<vmem>> -> memref<128xi32, #tpu.memory_space<vmem>>
      %dma_wait3A_83 = arith.constant 0 : i32
      %dma_wait3A_84 = arith.constant 0 : i32
      %dma_wait3A_85 = tpu.memref_slice %arg2[%dma_wait3A_83, %dma_wait3A_84] : memref<10240x128xf32, #tpu.memory_space<hbm>> -> memref<10240x128xf32, #tpu.memory_space<hbm>>
      tpu.wait_indirect_dma semaphore(%arg12 : memref<!tpu.dma_semaphore, #tpu.memory_space<semaphore_mem>>) src(%dma_wait3A_85 : memref<10240x128xf32, #tpu.memory_space<hbm>>) dst(%arg9 : memref<128x128xf32, #tpu.memory_space<vmem>>)
      "tpu.region"() ({
        %run_scoped3A_106 = tpu.sem_alloc : memref<!tpu.dma_semaphore, #tpu.memory_space<semaphore_mem>>
        %dma_start3A_107 = arith.constant 0 : i32
        %dma_start3A_108 = tpu.memref_slice %arg8[%mul3A_71, %dma_start3A_107] : memref<40x128xi32, #tpu.memory_space<vmem>> -> memref<1x128xi32, #tpu.memory_space<vmem>>
        %dma_start3A_109 = tpu.memref_squeeze %dma_start3A_108 : memref<1x128xi32, #tpu.memory_space<vmem>> -> memref<128xi32, #tpu.memory_space<vmem>>
        %dma_start3A_110 = arith.constant 0 : i32
        %dma_start3A_111 = arith.constant 0 : i32
        %dma_start3A_112 = tpu.memref_slice %arg11[%dma_start3A_110, %dma_start3A_111] : memref<10240x128xf32, #tpu.memory_space<vmem_shared>> -> memref<10240x128xf32, #tpu.memory_space<vmem_shared>>
        tpu.enqueue_indirect_dma source(%arg9 : memref<128x128xf32, #tpu.memory_space<vmem>>) target(%dma_start3A_112 : memref<10240x128xf32, #tpu.memory_space<vmem_shared>>) offsets(%dma_start3A_109 : memref<128xi32, #tpu.memory_space<vmem>>) semaphore(%run_scoped3A_106 : memref<!tpu.dma_semaphore, #tpu.memory_space<semaphore_mem>>) {add = true}
        %dma_wait3A_113 = arith.constant 0 : i32
        %dma_wait3A_114 = tpu.memref_slice %arg8[%mul3A_71, %dma_wait3A_113] : memref<40x128xi32, #tpu.memory_space<vmem>> -> memref<1x128xi32, #tpu.memory_space<vmem>>
        %dma_wait3A_115 = tpu.memref_squeeze %dma_wait3A_114 : memref<1x128xi32, #tpu.memory_space<vmem>> -> memref<128xi32, #tpu.memory_space<vmem>>
        %dma_wait3A_116 = arith.constant 0 : i32
        %dma_wait3A_117 = arith.constant 0 : i32
        %dma_wait3A_118 = tpu.memref_slice %arg11[%dma_wait3A_116, %dma_wait3A_117] : memref<10240x128xf32, #tpu.memory_space<vmem_shared>> -> memref<10240x128xf32, #tpu.memory_space<vmem_shared>>
        tpu.wait_indirect_dma semaphore(%run_scoped3A_106 : memref<!tpu.dma_semaphore, #tpu.memory_space<semaphore_mem>>) src(%arg9 : memref<128x128xf32, #tpu.memory_space<vmem>>) dst(%dma_wait3A_118 : memref<10240x128xf32, #tpu.memory_space<vmem_shared>>)
        tpu.yield
      }) : () -> ()
      %add3A_86 = arith.constant 2 : i32
      %add3A_87 = arith.addi %mul3A_71, %add3A_86 : i32
      %min3A = arith.constant 39 : i32
      %min3A_88 = arith.minsi %add3A_87, %min3A : i32
      %dma_start3A_89 = arith.constant 0 : i32
      %dma_start3A_90 = tpu.memref_slice %arg7[%min3A_88, %dma_start3A_89] : memref<40x128xi32, #tpu.memory_space<vmem>> -> memref<1x128xi32, #tpu.memory_space<vmem>>
      %dma_start3A_91 = tpu.memref_squeeze %dma_start3A_90 : memref<1x128xi32, #tpu.memory_space<vmem>> -> memref<128xi32, #tpu.memory_space<vmem>>
      %dma_start3A_92 = arith.constant 0 : i32
      %dma_start3A_93 = arith.constant 0 : i32
      %dma_start3A_94 = tpu.memref_slice %arg2[%dma_start3A_92, %dma_start3A_93] : memref<10240x128xf32, #tpu.memory_space<hbm>> -> memref<10240x128xf32, #tpu.memory_space<hbm>>
      tpu.enqueue_indirect_dma source(%dma_start3A_94 : memref<10240x128xf32, #tpu.memory_space<hbm>>) target(%arg9 : memref<128x128xf32, #tpu.memory_space<vmem>>) offsets(%dma_start3A_91 : memref<128xi32, #tpu.memory_space<vmem>>) semaphore(%arg12 : memref<!tpu.dma_semaphore, #tpu.memory_space<semaphore_mem>>)
      %add3A_95 = arith.constant 1 : i32
      %add3A_96 = arith.addi %mul3A_71, %add3A_95 : i32
      %dma_wait3A_97 = arith.constant 0 : i32
      %dma_wait3A_98 = tpu.memref_slice %arg7[%add3A_96, %dma_wait3A_97] : memref<40x128xi32, #tpu.memory_space<vmem>> -> memref<1x128xi32, #tpu.memory_space<vmem>>
      %dma_wait3A_99 = tpu.memref_squeeze %dma_wait3A_98 : memref<1x128xi32, #tpu.memory_space<vmem>> -> memref<128xi32, #tpu.memory_space<vmem>>
      %dma_wait3A_100 = arith.constant 0 : i32
      %dma_wait3A_101 = arith.constant 0 : i32
      %dma_wait3A_102 = tpu.memref_slice %arg2[%dma_wait3A_100, %dma_wait3A_101] : memref<10240x128xf32, #tpu.memory_space<hbm>> -> memref<10240x128xf32, #tpu.memory_space<hbm>>
      tpu.wait_indirect_dma semaphore(%arg13 : memref<!tpu.dma_semaphore, #tpu.memory_space<semaphore_mem>>) src(%dma_wait3A_102 : memref<10240x128xf32, #tpu.memory_space<hbm>>) dst(%arg10 : memref<128x128xf32, #tpu.memory_space<vmem>>)
      %add3A_103 = arith.constant 1 : i32
      %add3A_104 = arith.addi %mul3A_71, %add3A_103 : i32
      "tpu.region"() ({
        %run_scoped3A_106 = tpu.sem_alloc : memref<!tpu.dma_semaphore, #tpu.memory_space<semaphore_mem>>
        %dma_start3A_107 = arith.constant 0 : i32
        %dma_start3A_108 = tpu.memref_slice %arg8[%add3A_104, %dma_start3A_107] : memref<40x128xi32, #tpu.memory_space<vmem>> -> memref<1x128xi32, #tpu.memory_space<vmem>>
        %dma_start3A_109 = tpu.memref_squeeze %dma_start3A_108 : memref<1x128xi32, #tpu.memory_space<vmem>> -> memref<128xi32, #tpu.memory_space<vmem>>
        %dma_start3A_110 = arith.constant 0 : i32
        %dma_start3A_111 = arith.constant 0 : i32
        %dma_start3A_112 = tpu.memref_slice %arg11[%dma_start3A_110, %dma_start3A_111] : memref<10240x128xf32, #tpu.memory_space<vmem_shared>> -> memref<10240x128xf32, #tpu.memory_space<vmem_shared>>
        tpu.enqueue_indirect_dma source(%arg10 : memref<128x128xf32, #tpu.memory_space<vmem>>) target(%dma_start3A_112 : memref<10240x128xf32, #tpu.memory_space<vmem_shared>>) offsets(%dma_start3A_109 : memref<128xi32, #tpu.memory_space<vmem>>) semaphore(%run_scoped3A_106 : memref<!tpu.dma_semaphore, #tpu.memory_space<semaphore_mem>>) {add = true}
        %dma_wait3A_113 = arith.constant 0 : i32
        %dma_wait3A_114 = tpu.memref_slice %arg8[%add3A_104, %dma_wait3A_113] : memref<40x128xi32, #tpu.memory_space<vmem>> -> memref<1x128xi32, #tpu.memory_space<vmem>>
        %dma_wait3A_115 = tpu.memref_squeeze %dma_wait3A_114 : memref<1x128xi32, #tpu.memory_space<vmem>> -> memref<128xi32, #tpu.memory_space<vmem>>
        %dma_wait3A_116 = arith.constant 0 : i32
        %dma_wait3A_117 = arith.constant 0 : i32
        %dma_wait3A_118 = tpu.memref_slice %arg11[%dma_wait3A_116, %dma_wait3A_117] : memref<10240x128xf32, #tpu.memory_space<vmem_shared>> -> memref<10240x128xf32, #tpu.memory_space<vmem_shared>>
        tpu.wait_indirect_dma semaphore(%run_scoped3A_106 : memref<!tpu.dma_semaphore, #tpu.memory_space<semaphore_mem>>) src(%arg10 : memref<128x128xf32, #tpu.memory_space<vmem>>) dst(%dma_wait3A_118 : memref<10240x128xf32, #tpu.memory_space<vmem_shared>>)
        tpu.yield
      }) : () -> ()
      %scan3A_105 = arith.constant 0 : i32
      scf.yield %scan3A_105 : i32
    }
    %scan3A_55 = arith.constant 20 : i32
    %dma_wait3A_56 = arith.constant 39 : i32
    %dma_wait3A_57 = arith.constant 0 : i32
    %dma_wait3A_58 = tpu.memref_slice %arg7[%dma_wait3A_56, %dma_wait3A_57] : memref<40x128xi32, #tpu.memory_space<vmem>> -> memref<1x128xi32, #tpu.memory_space<vmem>>
    %dma_wait3A_59 = tpu.memref_squeeze %dma_wait3A_58 : memref<1x128xi32, #tpu.memory_space<vmem>> -> memref<128xi32, #tpu.memory_space<vmem>>
    %dma_wait3A_60 = arith.constant 0 : i32
    %dma_wait3A_61 = arith.constant 0 : i32
    %dma_wait3A_62 = tpu.memref_slice %arg2[%dma_wait3A_60, %dma_wait3A_61] : memref<10240x128xf32, #tpu.memory_space<hbm>> -> memref<10240x128xf32, #tpu.memory_space<hbm>>
    tpu.wait_indirect_dma semaphore(%arg12 : memref<!tpu.dma_semaphore, #tpu.memory_space<semaphore_mem>>) src(%dma_wait3A_62 : memref<10240x128xf32, #tpu.memory_space<hbm>>) dst(%arg9 : memref<128x128xf32, #tpu.memory_space<vmem>>)
    %barrier3A_63 = arith.constant 0 : index
    tpu.barrier barrier_id(%barrier3A_63)
    %mul3A_64 = arith.constant 640 : i32
    %mul3A_65 = arith.muli %arg1, %mul3A_64 : i32
    %mul3A_66 = arith.constant 640 : i32
    %mul3A_67 = arith.muli %arg1, %mul3A_66 : i32
    "tpu.region"() ({
      %run_scoped3A_68 = tpu.sem_alloc : memref<!tpu.dma_semaphore, #tpu.memory_space<semaphore_mem>>
      %dma_start3A_69 = arith.constant 0 : i32
      %dma_start3A_70 = tpu.memref_slice %arg6[%arg0, %mul3A_67, %dma_start3A_69] : memref<2x10240x128xf32, #tpu.memory_space<hbm>> -> memref<1x640x128xf32, #tpu.memory_space<hbm>>
      %dma_start3A_71 = tpu.memref_squeeze %dma_start3A_70 : memref<1x640x128xf32, #tpu.memory_space<hbm>> -> memref<640x128xf32, #tpu.memory_space<hbm>>
      %dma_start3A_72 = arith.constant 0 : i32
      %dma_start3A_73 = tpu.memref_slice %arg11[%mul3A_65, %dma_start3A_72] : memref<10240x128xf32, #tpu.memory_space<vmem_shared>> -> memref<640x128xf32, #tpu.memory_space<vmem_shared>>
      tpu.enqueue_dma source(%dma_start3A_73 : memref<640x128xf32, #tpu.memory_space<vmem_shared>>) target(%dma_start3A_71 : memref<640x128xf32, #tpu.memory_space<hbm>>) target_semaphore(%run_scoped3A_68 : memref<!tpu.dma_semaphore, #tpu.memory_space<semaphore_mem>>)
      %dma_wait3A_74 = arith.constant 0 : i32
      %dma_wait3A_75 = tpu.memref_slice %arg6[%arg0, %mul3A_67, %dma_wait3A_74] : memref<2x10240x128xf32, #tpu.memory_space<hbm>> -> memref<1x640x128xf32, #tpu.memory_space<hbm>>
      %dma_wait3A_76 = tpu.memref_squeeze %dma_wait3A_75 : memref<1x640x128xf32, #tpu.memory_space<hbm>> -> memref<640x128xf32, #tpu.memory_space<hbm>>
      %dma_wait3A_77 = arith.constant 0 : i32
      %dma_wait3A_78 = tpu.memref_slice %arg11[%mul3A_65, %dma_wait3A_77] : memref<10240x128xf32, #tpu.memory_space<vmem_shared>> -> memref<640x128xf32, #tpu.memory_space<vmem_shared>>
      tpu.wait_dma2 semaphore(%run_scoped3A_68 : memref<!tpu.dma_semaphore, #tpu.memory_space<semaphore_mem>>) src(%dma_wait3A_78 : memref<640x128xf32, #tpu.memory_space<vmem_shared>>) dst(%dma_wait3A_76 : memref<640x128xf32, #tpu.memory_space<hbm>>)
      tpu.yield
    }) : () -> ()
    return
  }
}

module attributes {stable_mosaic.version = 14 : i64} {
  func.func @_mm1_body(%arg0: i32, %arg1: memref<512x128xf32, #tpu.memory_space<vmem>>, %arg2: memref<512x128xf32, #tpu.memory_space<vmem>>, %arg3: memref<512x128xf32, #tpu.memory_space<vmem>>, %arg4: memref<128x128xf32, #tpu.memory_space<vmem>>, %arg5: memref<512x128xf32, #tpu.memory_space<vmem>>, %arg6: memref<512x1xf32, #tpu.memory_space<vmem>>) attributes {dimension_semantics = [#tpu.dimension_semantics<arbitrary>], iteration_bounds = array<i64: 20>, scalar_prefetch = 0 : i64, scratch_operands = 0 : i64, tpu.core_type = #tpu.core_type<tc>, window_params = [{transform_indices = @transform_0, window_bounds = array<i64: 512, 128>}, {transform_indices = @transform_1, window_bounds = array<i64: 512, 128>}, {transform_indices = @transform_2, window_bounds = array<i64: 512, 128>}, {pipeline_mode = #tpu.pipeline_mode<synchronous>, transform_indices = @transform_3, window_bounds = array<i64: 128, 128>}, {transform_indices = @transform_4, window_bounds = array<i64: 512, 128>}, {transform_indices = @transform_5, window_bounds = array<i64: 512, 1>}]} {
    %iota3A = tpu.iota {dimensions = array<i32: 0>} : vector<512x1xi32>
    %mul3A = arith.constant 512 : i32
    %mul3A_0 = arith.muli %arg0, %mul3A : i32
    %add3A = vector.broadcast %mul3A_0 : i32 to vector<512x1xi32>
    %add3A_1 = arith.addi %iota3A, %add3A : vector<512x1xi32>
    %get3A = arith.constant 0 : index
    %get3A_2 = arith.constant 0 : index
    %get3A_3 = vector.load %arg1[%get3A, %get3A_2] : memref<512x128xf32, #tpu.memory_space<vmem>>, vector<512x1xf32>
    %add3A_4 = arith.constant 1.000000e+00 : f32
    %add3A_5 = vector.broadcast %add3A_4 : f32 to vector<512x1xf32>
    %add3A_6 = arith.addf %add3A_5, %get3A_3 : vector<512x1xf32>
    %get3A_7 = arith.constant 0 : index
    %get3A_8 = arith.constant 0 : index
    %get3A_9 = vector.load %arg2[%get3A_7, %get3A_8] : memref<512x128xf32, #tpu.memory_space<vmem>>, vector<512x1xf32>
    %add3A_10 = arith.addf %add3A_6, %get3A_9 : vector<512x1xf32>
    %lt3A = arith.constant 10000 : i32
    %lt3A_11 = vector.broadcast %lt3A : i32 to vector<512x1xi32>
    %lt3A_12 = arith.cmpi slt, %add3A_1, %lt3A_11 : vector<512x1xi32>
    %rsqrt3A = math.rsqrt %add3A_10 : vector<512x1xf32>
    %jit3A = arith.constant 0.000000e+00 : f32
    %broadcast_in_dim3A = vector.broadcast %jit3A : f32 to vector<512x1xf32>
    %select_n3A = arith.select %lt3A_12, %rsqrt3A, %broadcast_in_dim3A : vector<512x1xi1>, vector<512x1xf32>
    %swap3A = arith.constant 0 : index
    %swap3A_13 = arith.constant 0 : index
    %swap3A_14 = vector.load %arg6[%swap3A, %swap3A_13] : memref<512x1xf32, #tpu.memory_space<vmem>>, vector<512x1xf32>
    tpu.vector_store %arg6[%swap3A, %swap3A_13], %select_n3A {strides = array<i32>} : memref<512x1xf32, #tpu.memory_space<vmem>>, vector<512x1xf32>,
    %get3A_15 = arith.constant 0 : index
    %get3A_16 = arith.constant 0 : index
    %get3A_17 = vector.load %arg3[%get3A_15, %get3A_16] : memref<512x128xf32, #tpu.memory_space<vmem>>, vector<512x128xf32>
    %get3A_18 = arith.constant 0 : index
    %get3A_19 = arith.constant 0 : index
    %get3A_20 = vector.load %arg4[%get3A_18, %get3A_19] : memref<128x128xf32, #tpu.memory_space<vmem>>, vector<128x128xf32>
    %dot_general3A = arith.constant dense<0.000000e+00> : vector<512x128xf32>
    %dot_general3A_21 = tpu.matmul %get3A_17, %get3A_20, %dot_general3A {dimension_numbers = #tpu.dot_dimension_numbers<[1], [0], [0], [1], [0, 0, 1, 1], [], []>, transpose_lhs_hint = false} : vector<512x128xf32>, vector<128x128xf32>, vector<512x128xf32> -> vector<512x128xf32>
    %mul3A_22 = vector.broadcast %select_n3A : vector<512x1xf32> to vector<512x128xf32>
    %mul3A_23 = arith.mulf %mul3A_22, %dot_general3A_21 : vector<512x128xf32>
    %swap3A_24 = arith.constant 0 : index
    %swap3A_25 = arith.constant 0 : index
    %swap3A_26 = vector.load %arg5[%swap3A_24, %swap3A_25] : memref<512x128xf32, #tpu.memory_space<vmem>>, vector<512x128xf32>
    tpu.vector_store %arg5[%swap3A_24, %swap3A_25], %mul3A_23 {strides = array<i32>} : memref<512x128xf32, #tpu.memory_space<vmem>>, vector<512x128xf32>,
    return
  }
  func.func @transform_0(%arg0: i32) -> (i32, i32) {
    %c0_i32 = arith.constant 0 : i32
    %c0_i32_0 = arith.constant 0 : i32
    return %arg0, %c0_i32 : i32, i32
  }
  func.func @transform_1(%arg0: i32) -> (i32, i32) {
    %c0_i32 = arith.constant 0 : i32
    %c0_i32_0 = arith.constant 0 : i32
    return %arg0, %c0_i32 : i32, i32
  }
  func.func @transform_2(%arg0: i32) -> (i32, i32) {
    %c0_i32 = arith.constant 0 : i32
    %c0_i32_0 = arith.constant 0 : i32
    return %arg0, %c0_i32 : i32, i32
  }
  func.func @transform_3(%arg0: i32) -> (i32, i32) {
    %c0_i32 = arith.constant 0 : i32
    %c0_i32_0 = arith.constant 0 : i32
    %c0_i32_1 = arith.constant 0 : i32
    return %c0_i32, %c0_i32_0 : i32, i32
  }
  func.func @transform_4(%arg0: i32) -> (i32, i32) {
    %c0_i32 = arith.constant 0 : i32
    %c0_i32_0 = arith.constant 0 : i32
    return %arg0, %c0_i32 : i32, i32
  }
  func.func @transform_5(%arg0: i32) -> (i32, i32) {
    %c0_i32 = arith.constant 0 : i32
    %c0_i32_0 = arith.constant 0 : i32
    return %arg0, %c0_i32 : i32, i32
  }
}

module attributes {stable_mosaic.version = 14 : i64} {
  func.func @_mm2_body(%arg0: i32, %arg1: memref<512x1xf32, #tpu.memory_space<vmem>>, %arg2: memref<512x128xf32, #tpu.memory_space<vmem>>, %arg3: memref<512x128xf32, #tpu.memory_space<vmem>>, %arg4: memref<512x128xf32, #tpu.memory_space<vmem>>, %arg5: memref<1x128xf32, #tpu.memory_space<vmem>>, %arg6: memref<128x128xf32, #tpu.memory_space<vmem>>, %arg7: memref<512x128xf32, #tpu.memory_space<vmem>>) attributes {dimension_semantics = [#tpu.dimension_semantics<arbitrary>], iteration_bounds = array<i64: 20>, scalar_prefetch = 0 : i64, scratch_operands = 0 : i64, tpu.core_type = #tpu.core_type<tc>, window_params = [{transform_indices = @transform_0, window_bounds = array<i64: 512, 1>}, {transform_indices = @transform_1, window_bounds = array<i64: 512, 128>}, {transform_indices = @transform_2, window_bounds = array<i64: 512, 128>}, {transform_indices = @transform_3, window_bounds = array<i64: 512, 128>}, {pipeline_mode = #tpu.pipeline_mode<synchronous>, transform_indices = @transform_4, window_bounds = array<i64: 1, 128>}, {pipeline_mode = #tpu.pipeline_mode<synchronous>, transform_indices = @transform_5, window_bounds = array<i64: 128, 128>}, {transform_indices = @transform_6, window_bounds = array<i64: 512, 128>}]} {
    %get3A = arith.constant 0 : index
    %get3A_0 = arith.constant 0 : index
    %get3A_1 = vector.load %arg1[%get3A, %get3A_0] : memref<512x1xf32, #tpu.memory_space<vmem>>, vector<512x1xf32>
    %get3A_2 = arith.constant 0 : index
    %get3A_3 = arith.constant 0 : index
    %get3A_4 = vector.load %arg2[%get3A_2, %get3A_3] : memref<512x128xf32, #tpu.memory_space<vmem>>, vector<512x128xf32>
    %get3A_5 = arith.constant 0 : index
    %get3A_6 = arith.constant 0 : index
    %get3A_7 = vector.load %arg3[%get3A_5, %get3A_6] : memref<512x128xf32, #tpu.memory_space<vmem>>, vector<512x128xf32>
    %add3A = arith.addf %get3A_4, %get3A_7 : vector<512x128xf32>
    %get3A_8 = arith.constant 0 : index
    %get3A_9 = arith.constant 0 : index
    %get3A_10 = vector.load %arg4[%get3A_8, %get3A_9] : memref<512x128xf32, #tpu.memory_space<vmem>>, vector<512x128xf32>
    %add3A_11 = arith.addf %add3A, %get3A_10 : vector<512x128xf32>
    %mul3A = vector.broadcast %get3A_1 : vector<512x1xf32> to vector<512x128xf32>
    %mul3A_12 = arith.mulf %mul3A, %add3A_11 : vector<512x128xf32>
    %get3A_13 = arith.constant 0 : index
    %get3A_14 = arith.constant 0 : index
    %get3A_15 = vector.load %arg5[%get3A_13, %get3A_14] : memref<1x128xf32, #tpu.memory_space<vmem>>, vector<1x128xf32>
    %add3A_16 = vector.broadcast %get3A_15 : vector<1x128xf32> to vector<512x128xf32>
    %add3A_17 = arith.addf %mul3A_12, %add3A_16 : vector<512x128xf32>
    %max3A = arith.constant 0.000000e+00 : f32
    %max3A_18 = vector.broadcast %max3A : f32 to vector<512x128xf32>
    %max3A_19 = arith.maximumf %add3A_17, %max3A_18 : vector<512x128xf32>
    %get3A_20 = arith.constant 0 : index
    %get3A_21 = arith.constant 0 : index
    %get3A_22 = vector.load %arg6[%get3A_20, %get3A_21] : memref<128x128xf32, #tpu.memory_space<vmem>>, vector<128x128xf32>
    %dot_general3A = arith.constant dense<0.000000e+00> : vector<512x128xf32>
    %dot_general3A_23 = tpu.matmul %max3A_19, %get3A_22, %dot_general3A {dimension_numbers = #tpu.dot_dimension_numbers<[1], [0], [0], [1], [0, 0, 1, 1], [], []>, transpose_lhs_hint = false} : vector<512x128xf32>, vector<128x128xf32>, vector<512x128xf32> -> vector<512x128xf32>
    %mul3A_24 = vector.broadcast %get3A_1 : vector<512x1xf32> to vector<512x128xf32>
    %mul3A_25 = arith.mulf %mul3A_24, %dot_general3A_23 : vector<512x128xf32>
    %swap3A = arith.constant 0 : index
    %swap3A_26 = arith.constant 0 : index
    %swap3A_27 = vector.load %arg7[%swap3A, %swap3A_26] : memref<512x128xf32, #tpu.memory_space<vmem>>, vector<512x128xf32>
    tpu.vector_store %arg7[%swap3A, %swap3A_26], %mul3A_25 {strides = array<i32>} : memref<512x128xf32, #tpu.memory_space<vmem>>, vector<512x128xf32>,
    return
  }
  func.func @transform_0(%arg0: i32) -> (i32, i32) {
    %c0_i32 = arith.constant 0 : i32
    %c0_i32_0 = arith.constant 0 : i32
    return %arg0, %c0_i32 : i32, i32
  }
  func.func @transform_1(%arg0: i32) -> (i32, i32) {
    %c0_i32 = arith.constant 0 : i32
    %c0_i32_0 = arith.constant 0 : i32
    return %arg0, %c0_i32 : i32, i32
  }
  func.func @transform_2(%arg0: i32) -> (i32, i32) {
    %c0_i32 = arith.constant 0 : i32
    %c0_i32_0 = arith.constant 0 : i32
    return %arg0, %c0_i32 : i32, i32
  }
  func.func @transform_3(%arg0: i32) -> (i32, i32) {
    %c0_i32 = arith.constant 0 : i32
    %c0_i32_0 = arith.constant 0 : i32
    return %arg0, %c0_i32 : i32, i32
  }
  func.func @transform_4(%arg0: i32) -> (i32, i32) {
    %c0_i32 = arith.constant 0 : i32
    %c0_i32_0 = arith.constant 0 : i32
    %c0_i32_1 = arith.constant 0 : i32
    return %c0_i32, %c0_i32_0 : i32, i32
  }
  func.func @transform_5(%arg0: i32) -> (i32, i32) {
    %c0_i32 = arith.constant 0 : i32
    %c0_i32_0 = arith.constant 0 : i32
    %c0_i32_1 = arith.constant 0 : i32
    return %c0_i32, %c0_i32_0 : i32, i32
  }
  func.func @transform_6(%arg0: i32) -> (i32, i32) {
    %c0_i32 = arith.constant 0 : i32
    %c0_i32_0 = arith.constant 0 : i32
    return %arg0, %c0_i32 : i32, i32
  }
}

module attributes {stable_mosaic.version = 14 : i64} {
  func.func @_fin_body(%arg0: i32, %arg1: memref<512x1xf32, #tpu.memory_space<vmem>>, %arg2: memref<512x128xf32, #tpu.memory_space<vmem>>, %arg3: memref<512x128xf32, #tpu.memory_space<vmem>>, %arg4: memref<512x128xf32, #tpu.memory_space<vmem>>, %arg5: memref<1x128xf32, #tpu.memory_space<vmem>>, %arg6: memref<512x128xf32, #tpu.memory_space<vmem>>) attributes {dimension_semantics = [#tpu.dimension_semantics<arbitrary>], iteration_bounds = array<i64: 20>, scalar_prefetch = 0 : i64, scratch_operands = 0 : i64, tpu.core_type = #tpu.core_type<tc>, window_params = [{transform_indices = @transform_0, window_bounds = array<i64: 512, 1>}, {transform_indices = @transform_1, window_bounds = array<i64: 512, 128>}, {transform_indices = @transform_2, window_bounds = array<i64: 512, 128>}, {transform_indices = @transform_3, window_bounds = array<i64: 512, 128>}, {pipeline_mode = #tpu.pipeline_mode<synchronous>, transform_indices = @transform_4, window_bounds = array<i64: 1, 128>}, {transform_indices = @transform_5, window_bounds = array<i64: 512, 128>}]} {
    %get3A = arith.constant 0 : index
    %get3A_0 = arith.constant 0 : index
    %get3A_1 = vector.load %arg1[%get3A, %get3A_0] : memref<512x1xf32, #tpu.memory_space<vmem>>, vector<512x1xf32>
    %get3A_2 = arith.constant 0 : index
    %get3A_3 = arith.constant 0 : index
    %get3A_4 = vector.load %arg2[%get3A_2, %get3A_3] : memref<512x128xf32, #tpu.memory_space<vmem>>, vector<512x128xf32>
    %get3A_5 = arith.constant 0 : index
    %get3A_6 = arith.constant 0 : index
    %get3A_7 = vector.load %arg3[%get3A_5, %get3A_6] : memref<512x128xf32, #tpu.memory_space<vmem>>, vector<512x128xf32>
    %add3A = arith.addf %get3A_4, %get3A_7 : vector<512x128xf32>
    %get3A_8 = arith.constant 0 : index
    %get3A_9 = arith.constant 0 : index
    %get3A_10 = vector.load %arg4[%get3A_8, %get3A_9] : memref<512x128xf32, #tpu.memory_space<vmem>>, vector<512x128xf32>
    %add3A_11 = arith.addf %add3A, %get3A_10 : vector<512x128xf32>
    %mul3A = vector.broadcast %get3A_1 : vector<512x1xf32> to vector<512x128xf32>
    %mul3A_12 = arith.mulf %mul3A, %add3A_11 : vector<512x128xf32>
    %get3A_13 = arith.constant 0 : index
    %get3A_14 = arith.constant 0 : index
    %get3A_15 = vector.load %arg5[%get3A_13, %get3A_14] : memref<1x128xf32, #tpu.memory_space<vmem>>, vector<1x128xf32>
    %add3A_16 = vector.broadcast %get3A_15 : vector<1x128xf32> to vector<512x128xf32>
    %add3A_17 = arith.addf %mul3A_12, %add3A_16 : vector<512x128xf32>
    %swap3A = arith.constant 0 : index
    %swap3A_18 = arith.constant 0 : index
    %swap3A_19 = vector.load %arg6[%swap3A, %swap3A_18] : memref<512x128xf32, #tpu.memory_space<vmem>>, vector<512x128xf32>
    tpu.vector_store %arg6[%swap3A, %swap3A_18], %add3A_17 {strides = array<i32>} : memref<512x128xf32, #tpu.memory_space<vmem>>, vector<512x128xf32>,
    return
  }
  func.func @transform_0(%arg0: i32) -> (i32, i32) {
    %c0_i32 = arith.constant 0 : i32
    %c0_i32_0 = arith.constant 0 : i32
    return %arg0, %c0_i32 : i32, i32
  }
  func.func @transform_1(%arg0: i32) -> (i32, i32) {
    %c0_i32 = arith.constant 0 : i32
    %c0_i32_0 = arith.constant 0 : i32
    return %arg0, %c0_i32 : i32, i32
  }
  func.func @transform_2(%arg0: i32) -> (i32, i32) {
    %c0_i32 = arith.constant 0 : i32
    %c0_i32_0 = arith.constant 0 : i32
    return %arg0, %c0_i32 : i32, i32
  }
  func.func @transform_3(%arg0: i32) -> (i32, i32) {
    %c0_i32 = arith.constant 0 : i32
    %c0_i32_0 = arith.constant 0 : i32
    return %arg0, %c0_i32 : i32, i32
  }
  func.func @transform_4(%arg0: i32) -> (i32, i32) {
    %c0_i32 = arith.constant 0 : i32
    %c0_i32_0 = arith.constant 0 : i32
    %c0_i32_1 = arith.constant 0 : i32
    return %c0_i32, %c0_i32_0 : i32, i32
  }
  func.func @transform_5(%arg0: i32) -> (i32, i32) {
    %c0_i32 = arith.constant 0 : i32
    %c0_i32_0 = arith.constant 0 : i32
    return %arg0, %c0_i32 : i32, i32
  }
}

</mosaic_0001>

<sc_bundles>
// kernel: kernel.11.cloned.1.call-start
scs
__scs_entry_jumppad:
0x0: {  	(pc) =	sbr.rel $0x88, $3  }
0x1: {  	(tag) =	ssettag $0x0;
	lr =	simm.s32 $0x1  }
0x2: {  	[smem:$0x3F9B] =	sst lr;
	_ =	strace $0xD0000000  }
0x3: {  	_ = 	snop  }
0x4: {  	_ = 	snop  }
0x5: {  	_ = 	snop  }
0x6: {  	_ = 	snop  }
0x7: {  	_ = 	snop  }
__scs_overlays_trampoline_lowered:
0x8: {  	[smem:$0x3FAA] =	sst s0  }
0x9: {  	[smem:$0x3FAB] =	sst s1  }
0xa: {  	[smem:$0x3FAC] =	sst s2  }
0xb: {  	[smem:$0x3FAD] =	sst s3  }
0xc: {  	[smem:$0x3FAE] =	sst s4  }
0xd: {  	[smem:$0x3FAF] =	sst s5  }
0xe: {  	[smem:$0x3FB0] =	sst s6  }
0xf: {  	[smem:$0x3FB1] =	sst s7  }
0x10: {  	[smem:$0x3FB2] =	sst s8  }
0x11: {  	[smem:$0x3FB3] =	sst s9;
	s0 =	simm.s32 @!p0 $0x0  }
0x12: {  	s1 =	sld [smem:$0x3F99];
	s0 =	simm.s32 @p0 $0x1  }
0x13: {  	[smem:$0x3FB4] =	sst s0;
	s0 =	simm.s32 @!p1 $0x0  }
0x14: {  	s2 =	sld [smem:$0x3F98];
	s0 =	simm.s32 @p1 $0x1  }
0x15: {  	[smem:$0x3FB5] =	sst s0;
	s0 =	simm.s32 @!p2 $0x0  }
0x16: {  	s3 =	sld [smem:$0x3FDB];
	s0 =	simm.s32 @p2 $0x1  }
0x17: {  	s4 =	simm.s32 $0x1BF5;
	[smem:$0x3FB7] =	sst s0  }
0x18: {  	s0 =	sld [smem:$0x3F9A];
	_ =	swait.ge [sflag:s4], $0x0  }
0x19: {  	s7 =	sld [smem:$0x3F9B]  }
0x1a: {  	s8 =	sadd.s32 $0xFFFFE003, lr  }
0x1b: {  	s9 =	sadd.s32 $0xFFFFFEF7, lr;
	s5 =	simm.s32 $0xFFFFFFFF;
	p2 =	slt.u32 s8, $0xFFFFF086  }
0x1c: {  	p1 =	slt.u32 s9, $0xF7A;
	s5 =	simm.s32 @!p2 $0x0  }
0x1d: {  	s5 =	simm.s32 @p1 $0x1;
	p0 =	seq.s32 s7, s2  }
0x1e: {  	s7 =	smul.u32 @!p0 $0xF7A, s2;
	p2 =	seq.s32 @!p0 s5, $0x0  }
0x1f: {  	s9 =	smul.u32 $0xF7A, s1;
	s8 =	simm.s32 @!p0 $0x1BF5;
	p2 =	por !p2, p0  }
0x20: {  	[sflag:s8] =	ssyncset.s32 @!p0 $0xFFFFF086;
	s6 =	sadd.s32 @!p0 s3, s7;
	s7 =	simm.s32 @!p0 $0x108  }
0x21: {  	s3 =	sadd.s32 s3, s9;
	s6 =	sadd.s32 @!p0 $0x88, s6;
	s7 =	simm.s32 @p2 $0x1082  }
0x22: {  	[simem:s7], [sflag:s8] =	dma.local @!p0 [hbm:s6], $0xF7A  }
0x23: {  	s9 =	sor.u32 $0xD0000000, s2;
	s6 =	simm.s32 $0x108;
	_ =	swait.ge @!p0 [sflag:s8], $0x0  }
0x24: {  	s3 =	sadd.s32 $0x88, s3;
	s6 =	simm.s32 @!p1 $0x1082;
	[sflag:s4] =	ssyncset.s32 $0xFFFFF086  }
0x25: {  	[simem:s6], [sflag:s4] =	dma.local [hbm:s3], $0xF7A  }
0x26: {  	[smem:$0x3F9B] =	sst s1;
	(tag) =	ssettag s2;
	_ =	strace s9  }
0x27: {  	s1 =	sld [smem:$0x3FAB]  }
0x28: {  	s2 =	sld [smem:$0x3FAC]  }
0x29: {  	s4 =	sld [smem:$0x3FAE]  }
0x2a: {  	p0 =	seq.s32 s5, $0x0;
	s5 =	sld [smem:$0x3FAF]  }
0x2b: {  	s6 =	sld [smem:$0x3FB0]  }
0x2c: {  	s7 =	sld [smem:$0x3FB1]  }
0x2d: {  	s3 =	simm.s32 $0x108;
	s8 =	sld [smem:$0x3FB2]  }
0x2e: {  	s3 =	simm.s32 @!p0 $0x1082;
	s9 =	sld [smem:$0x3FB3]  }
0x2f: {  	lr =	sadd.s32 s0, s3;
	s0 =	sld [smem:$0x3FAA]  }
0x30: {  	s3 =	sld [smem:$0x3FAD]  }
0x31: {  	[smem:$0x3FB6] =	sst s10  }
0x32: {  	s10 =	sld [smem:$0x3FB4];
	_ =	sdelay $0x3  }
0x33: {  	p0 =	seq.s32 s10, $0x1;
	s10 =	sld [smem:$0x3FB6];
	_ =	sdelay $0x3  }
0x34: {  	[smem:$0x3FB6] =	sst s10  }
0x35: {  	s10 =	sld [smem:$0x3FB5];
	_ =	sdelay $0x3  }
0x36: {  	p1 =	seq.s32 s10, $0x1;
	s10 =	sld [smem:$0x3FB6];
	_ =	sdelay $0x3  }
0x37: {  	[smem:$0x3FB6] =	sst s10  }
0x38: {  	s10 =	sld [smem:$0x3FB7]  }
0x39: {  	_ = 	snop;
	(pc) =	sbr.ind lr, $3  }
0x3a: {  	_ = 	snop  }
0x3b: {  	_ = 	snop  }
0x3c: {  	p2 =	seq.s32 s10, $0x1;
	s10 =	sld [smem:$0x3FB6]  }
0x3d: {  	_ =	shalt  }
0x3e: {  	_ =	shalt  }
0x3f: {  	_ =	shalt  }
0x40: {  	_ =	shalt  }
0x41: {  	_ =	shalt  }
0x42: {  	_ =	shalt  }
0x43: {  	_ =	shalt  }
0x44: {  	_ =	shalt  }
0x45: {  	_ =	shalt  }
0x46: {  	_ =	shalt  }
0x47: {  	_ =	shalt  }
0x48: {  	_ =	shalt  }
0x49: {  	_ =	shalt  }
0x4a: {  	_ =	shalt  }
0x4b: {  	_ =	shalt  }
0x4c: {  	_ =	shalt  }
0x4d: {  	_ =	shalt  }
0x4e: {  	_ =	shalt  }
0x4f: {  	_ =	shalt  }
0x50: {  	_ =	shalt  }
0x51: {  	_ =	shalt  }
0x52: {  	_ =	shalt  }
0x53: {  	_ =	shalt  }
0x54: {  	_ =	shalt  }
0x55: {  	_ =	shalt  }
0x56: {  	_ =	shalt  }
0x57: {  	_ =	shalt  }
0x58: {  	_ =	shalt  }
0x59: {  	_ =	shalt  }
0x5a: {  	_ =	shalt  }
0x5b: {  	_ =	shalt  }
0x5c: {  	_ =	shalt  }
0x5d: {  	_ =	shalt  }
0x5e: {  	_ =	shalt  }
0x5f: {  	_ =	shalt  }
0x60: {  	_ =	shalt  }
0x61: {  	_ =	shalt  }
0x62: {  	_ =	shalt  }
0x63: {  	_ =	shalt  }
0x64: {  	_ =	shalt  }
0x65: {  	_ =	shalt  }
0x66: {  	_ =	shalt  }
0x67: {  	_ =	shalt  }
0x68: {  	_ =	shalt  }
0x69: {  	_ =	shalt  }
0x6a: {  	_ =	shalt  }
0x6b: {  	_ =	shalt  }
0x6c: {  	_ =	shalt  }
0x6d: {  	_ =	shalt  }
0x6e: {  	_ =	shalt  }
0x6f: {  	_ =	shalt  }
0x70: {  	_ =	shalt  }
0x71: {  	_ =	shalt  }
0x72: {  	_ =	shalt  }
0x73: {  	_ =	shalt  }
0x74: {  	_ =	shalt  }
0x75: {  	_ =	shalt  }
0x76: {  	_ =	shalt  }
0x77: {  	_ =	shalt  }
0x78: {  	_ =	shalt  }
0x79: {  	_ =	shalt  }
0x7a: {  	_ =	shalt  }
0x7b: {  	_ =	shalt  }
0x7c: {  	_ =	shalt  }
0x7d: {  	_ =	shalt  }
0x7e: {  	_ =	shalt  }
0x7f: {  	_ =	shalt  }
0x80: {  	_ =	shalt  }
0x81: {  	_ =	shalt  }
0x82: {  	_ =	shalt  }
0x83: {  	_ =	shalt  }
0x84: {  	_ =	shalt  }
0x85: {  	_ =	shalt  }
0x86: {  	_ =	shalt  }
0x87: {  	_ =	shalt  }
.Lfunc_end0:
.L_simem_size_0:
called_computation.1_lowered:
.L_overlay_start_0:
0x88: {  	s2 =	sld [smem:$0x3FD9]  }
0x89: {  	s3 =	sld [smem:$0x3FFE];
	_ =	sdelay $0x1  }
0x8a: {  	s1 =	srdreg.scid  }
0x8b: {  	s0 =	sand.u32 $0x1, s1  }
0x8c: {  	s17 =	sshll.u32 s0, $0xA;
	s2 =	sadd.s32 s3, s2  }
0x8d: {  	s2 =	sadd.s32 s2, s17  }
0x8e: {  	[smem:$0x3FC2] =	sst s2  }
0x8f: {  	_ = 	snop  }
0x90: {  	s2 =	sld [smem:$0x3FD0];
	(tm) =	ssettm $0x1  }
0x91: {  	s18 =	sld [smem:$0x3FFB];
	_ =	sdelay $0x3  }
0x92: {  	_ =	strace s18  }
0x93: {  	s3 =	sld [smem:$0x3FFC];
	_ =	sdelay $0x3  }
0x94: {  	_ =	strace s3  }
0x95: {  	s3 =	sld [smem:$0x3FFD];
	_ =	sdelay $0x3  }
0x96: {  	_ =	strace s3  }
0x97: {  	_ =	strace $0x8FFFFFFF  }
0x98: {  	s19 =	sld [smem:$0x3FDB];
	_ =	sdelay $0x1  }
0x99: {  	s4 =	simm.s32 $_scs_section_size  }
0x9a: {  	s5 =	simm.s32 $_size__tile_overlayer_lowered;
	s6 =	simm.s32 $_tile_overlayer_lowered  }
0x9b: {  	s22 =	simm.s32 $0x1BFF;
	s21 =	sshll.u32 s6, $0x1;
	s3 =	sadd.s32 s4, s19  }
0x9c: {  	s7 =	simm.s32 $0x0;
	s20 =	sshll.u32 s5, $0x1;
	s5 =	sadd.s32 s21, s3  }
0x9d: {  	[timem:s7], [sflag:s22] =	dma.local [hbm:s5], s20  }
0x9e: {  	_ =	swait.ge [sflag:s22], s20  }
0x9f: {  	s4 =	ssub.s32 $0x0, s20;
	[sflag:s22] =	ssyncset.done $0x0  }
0xa0: {  	[sflag:s22] =	ssyncadd.s32 s4;
	_ =	sdelay $0x1  }
0xa1: {  	s23 =	simm.s32 $0x1B8B  }
0xa2: {  	_ =	swait.ge [sflag:s23], $0x1  }
0xa3: {  	[sflag:s23] =	ssyncset.done $0x0  }
0xa4: {  	s25 =	simm.s32 $0x1B8E;
	s24 =	sld [smem:$0x3FFE];
	[sflag:s23] =	ssyncadd.s32 $0xFFFFFFFF  }
0xa5: {  	s26 =	simm.s32 $execute0_lowered;
	[smem:$0x3FD2] =	sst s25  }
0xa6: {  	s5 =	sshll.u32 s26, $0x1;
	_ =	strace $0x80000049;
	[dreg:$0x1] =	wrdreg $0xFFFFFFFF  }
0xa7: {  	s28 =	simm.s32 $_size_execute0_lowered;
	s3 =	sadd.s32 s3, s5;
	[dreg:$0x0] =	wrdreg $0x0  }
0xa8: {  	s5 =	sshll.u32 s28, $0x1;
	[dreg:$0x2] =	wrdreg s3  }
0xa9: {  	[dreg:$0x3] =	wrdreg s5  }
0xaa: {  	[dreg:$0x4] =	wrdreg $0xC0  }
0xab: {  	_ =	task [dreg:s7], $0x5FFFF  }
0xac: {  	[dreg:$0x1] =	wrdreg $0xFFFFFFFF  }
0xad: {  	[dreg:$0x0] =	wrdreg $0x60  }
0xae: {  	[dreg:$0x2] =	wrdreg s24  }
0xaf: {  	[dreg:$0x3] =	wrdreg s2  }
0xb0: {  	[dreg:$0x4] =	wrdreg $0xA8000  }
0xb1: {  	[dreg:$0x5] =	wrdreg $0x9  }
0xb2: {  	_ =	task.clear_ibuf [dreg:s7], $0x6FFFF;
	_ =	strace $0x90000049  }
0xb3: {  	s29 =	simm.s32 $0x9;
	_ =	strace $0x8000004B  }
0xb4: {  	_ =	swait.ge [sflag:s29], $0x1  }
0xb5: {  	[sflag:s29] =	ssyncadd.s32 $0xFFFFFFFF  }
0xb6: {  	_ =	strace $0x9000004B  }
0xb7: {  	_ =	sfence  }
0xb8: {  	s30 =	sld [smem:$0x0];
	_ =	sdelay $0x2  }
0xb9: {  	s31 =	sshll.u32 s1, $0xD;
	s1 =	sshrl.u32 s1, $0x2  }
0xba: {  	s3 =	sand.u32 $0x4000, s31;
	s1 =	sadd.s32 s1, s30  }
0xbb: {  	s0 =	sor.u32 s3, s0;
	s1 =	sshll.u32 s1, $0x11  }
0xbc: {  	s0 =	sor.u32 s1, s0  }
0xbd: {  	s0 =	sadd.s32 $0x8F2B, s0  }
0xbe: {  	[sflag:s0] =	ssyncadd.remote.s32 $0x1  }
0xbf: {  	_ =	sfence.sel $0xFFFF  }
0xc0: {  	[dreg:$0x0] =	wrdreg $0xFFFFFFFF;
	(pc) =	sbr.abs _section_cstart, $3  }
0xc1: {  	[dreg:$0x1] =	wrdreg $0xFFFFFFFF  }
0xc2: {  	_ =	task.clear_ibuf [dreg:s7], $0x2FFFF;
	_ =	strace $0x9FFFFFFF  }
0xc3: {  	(tm) =	ssettm $0x7FFFFFFF  }
tec
execute0_lowered:
.L_overlay_start_1:
0x0: {  	(tag) =	ssettag $0x1  }
0x1: {  	s6 =	rddreg [dreg:$0x0]  }
0x2: {  	s13 =	rddreg [dreg:$0x1]  }
0x3: {  	s0 =	srdreg.scid;
	s2 =	rddreg [dreg:$0x2]  }
0x4: {  	s25 =	stileid.u32;
	s3 =	simm.s32 $0x0;
	s18 =	simm.s32 $0x3  }
0x5: {  	s19 =	simm.s32 $0x1400;
	s20 =	simm.s32 $0x80;
	s21 =	simm.s32 $0x6800  }
0x6: {  	s22 =	simm.s32 $0x1;
	s23 =	simm.s32 $0x2;
	s24 =	simm.s32 $0x1380  }
0x7: {  	s28 =	simm.s32 $0x0;
	s7 =	sand.u32 $0x1, s0;
	s8 =	smul.u32 $0x14000, s25  }
0x8: {  	[smem:$0x7FF] =	sst s3;
	s4 =	sadd.s32 $0xC200, s6;
	s9 =	smul.u32 $0x50000, s25  }
0x9: {  	s14 =	sadd.s32 $0x2200, s6;
	s5 =	smul.u32 $0x140000, s7;
	s26 =	sshll.u32 s7, $0x4  }
0xa: {  	_ =	strace $0x8000004A;
	s7 =	ssub.s32 $0x2, s7;
	s29 =	sor.u32 s25, s26  }
0xb: {  	s30 =	sshrl.u32 s9, $0x2;
	s31 =	sshrl.u32 s7, $0x1;
	s25 =	simm.s32 $0x2700  }
0xc: {  	s26 =	simm.s32 $0x2780;
	s5 =	sadd.s32 s8, s5;
	s11 =	smul.u32 $0x2800, s29  }
0xd: {  	s16 =	ssub.s32 s7, s31;
	s8 =	sshrl.u32 s5, $0x3;
	s5 =	sadd.s32 $0x34200, s6  }
0xe: {  	s16 =	smax.u32 s16, $0x1;
	s15 =	sadd.s32 s8, s6;
	s6 =	sadd.s32 s30, s2  }
0xf: {  	s17 =	sshrl.u32 s11, $0x3;
	s7 =	sadd.s32 $0x4000, s6;
	s8 =	sadd.s32 $0x8000, s6  }
0x10: {  	s9 =	sadd.s32 $0xC000, s6;
	s10 =	sadd.s32 $0x10000, s6;
	s11 =	sadd.s32 s13, s17  }
0x11: {  	s12 =	sadd.s32 s14, s17;
	s17 =	sadd.s32 $0x280, s17;
	s15 =	sadd.s32 $0x34A00, s15  }
0x12: {  	s13 =	sadd.s32 s13, s17;
	s14 =	sadd.s32 s14, s17;
	s17 =	simm.s32 $0x2800  }
.LBB2_1:
0x13: {  	[tilespmem:s17], [sflag:$0x3] =	stream.linear.gather [hbm4b:s5+s3], $0x4000, $0x38;
	[tilespmem:$0x1E800] =	vst v63  }
0x14: {  	_ =	swait.ge [sflag:s18], $0x4000  }
0x15: {  	[sflag:s18] =	ssyncset.done $0x0  }
0x16: {  	[sflag:s18] =	ssyncadd.s32 $0xFFFFC000  }
0x17: {  	[spmem:s6] =	stream.linear.scatter [tilespmem:s17], [sflag:$0x3], $0x4000, $0x38;
	[tilespmem:$0x1E800] =	vst v63  }
0x18: {  	_ =	swait.ge [sflag:s18], $0x4000  }
0x19: {  	[sflag:s18] =	ssyncset.done $0x0  }
0x1a: {  	[sflag:s18] =	ssyncadd.s32 $0xFFFFC000  }
0x1b: {  	[spmem:s7] =	stream.linear.scatter [tilespmem:s17], [sflag:$0x3], $0x4000, $0x38;
	[tilespmem:$0x1E800] =	vst v63  }
0x1c: {  	_ =	swait.ge [sflag:s18], $0x4000  }
0x1d: {  	[sflag:s18] =	ssyncset.done $0x0  }
0x1e: {  	[sflag:s18] =	ssyncadd.s32 $0xFFFFC000  }
0x1f: {  	[spmem:s8] =	stream.linear.scatter [tilespmem:s17], [sflag:$0x3], $0x4000, $0x38;
	[tilespmem:$0x1E800] =	vst v63  }
0x20: {  	_ =	swait.ge [sflag:s18], $0x4000  }
0x21: {  	[sflag:s18] =	ssyncset.done $0x0  }
0x22: {  	[sflag:s18] =	ssyncadd.s32 $0xFFFFC000  }
0x23: {  	[spmem:s9] =	stream.linear.scatter [tilespmem:s17], [sflag:$0x3], $0x4000, $0x38;
	[tilespmem:$0x1E800] =	vst v63  }
0x24: {  	_ =	swait.ge [sflag:s18], $0x4000  }
0x25: {  	[sflag:s18] =	ssyncset.done $0x0  }
0x26: {  	[sflag:s18] =	ssyncadd.s32 $0xFFFFC000  }
0x27: {  	[spmem:s10] =	stream.linear.scatter [tilespmem:s17], [sflag:$0x3], $0x4000, $0x38;
	[tilespmem:$0x1E800] =	vst v63  }
0x28: {  	_ =	swait.ge [sflag:s18], $0x4000  }
0x29: {  	[sflag:s18] =	ssyncset.done $0x0  }
0x2a: {  	[sflag:s18] =	ssyncadd.s32 $0xFFFFC000  }
0x2b: {  	[bflag:$0x0] =	sbarrier.arrive $0xFFFF  }
0x2c: {  	[tilespmem:s3], [sflag:$0x3] =	stream.linear.gather [hbm4b:s11+s3], $0x1400, $0x38;
	[tilespmem:$0x1E800] =	vst v63  }
0x2d: {  	_ =	swait.ge [sflag:s18], $0x1400  }
0x2e: {  	[sflag:s18] =	ssyncset.done $0x0  }
0x2f: {  	[sflag:s18] =	ssyncadd.s32 $0xFFFFEC00  }
0x30: {  	[tilespmem:s19], [sflag:$0x3] =	stream.linear.gather [hbm4b:s12+s3], $0x1400, $0x38;
	[tilespmem:$0x1E800] =	vst v63  }
0x31: {  	_ =	swait.ge [sflag:s18], $0x1400  }
0x32: {  	[sflag:s18] =	ssyncset.done $0x0  }
0x33: {  	[sflag:s18] =	ssyncadd.s32 $0xFFFFEC00  }
0x34: {  	[tilespmem:s17], [sflag:$0x1] =	stream.indirect.gather [hbm4b:s4+s20], $0x80, s3, s20, $0xb8;
	[tilespmem:$0x1E800] =	vst v63  }
0x35: {  	s29 =	simm.s32 $0x80  }
0x36: {  	[tilespmem:s21], [sflag:$0x2] =	stream.indirect.gather [hbm4b:s4+s20], $0x80, s29, s20, $0xb8;
	[tilespmem:$0x1E800] =	vst v63  }
0x37: {  	_ =	swait.ge [sflag:s22], $0x4000  }
0x38: {  	[sflag:s22] =	ssyncset.done $0x0  }
0x39: {  	s29 =	simm.s32 $0x1400;
	[sflag:s22] =	ssyncadd.s32 $0xFFFFC000  }
0x3a: {  	[spmem:s2] =	stream.indirect.scatter.add.f32 [tilespmem:s17], [sflag:$0x3], $0x80, s29, s20, $0xb8;
	[tilespmem:$0x1E800] =	vst v63  }
0x3b: {  	_ =	swait.ge [sflag:s18], $0x4000  }
0x3c: {  	[sflag:s18] =	ssyncset.done $0x0  }
0x3d: {  	s29 =	simm.s32 $0x100;
	[sflag:s18] =	ssyncadd.s32 $0xFFFFC000  }
0x3e: {  	[tilespmem:s17], [sflag:$0x1] =	stream.indirect.gather [hbm4b:s4+s20], $0x80, s29, s20, $0xb8;
	[tilespmem:$0x1E800] =	vst v63  }
0x3f: {  	_ =	swait.ge [sflag:s23], $0x4000  }
0x40: {  	[sflag:s23] =	ssyncset.done $0x0  }
0x41: {  	s29 =	simm.s32 $0x1480;
	[sflag:s23] =	ssyncadd.s32 $0xFFFFC000  }
0x42: {  	[spmem:s2] =	stream.indirect.scatter.add.f32 [tilespmem:s21], [sflag:$0x3], $0x80, s29, s20, $0xb8;
	[tilespmem:$0x1E800] =	vst v63  }
0x43: {  	_ =	swait.ge [sflag:s18], $0x4000  }
0x44: {  	s30 =	simm.s32 $0x800;
	s29 =	simm.s32 $0x100;
	[sflag:s18] =	ssyncset.done $0x0  }
.LBB2_2:
0x45: {  	s31 =	sadd.s32 $0x80, s29  }
0x46: {  	[sflag:s18] =	ssyncadd.s32 $0xFFFFC000;
	s0 =	smov.u32 s30;
	s1 =	sadd.s32 $0x400, s30  }
0x47: {  	[tilespmem:s21], [sflag:$0x2] =	stream.indirect.gather [hbm4b:s4+s20], $0x80, s31, s20, $0xb8;
	[tilespmem:$0x1E800] =	vst v63  }
0x48: {  	p0 =	sne.s32 s30, $0x4800;
	_ =	swait.ge [sflag:s22], $0x4000  }
0x49: {  	[sflag:s22] =	ssyncset.done $0x0  }
0x4a: {  	s30 =	sadd.s32 $0x1400, s29;
	[sflag:s22] =	ssyncadd.s32 $0xFFFFC000  }
0x4b: {  	[spmem:s2] =	stream.indirect.scatter.add.f32 [tilespmem:s17], [sflag:$0x3], $0x80, s30, s20, $0xb8;
	[tilespmem:$0x1E800] =	vst v63  }
0x4c: {  	_ =	swait.ge [sflag:s18], $0x4000  }
0x4d: {  	[sflag:s18] =	ssyncset.done $0x0  }
0x4e: {  	s30 =	sadd.s32 $0x100, s29;
	[sflag:s18] =	ssyncadd.s32 $0xFFFFC000  }
0x4f: {  	[tilespmem:s17], [sflag:$0x1] =	stream.indirect.gather [hbm4b:s4+s20], $0x80, s30, s20, $0xb8;
	[tilespmem:$0x1E800] =	vst v63  }
0x50: {  	_ =	swait.ge [sflag:s23], $0x4000  }
.Ltmp0:
0x51: {  	[sflag:s23] =	ssyncset.done $0x0;
	(pc) =	sbr.rel @p0 .LBB2_2-.Ltmp0, $4  }
0x52: {  	s29 =	sadd.s32 $0x1480, s29;
	[sflag:s23] =	ssyncadd.s32 $0xFFFFC000  }
0x53: {  	[spmem:s2] =	stream.indirect.scatter.add.f32 [tilespmem:s21], [sflag:$0x3], $0x80, s29, s20, $0xb8;
	[tilespmem:$0x1E800] =	vst v63  }
0x54: {  	_ =	swait.ge [sflag:s18], $0x4000  }
0x55: {  	s30 =	smov.u32 s1;
	s29 =	sshra.s32 s0, $0x2;
	[sflag:s18] =	ssyncset.done $0x0  }
0x56: {  	s0 =	sadd.s32 $0x80, s29;
	[sflag:s18] =	ssyncadd.s32 $0xFFFFC000  }
0x57: {  	[tilespmem:s21], [sflag:$0x2] =	stream.indirect.gather [hbm4b:s4+s20], $0x80, s0, s20, $0xb8;
	[tilespmem:$0x1E800] =	vst v63  }
0x58: {  	_ =	swait.ge [sflag:s22], $0x4000  }
0x59: {  	[sflag:s22] =	ssyncset.done $0x0  }
0x5a: {  	s1 =	sadd.s32 $0x1400, s29;
	[sflag:s22] =	ssyncadd.s32 $0xFFFFC000  }
0x5b: {  	[spmem:s2] =	stream.indirect.scatter.add.f32 [tilespmem:s17], [sflag:$0x3], $0x80, s1, s20, $0xb8;
	[tilespmem:$0x1E800] =	vst v63  }
0x5c: {  	_ =	swait.ge [sflag:s18], $0x4000  }
0x5d: {  	[sflag:s18] =	ssyncset.done $0x0  }
0x5e: {  	s31 =	sadd.s32 $0x100, s29;
	[sflag:s18] =	ssyncadd.s32 $0xFFFFC000  }
0x5f: {  	[tilespmem:s17], [sflag:$0x1] =	stream.indirect.gather [hbm4b:s4+s20], $0x80, s31, s20, $0xb8;
	[tilespmem:$0x1E800] =	vst v63  }
0x60: {  	_ =	swait.ge [sflag:s23], $0x4000  }
0x61: {  	[sflag:s23] =	ssyncset.done $0x0  }
0x62: {  	s1 =	sadd.s32 $0x1480, s29;
	[sflag:s23] =	ssyncadd.s32 $0xFFFFC000  }
0x63: {  	[spmem:s2] =	stream.indirect.scatter.add.f32 [tilespmem:s21], [sflag:$0x3], $0x80, s1, s20, $0xb8;
	[tilespmem:$0x1E800] =	vst v63  }
0x64: {  	_ =	swait.ge [sflag:s18], $0x4000  }
0x65: {  	[sflag:s18] =	ssyncset.done $0x0  }
0x66: {  	[sflag:s18] =	ssyncadd.s32 $0xFFFFC000  }
0x67: {  	[tilespmem:s21], [sflag:$0x2] =	stream.indirect.gather [hbm4b:s4+s20], $0x80, s24, s20, $0xb8;
	[tilespmem:$0x1E800] =	vst v63  }
0x68: {  	_ =	swait.ge [sflag:s22], $0x4000  }
0x69: {  	[sflag:s22] =	ssyncset.done $0x0  }
0x6a: {  	[sflag:s22] =	ssyncadd.s32 $0xFFFFC000  }
0x6b: {  	[spmem:s2] =	stream.indirect.scatter.add.f32 [tilespmem:s17], [sflag:$0x3], $0x80, s25, s20, $0xb8;
	[tilespmem:$0x1E800] =	vst v63  }
0x6c: {  	_ =	swait.ge [sflag:s18], $0x4000  }
0x6d: {  	[sflag:s18] =	ssyncset.done $0x0  }
0x6e: {  	[sflag:s18] =	ssyncadd.s32 $0xFFFFC000  }
0x6f: {  	[tilespmem:s17], [sflag:$0x1] =	stream.indirect.gather [hbm4b:s4+s20], $0x80, s24, s20, $0xb8;
	[tilespmem:$0x1E800] =	vst v63  }
0x70: {  	_ =	swait.ge [sflag:s23], $0x4000  }
0x71: {  	[sflag:s23] =	ssyncset.done $0x0  }
0x72: {  	[sflag:s23] =	ssyncadd.s32 $0xFFFFC000  }
0x73: {  	[spmem:s2] =	stream.indirect.scatter.add.f32 [tilespmem:s21], [sflag:$0x3], $0x80, s26, s20, $0xb8;
	[tilespmem:$0x1E800] =	vst v63  }
0x74: {  	_ =	swait.ge [sflag:s18], $0x4000  }
0x75: {  	[sflag:s18] =	ssyncset.done $0x0  }
0x76: {  	[sflag:s18] =	ssyncadd.s32 $0xFFFFC000  }
0x77: {  	_ =	swait.ge [sflag:s22], $0x4000  }
0x78: {  	[sflag:s22] =	ssyncset.done $0x0  }
0x79: {  	s31 =	simm.s32 $0x0;
	[sflag:s22] =	ssyncadd.s32 $0xFFFFC000  }
0x7a: {  	[tilespmem:s31], [sflag:$0x3] =	stream.linear.gather [hbm4b:s13+s31], $0x1400, $0x38;
	[tilespmem:$0x1E800] =	vst v63  }
0x7b: {  	_ =	swait.ge [sflag:s18], $0x1400  }
0x7c: {  	[sflag:s18] =	ssyncset.done $0x0  }
0x7d: {  	[sflag:s18] =	ssyncadd.s32 $0xFFFFEC00  }
0x7e: {  	[tilespmem:s19], [sflag:$0x3] =	stream.linear.gather [hbm4b:s14+s31], $0x1400, $0x38;
	[tilespmem:$0x1E800] =	vst v63  }
0x7f: {  	_ =	swait.ge [sflag:s18], $0x1400  }
0x80: {  	[sflag:s18] =	ssyncset.done $0x0  }
0x81: {  	[sflag:s18] =	ssyncadd.s32 $0xFFFFEC00  }
0x82: {  	[tilespmem:s17], [sflag:$0x1] =	stream.indirect.gather [hbm4b:s4+s20], $0x80, s31, s20, $0xb8;
	[tilespmem:$0x1E800] =	vst v63  }
0x83: {  	s1 =	simm.s32 $0x80  }
0x84: {  	[tilespmem:s21], [sflag:$0x2] =	stream.indirect.gather [hbm4b:s4+s20], $0x80, s1, s20, $0xb8;
	[tilespmem:$0x1E800] =	vst v63  }
0x85: {  	_ =	swait.ge [sflag:s22], $0x4000  }
0x86: {  	[sflag:s22] =	ssyncset.done $0x0  }
0x87: {  	s31 =	simm.s32 $0x1400;
	[sflag:s22] =	ssyncadd.s32 $0xFFFFC000  }
0x88: {  	[spmem:s2] =	stream.indirect.scatter.add.f32 [tilespmem:s17], [sflag:$0x3], $0x80, s31, s20, $0xb8;
	[tilespmem:$0x1E800] =	vst v63  }
0x89: {  	_ =	swait.ge [sflag:s18], $0x4000  }
0x8a: {  	[sflag:s18] =	ssyncset.done $0x0  }
0x8b: {  	s1 =	simm.s32 $0x100;
	[sflag:s18] =	ssyncadd.s32 $0xFFFFC000  }
0x8c: {  	[tilespmem:s17], [sflag:$0x1] =	stream.indirect.gather [hbm4b:s4+s20], $0x80, s1, s20, $0xb8;
	[tilespmem:$0x1E800] =	vst v63  }
0x8d: {  	_ =	swait.ge [sflag:s23], $0x4000  }
0x8e: {  	[sflag:s23] =	ssyncset.done $0x0  }
0x8f: {  	s31 =	simm.s32 $0x1480;
	[sflag:s23] =	ssyncadd.s32 $0xFFFFC000  }
0x90: {  	[spmem:s2] =	stream.indirect.scatter.add.f32 [tilespmem:s21], [sflag:$0x3], $0x80, s31, s20, $0xb8;
	[tilespmem:$0x1E800] =	vst v63  }
0x91: {  	_ =	swait.ge [sflag:s18], $0x4000  }
0x92: {  	s30 =	simm.s32 $0x800;
	s29 =	simm.s32 $0x100;
	[sflag:s18] =	ssyncset.done $0x0  }
.LBB2_4:
0x93: {  	s0 =	sadd.s32 $0x80, s29  }
0x94: {  	[sflag:s18] =	ssyncadd.s32 $0xFFFFC000;
	s1 =	smov.u32 s30;
	s31 =	sadd.s32 $0x400, s30  }
0x95: {  	[tilespmem:s21], [sflag:$0x2] =	stream.indirect.gather [hbm4b:s4+s20], $0x80, s0, s20, $0xb8;
	[tilespmem:$0x1E800] =	vst v63  }
0x96: {  	p0 =	sne.s32 s30, $0x4800;
	_ =	swait.ge [sflag:s22], $0x4000  }
0x97: {  	[sflag:s22] =	ssyncset.done $0x0  }
0x98: {  	s0 =	sadd.s32 $0x1400, s29;
	[sflag:s22] =	ssyncadd.s32 $0xFFFFC000  }
0x99: {  	[spmem:s2] =	stream.indirect.scatter.add.f32 [tilespmem:s17], [sflag:$0x3], $0x80, s0, s20, $0xb8;
	[tilespmem:$0x1E800] =	vst v63  }
0x9a: {  	_ =	swait.ge [sflag:s18], $0x4000  }
0x9b: {  	[sflag:s18] =	ssyncset.done $0x0  }
0x9c: {  	s0 =	sadd.s32 $0x100, s29;
	[sflag:s18] =	ssyncadd.s32 $0xFFFFC000  }
0x9d: {  	[tilespmem:s17], [sflag:$0x1] =	stream.indirect.gather [hbm4b:s4+s20], $0x80, s0, s20, $0xb8;
	[tilespmem:$0x1E800] =	vst v63  }
0x9e: {  	_ =	swait.ge [sflag:s23], $0x4000  }
.Ltmp1:
0x9f: {  	[sflag:s23] =	ssyncset.done $0x0;
	(pc) =	sbr.rel @p0 .LBB2_4-.Ltmp1, $4  }
0xa0: {  	s0 =	sadd.s32 $0x1480, s29;
	[sflag:s23] =	ssyncadd.s32 $0xFFFFC000  }
0xa1: {  	[spmem:s2] =	stream.indirect.scatter.add.f32 [tilespmem:s21], [sflag:$0x3], $0x80, s0, s20, $0xb8;
	[tilespmem:$0x1E800] =	vst v63  }
0xa2: {  	_ =	swait.ge [sflag:s18], $0x4000  }
0xa3: {  	s30 =	smov.u32 s31;
	s29 =	sshra.s32 s1, $0x2;
	[sflag:s18] =	ssyncset.done $0x0  }
0xa4: {  	s0 =	sadd.s32 $0x80, s29;
	[sflag:s18] =	ssyncadd.s32 $0xFFFFC000  }
0xa5: {  	[tilespmem:s21], [sflag:$0x2] =	stream.indirect.gather [hbm4b:s4+s20], $0x80, s0, s20, $0xb8;
	[tilespmem:$0x1E800] =	vst v63  }
0xa6: {  	_ =	swait.ge [sflag:s22], $0x4000  }
0xa7: {  	[sflag:s22] =	ssyncset.done $0x0  }
0xa8: {  	s31 =	sadd.s32 $0x1400, s29;
	[sflag:s22] =	ssyncadd.s32 $0xFFFFC000  }
0xa9: {  	[spmem:s2] =	stream.indirect.scatter.add.f32 [tilespmem:s17], [sflag:$0x3], $0x80, s31, s20, $0xb8;
	[tilespmem:$0x1E800] =	vst v63  }
0xaa: {  	_ =	swait.ge [sflag:s18], $0x4000  }
0xab: {  	[sflag:s18] =	ssyncset.done $0x0  }
0xac: {  	s1 =	sadd.s32 $0x100, s29;
	[sflag:s18] =	ssyncadd.s32 $0xFFFFC000  }
0xad: {  	[tilespmem:s17], [sflag:$0x1] =	stream.indirect.gather [hbm4b:s4+s20], $0x80, s1, s20, $0xb8;
	[tilespmem:$0x1E800] =	vst v63  }
0xae: {  	_ =	swait.ge [sflag:s23], $0x4000  }
0xaf: {  	[sflag:s23] =	ssyncset.done $0x0  }
0xb0: {  	s30 =	sadd.s32 $0x1480, s29;
	[sflag:s23] =	ssyncadd.s32 $0xFFFFC000  }
0xb1: {  	[spmem:s2] =	stream.indirect.scatter.add.f32 [tilespmem:s21], [sflag:$0x3], $0x80, s30, s20, $0xb8;
	[tilespmem:$0x1E800] =	vst v63  }
0xb2: {  	_ =	swait.ge [sflag:s18], $0x4000  }
0xb3: {  	[sflag:s18] =	ssyncset.done $0x0  }
0xb4: {  	[sflag:s18] =	ssyncadd.s32 $0xFFFFC000  }
0xb5: {  	[tilespmem:s21], [sflag:$0x2] =	stream.indirect.gather [hbm4b:s4+s20], $0x80, s24, s20, $0xb8;
	[tilespmem:$0x1E800] =	vst v63  }
0xb6: {  	_ =	swait.ge [sflag:s22], $0x4000  }
0xb7: {  	[sflag:s22] =	ssyncset.done $0x0  }
0xb8: {  	[sflag:s22] =	ssyncadd.s32 $0xFFFFC000  }
0xb9: {  	[spmem:s2] =	stream.indirect.scatter.add.f32 [tilespmem:s17], [sflag:$0x3], $0x80, s25, s20, $0xb8;
	[tilespmem:$0x1E800] =	vst v63  }
0xba: {  	_ =	swait.ge [sflag:s18], $0x4000  }
0xbb: {  	[sflag:s18] =	ssyncset.done $0x0  }
0xbc: {  	[sflag:s18] =	ssyncadd.s32 $0xFFFFC000  }
0xbd: {  	[tilespmem:s17], [sflag:$0x1] =	stream.indirect.gather [hbm4b:s4+s20], $0x80, s24, s20, $0xb8;
	[tilespmem:$0x1E800] =	vst v63  }
0xbe: {  	_ =	swait.ge [sflag:s23], $0x4000  }
0xbf: {  	[sflag:s23] =	ssyncset.done $0x0  }
0xc0: {  	[sflag:s23] =	ssyncadd.s32 $0xFFFFC000  }
0xc1: {  	[spmem:s2] =	stream.indirect.scatter.add.f32 [tilespmem:s21], [sflag:$0x3], $0x80, s26, s20, $0xb8;
	[tilespmem:$0x1E800] =	vst v63  }
0xc2: {  	_ =	swait.ge [sflag:s18], $0x4000  }
0xc3: {  	[sflag:s18] =	ssyncset.done $0x0  }
0xc4: {  	[sflag:s18] =	ssyncadd.s32 $0xFFFFC000  }
0xc5: {  	s31 =	stileid.u32;
	_ =	swait.ge [sflag:s22], $0x4000  }
0xc6: {  	s28 =	sadd.s32 $0x1, s28;
	s0 =	sshll.u32 s31, $0x6;
	[sflag:s22] =	ssyncset.done $0x0  }
0xc7: {  	p0 =	sne.s32 s28, s16;
	s0 =	sor.u32 $0x1C03, s0;
	[sflag:s22] =	ssyncadd.s32 $0xFFFFC000  }
.Ltmp2:
0xc8: {  	s1 =	sshrl.u32 s6, $0x3;
	[bflag:$0x0] =	sbarrier.arrive $0xFFFF;
	(pc) =	sbr.rel @p0 .LBB2_1-.Ltmp2, $4  }
0xc9: {  	[hbm:s15], [sflag:s0] =	dma.local [spmem:s1], $0x2800  }
0xca: {  	_ =	swait.ge [sflag:s18], $0x2800  }
0xcb: {  	[sflag:s18] =	ssyncset.done $0x0  }
0xcc: {  	[sflag:s18] =	ssyncadd.s32 $0xFFFFD800  }
0xcd: {  	_ =	sfence.sel $0x180000  }
0xce: {  	[bflag:$0x0] =	sbarrier.arrive $0xFFFF  }
0xcf: {  	_ =	strace $0x9000004A  }
0xd0: {  	s0 =	stileid.u32;
	[bflag:$0x2] =	sbarrier.arrive $0xFFFF  }
0xd1: {  	p0 =	sne.s32 s0, $0x0;
	s0 =	rddreg [dreg:$0x3]  }
0xd2: {  	s0 =	sadd.s32 @!p0 $0x100000, s0  }
0xd3: {  	[sflag:s0] =	ssyncadd.tile.s32 @!p0 $0x1;
	_ =	shalt  }
.Lfunc_end2:
_tile_overlayer_lowered:
.L_overlay_start_2:
0xd4: {  	(tag) =	ssettag $0x2  }
0xd5: {  	s0 =	rddreg [dreg:$0x0];
	s2 =	stileid.u32  }
0xd6: {  	s1 =	rddreg [dreg:$0x1];
	p0 =	sne.s32 s2, $0x0  }
0xd7: {  	s3 =	rddreg [dreg:$0x2];
	[bflag:$0x3] =	sbarrier.arrive $0xFFFF;
	s2 =	simm.s32 @!p0 $0x1C03  }
0xd8: {  	[timem:s3], [sflag:s2] =	dma.local @!p0 [hbm:s0], s1  }
0xd9: {  	s0 =	simm.s32 @!p0 $0x3  }
0xda: {  	_ =	swait.ge @!p0 [sflag:s0], s1  }
0xdb: {  	s1 =	ssub.s32 @!p0 $0x0, s1;
	[sflag:s0] =	ssyncset.done @!p0 $0x0  }
0xdc: {  	[sflag:s0] =	ssyncadd.s32 @!p0 s1  }
0xdd: {  	[bflag:$0x3] =	sbarrier.arrive $0xFFFF  }
0xde: {  	_ =	shalt  }

// kernel: kernel.14.cloned.1.call-start
scs
__scs_entry_jumppad:
0x0: {  	(pc) =	sbr.rel $0x88, $3  }
0x1: {  	(tag) =	ssettag $0x0;
	lr =	simm.s32 $0x1  }
0x2: {  	[smem:$0x3F9B] =	sst lr;
	_ =	strace $0xD0000000  }
0x3: {  	_ = 	snop  }
0x4: {  	_ = 	snop  }
0x5: {  	_ = 	snop  }
0x6: {  	_ = 	snop  }
0x7: {  	_ = 	snop  }
__scs_overlays_trampoline_lowered:
0x8: {  	[smem:$0x3FAA] =	sst s0  }
0x9: {  	[smem:$0x3FAB] =	sst s1  }
0xa: {  	[smem:$0x3FAC] =	sst s2  }
0xb: {  	[smem:$0x3FAD] =	sst s3  }
0xc: {  	[smem:$0x3FAE] =	sst s4  }
0xd: {  	[smem:$0x3FAF] =	sst s5  }
0xe: {  	[smem:$0x3FB0] =	sst s6  }
0xf: {  	[smem:$0x3FB1] =	sst s7  }
0x10: {  	[smem:$0x3FB2] =	sst s8  }
0x11: {  	[smem:$0x3FB3] =	sst s9;
	s0 =	simm.s32 @!p0 $0x0  }
0x12: {  	s1 =	sld [smem:$0x3F99];
	s0 =	simm.s32 @p0 $0x1  }
0x13: {  	[smem:$0x3FB4] =	sst s0;
	s0 =	simm.s32 @!p1 $0x0  }
0x14: {  	s2 =	sld [smem:$0x3F98];
	s0 =	simm.s32 @p1 $0x1  }
0x15: {  	[smem:$0x3FB5] =	sst s0;
	s0 =	simm.s32 @!p2 $0x0  }
0x16: {  	s3 =	sld [smem:$0x3FDB];
	s0 =	simm.s32 @p2 $0x1  }
0x17: {  	s4 =	simm.s32 $0x1BF5;
	[smem:$0x3FB7] =	sst s0  }
0x18: {  	s0 =	sld [smem:$0x3F9A];
	_ =	swait.ge [sflag:s4], $0x0  }
0x19: {  	s7 =	sld [smem:$0x3F9B]  }
0x1a: {  	s8 =	sadd.s32 $0xFFFFE003, lr  }
0x1b: {  	s9 =	sadd.s32 $0xFFFFFEF7, lr;
	s5 =	simm.s32 $0xFFFFFFFF;
	p2 =	slt.u32 s8, $0xFFFFF086  }
0x1c: {  	p1 =	slt.u32 s9, $0xF7A;
	s5 =	simm.s32 @!p2 $0x0  }
0x1d: {  	s5 =	simm.s32 @p1 $0x1;
	p0 =	seq.s32 s7, s2  }
0x1e: {  	s7 =	smul.u32 @!p0 $0xF7A, s2;
	p2 =	seq.s32 @!p0 s5, $0x0  }
0x1f: {  	s9 =	smul.u32 $0xF7A, s1;
	s8 =	simm.s32 @!p0 $0x1BF5;
	p2 =	por !p2, p0  }
0x20: {  	[sflag:s8] =	ssyncset.s32 @!p0 $0xFFFFF086;
	s6 =	sadd.s32 @!p0 s3, s7;
	s7 =	simm.s32 @!p0 $0x108  }
0x21: {  	s3 =	sadd.s32 s3, s9;
	s6 =	sadd.s32 @!p0 $0x88, s6;
	s7 =	simm.s32 @p2 $0x1082  }
0x22: {  	[simem:s7], [sflag:s8] =	dma.local @!p0 [hbm:s6], $0xF7A  }
0x23: {  	s9 =	sor.u32 $0xD0000000, s2;
	s6 =	simm.s32 $0x108;
	_ =	swait.ge @!p0 [sflag:s8], $0x0  }
0x24: {  	s3 =	sadd.s32 $0x88, s3;
	s6 =	simm.s32 @!p1 $0x1082;
	[sflag:s4] =	ssyncset.s32 $0xFFFFF086  }
0x25: {  	[simem:s6], [sflag:s4] =	dma.local [hbm:s3], $0xF7A  }
0x26: {  	[smem:$0x3F9B] =	sst s1;
	(tag) =	ssettag s2;
	_ =	strace s9  }
0x27: {  	s1 =	sld [smem:$0x3FAB]  }
0x28: {  	s2 =	sld [smem:$0x3FAC]  }
0x29: {  	s4 =	sld [smem:$0x3FAE]  }
0x2a: {  	p0 =	seq.s32 s5, $0x0;
	s5 =	sld [smem:$0x3FAF]  }
0x2b: {  	s6 =	sld [smem:$0x3FB0]  }
0x2c: {  	s7 =	sld [smem:$0x3FB1]  }
0x2d: {  	s3 =	simm.s32 $0x108;
	s8 =	sld [smem:$0x3FB2]  }
0x2e: {  	s3 =	simm.s32 @!p0 $0x1082;
	s9 =	sld [smem:$0x3FB3]  }
0x2f: {  	lr =	sadd.s32 s0, s3;
	s0 =	sld [smem:$0x3FAA]  }
0x30: {  	s3 =	sld [smem:$0x3FAD]  }
0x31: {  	[smem:$0x3FB6] =	sst s10  }
0x32: {  	s10 =	sld [smem:$0x3FB4];
	_ =	sdelay $0x3  }
0x33: {  	p0 =	seq.s32 s10, $0x1;
	s10 =	sld [smem:$0x3FB6];
	_ =	sdelay $0x3  }
0x34: {  	[smem:$0x3FB6] =	sst s10  }
0x35: {  	s10 =	sld [smem:$0x3FB5];
	_ =	sdelay $0x3  }
0x36: {  	p1 =	seq.s32 s10, $0x1;
	s10 =	sld [smem:$0x3FB6];
	_ =	sdelay $0x3  }
0x37: {  	[smem:$0x3FB6] =	sst s10  }
0x38: {  	s10 =	sld [smem:$0x3FB7]  }
0x39: {  	_ = 	snop;
	(pc) =	sbr.ind lr, $3  }
0x3a: {  	_ = 	snop  }
0x3b: {  	_ = 	snop  }
0x3c: {  	p2 =	seq.s32 s10, $0x1;
	s10 =	sld [smem:$0x3FB6]  }
0x3d: {  	_ =	shalt  }
0x3e: {  	_ =	shalt  }
0x3f: {  	_ =	shalt  }
0x40: {  	_ =	shalt  }
0x41: {  	_ =	shalt  }
0x42: {  	_ =	shalt  }
0x43: {  	_ =	shalt  }
0x44: {  	_ =	shalt  }
0x45: {  	_ =	shalt  }
0x46: {  	_ =	shalt  }
0x47: {  	_ =	shalt  }
0x48: {  	_ =	shalt  }
0x49: {  	_ =	shalt  }
0x4a: {  	_ =	shalt  }
0x4b: {  	_ =	shalt  }
0x4c: {  	_ =	shalt  }
0x4d: {  	_ =	shalt  }
0x4e: {  	_ =	shalt  }
0x4f: {  	_ =	shalt  }
0x50: {  	_ =	shalt  }
0x51: {  	_ =	shalt  }
0x52: {  	_ =	shalt  }
0x53: {  	_ =	shalt  }
0x54: {  	_ =	shalt  }
0x55: {  	_ =	shalt  }
0x56: {  	_ =	shalt  }
0x57: {  	_ =	shalt  }
0x58: {  	_ =	shalt  }
0x59: {  	_ =	shalt  }
0x5a: {  	_ =	shalt  }
0x5b: {  	_ =	shalt  }
0x5c: {  	_ =	shalt  }
0x5d: {  	_ =	shalt  }
0x5e: {  	_ =	shalt  }
0x5f: {  	_ =	shalt  }
0x60: {  	_ =	shalt  }
0x61: {  	_ =	shalt  }
0x62: {  	_ =	shalt  }
0x63: {  	_ =	shalt  }
0x64: {  	_ =	shalt  }
0x65: {  	_ =	shalt  }
0x66: {  	_ =	shalt  }
0x67: {  	_ =	shalt  }
0x68: {  	_ =	shalt  }
0x69: {  	_ =	shalt  }
0x6a: {  	_ =	shalt  }
0x6b: {  	_ =	shalt  }
0x6c: {  	_ =	shalt  }
0x6d: {  	_ =	shalt  }
0x6e: {  	_ =	shalt  }
0x6f: {  	_ =	shalt  }
0x70: {  	_ =	shalt  }
0x71: {  	_ =	shalt  }
0x72: {  	_ =	shalt  }
0x73: {  	_ =	shalt  }
0x74: {  	_ =	shalt  }
0x75: {  	_ =	shalt  }
0x76: {  	_ =	shalt  }
0x77: {  	_ =	shalt  }
0x78: {  	_ =	shalt  }
0x79: {  	_ =	shalt  }
0x7a: {  	_ =	shalt  }
0x7b: {  	_ =	shalt  }
0x7c: {  	_ =	shalt  }
0x7d: {  	_ =	shalt  }
0x7e: {  	_ =	shalt  }
0x7f: {  	_ =	shalt  }
0x80: {  	_ =	shalt  }
0x81: {  	_ =	shalt  }
0x82: {  	_ =	shalt  }
0x83: {  	_ =	shalt  }
0x84: {  	_ =	shalt  }
0x85: {  	_ =	shalt  }
0x86: {  	_ =	shalt  }
0x87: {  	_ =	shalt  }
.Lfunc_end0:
.L_simem_size_0:
called_computation.2_lowered:
.L_overlay_start_0:
0x88: {  	s2 =	sld [smem:$0x3FD9]  }
0x89: {  	s3 =	sld [smem:$0x3FFE];
	_ =	sdelay $0x1  }
0x8a: {  	s1 =	srdreg.scid  }
0x8b: {  	s0 =	sand.u32 $0x1, s1  }
0x8c: {  	s17 =	sshll.u32 s0, $0xA;
	s2 =	sadd.s32 s3, s2  }
0x8d: {  	s2 =	sadd.s32 s2, s17  }
0x8e: {  	[smem:$0x3FC2] =	sst s2  }
0x8f: {  	_ = 	snop  }
0x90: {  	s2 =	sld [smem:$0x3FD0];
	(tm) =	ssettm $0x1  }
0x91: {  	s18 =	sld [smem:$0x3FFB];
	_ =	sdelay $0x3  }
0x92: {  	_ =	strace s18  }
0x93: {  	s3 =	sld [smem:$0x3FFC];
	_ =	sdelay $0x3  }
0x94: {  	_ =	strace s3  }
0x95: {  	s3 =	sld [smem:$0x3FFD];
	_ =	sdelay $0x3  }
0x96: {  	_ =	strace s3  }
0x97: {  	_ =	strace $0x8FFFFFFF  }
0x98: {  	s19 =	sld [smem:$0x3FDB];
	_ =	sdelay $0x1  }
0x99: {  	s4 =	simm.s32 $_scs_section_size  }
0x9a: {  	s5 =	simm.s32 $_size__tile_overlayer_lowered;
	s6 =	simm.s32 $_tile_overlayer_lowered  }
0x9b: {  	s22 =	simm.s32 $0x1BFF;
	s21 =	sshll.u32 s6, $0x1;
	s3 =	sadd.s32 s4, s19  }
0x9c: {  	s7 =	simm.s32 $0x0;
	s20 =	sshll.u32 s5, $0x1;
	s5 =	sadd.s32 s21, s3  }
0x9d: {  	[timem:s7], [sflag:s22] =	dma.local [hbm:s5], s20  }
0x9e: {  	_ =	swait.ge [sflag:s22], s20  }
0x9f: {  	s4 =	ssub.s32 $0x0, s20;
	[sflag:s22] =	ssyncset.done $0x0  }
0xa0: {  	[sflag:s22] =	ssyncadd.s32 s4;
	_ =	sdelay $0x1  }
0xa1: {  	s23 =	simm.s32 $0x1B8B  }
0xa2: {  	_ =	swait.ge [sflag:s23], $0x1  }
0xa3: {  	[sflag:s23] =	ssyncset.done $0x0  }
0xa4: {  	s25 =	simm.s32 $0x1B8E;
	s24 =	sld [smem:$0x3FFE];
	[sflag:s23] =	ssyncadd.s32 $0xFFFFFFFF  }
0xa5: {  	s26 =	simm.s32 $execute0_lowered;
	[smem:$0x3FD2] =	sst s25  }
0xa6: {  	s5 =	sshll.u32 s26, $0x1;
	_ =	strace $0x8000004C;
	[dreg:$0x1] =	wrdreg $0xFFFFFFFF  }
0xa7: {  	s28 =	simm.s32 $_size_execute0_lowered;
	s3 =	sadd.s32 s3, s5;
	[dreg:$0x0] =	wrdreg $0x0  }
0xa8: {  	s5 =	sshll.u32 s28, $0x1;
	[dreg:$0x2] =	wrdreg s3  }
0xa9: {  	[dreg:$0x3] =	wrdreg s5  }
0xaa: {  	[dreg:$0x4] =	wrdreg $0xC0  }
0xab: {  	_ =	task [dreg:s7], $0x5FFFF  }
0xac: {  	[dreg:$0x1] =	wrdreg $0xFFFFFFFF  }
0xad: {  	[dreg:$0x0] =	wrdreg $0x60  }
0xae: {  	[dreg:$0x2] =	wrdreg s24  }
0xaf: {  	[dreg:$0x3] =	wrdreg s2  }
0xb0: {  	[dreg:$0x4] =	wrdreg $0xA8000  }
0xb1: {  	[dreg:$0x5] =	wrdreg $0x9  }
0xb2: {  	_ =	task.clear_ibuf [dreg:s7], $0x6FFFF;
	_ =	strace $0x9000004C  }
0xb3: {  	s29 =	simm.s32 $0x9;
	_ =	strace $0x8000004E  }
0xb4: {  	_ =	swait.ge [sflag:s29], $0x1  }
0xb5: {  	[sflag:s29] =	ssyncadd.s32 $0xFFFFFFFF  }
0xb6: {  	_ =	strace $0x9000004E  }
0xb7: {  	_ =	sfence  }
0xb8: {  	s30 =	sld [smem:$0x0];
	_ =	sdelay $0x2  }
0xb9: {  	s31 =	sshll.u32 s1, $0xD;
	s1 =	sshrl.u32 s1, $0x2  }
0xba: {  	s3 =	sand.u32 $0x4000, s31;
	s1 =	sadd.s32 s1, s30  }
0xbb: {  	s0 =	sor.u32 s3, s0;
	s1 =	sshll.u32 s1, $0x11  }
0xbc: {  	s0 =	sor.u32 s1, s0  }
0xbd: {  	s0 =	sadd.s32 $0x8F2B, s0  }
0xbe: {  	[sflag:s0] =	ssyncadd.remote.s32 $0x1  }
0xbf: {  	_ =	sfence.sel $0xFFFF  }
0xc0: {  	[dreg:$0x0] =	wrdreg $0xFFFFFFFF;
	(pc) =	sbr.abs _section_cstart, $3  }
0xc1: {  	[dreg:$0x1] =	wrdreg $0xFFFFFFFF  }
0xc2: {  	_ =	task.clear_ibuf [dreg:s7], $0x2FFFF;
	_ =	strace $0x9FFFFFFF  }
0xc3: {  	(tm) =	ssettm $0x7FFFFFFF  }
tec
execute0_lowered:
.L_overlay_start_1:
0x0: {  	(tag) =	ssettag $0x1  }
0x1: {  	s6 =	rddreg [dreg:$0x0]  }
0x2: {  	s13 =	rddreg [dreg:$0x1]  }
0x3: {  	s0 =	srdreg.scid;
	s2 =	rddreg [dreg:$0x2]  }
0x4: {  	s25 =	stileid.u32;
	s3 =	simm.s32 $0x0;
	s18 =	simm.s32 $0x3  }
0x5: {  	s19 =	simm.s32 $0x1400;
	s20 =	simm.s32 $0x80;
	s21 =	simm.s32 $0x6800  }
0x6: {  	s22 =	simm.s32 $0x1;
	s23 =	simm.s32 $0x2;
	s24 =	simm.s32 $0x1380  }
0x7: {  	s28 =	simm.s32 $0x0;
	s7 =	sand.u32 $0x1, s0;
	s8 =	smul.u32 $0x14000, s25  }
0x8: {  	[smem:$0x7FF] =	sst s3;
	s4 =	sadd.s32 $0xC200, s6;
	s9 =	smul.u32 $0x50000, s25  }
0x9: {  	s14 =	sadd.s32 $0x2200, s6;
	s5 =	smul.u32 $0x140000, s7;
	s26 =	sshll.u32 s7, $0x4  }
0xa: {  	_ =	strace $0x8000004D;
	s7 =	ssub.s32 $0x2, s7;
	s29 =	sor.u32 s25, s26  }
0xb: {  	s30 =	sshrl.u32 s9, $0x2;
	s31 =	sshrl.u32 s7, $0x1;
	s25 =	simm.s32 $0x2700  }
0xc: {  	s26 =	simm.s32 $0x2780;
	s5 =	sadd.s32 s8, s5;
	s11 =	smul.u32 $0x2800, s29  }
0xd: {  	s16 =	ssub.s32 s7, s31;
	s8 =	sshrl.u32 s5, $0x3;
	s5 =	sadd.s32 $0x34200, s6  }
0xe: {  	s16 =	smax.u32 s16, $0x1;
	s15 =	sadd.s32 s8, s6;
	s6 =	sadd.s32 s30, s2  }
0xf: {  	s17 =	sshrl.u32 s11, $0x3;
	s7 =	sadd.s32 $0x4000, s6;
	s8 =	sadd.s32 $0x8000, s6  }
0x10: {  	s9 =	sadd.s32 $0xC000, s6;
	s10 =	sadd.s32 $0x10000, s6;
	s11 =	sadd.s32 s13, s17  }
0x11: {  	s12 =	sadd.s32 s14, s17;
	s17 =	sadd.s32 $0x280, s17;
	s15 =	sadd.s32 $0x34A00, s15  }
0x12: {  	s13 =	sadd.s32 s13, s17;
	s14 =	sadd.s32 s14, s17;
	s17 =	simm.s32 $0x2800  }
.LBB2_1:
0x13: {  	[tilespmem:s17], [sflag:$0x3] =	stream.linear.gather [hbm4b:s5+s3], $0x4000, $0x38;
	[tilespmem:$0x1E800] =	vst v63  }
0x14: {  	_ =	swait.ge [sflag:s18], $0x4000  }
0x15: {  	[sflag:s18] =	ssyncset.done $0x0  }
0x16: {  	[sflag:s18] =	ssyncadd.s32 $0xFFFFC000  }
0x17: {  	[spmem:s6] =	stream.linear.scatter [tilespmem:s17], [sflag:$0x3], $0x4000, $0x38;
	[tilespmem:$0x1E800] =	vst v63  }
0x18: {  	_ =	swait.ge [sflag:s18], $0x4000  }
0x19: {  	[sflag:s18] =	ssyncset.done $0x0  }
0x1a: {  	[sflag:s18] =	ssyncadd.s32 $0xFFFFC000  }
0x1b: {  	[spmem:s7] =	stream.linear.scatter [tilespmem:s17], [sflag:$0x3], $0x4000, $0x38;
	[tilespmem:$0x1E800] =	vst v63  }
0x1c: {  	_ =	swait.ge [sflag:s18], $0x4000  }
0x1d: {  	[sflag:s18] =	ssyncset.done $0x0  }
0x1e: {  	[sflag:s18] =	ssyncadd.s32 $0xFFFFC000  }
0x1f: {  	[spmem:s8] =	stream.linear.scatter [tilespmem:s17], [sflag:$0x3], $0x4000, $0x38;
	[tilespmem:$0x1E800] =	vst v63  }
0x20: {  	_ =	swait.ge [sflag:s18], $0x4000  }
0x21: {  	[sflag:s18] =	ssyncset.done $0x0  }
0x22: {  	[sflag:s18] =	ssyncadd.s32 $0xFFFFC000  }
0x23: {  	[spmem:s9] =	stream.linear.scatter [tilespmem:s17], [sflag:$0x3], $0x4000, $0x38;
	[tilespmem:$0x1E800] =	vst v63  }
0x24: {  	_ =	swait.ge [sflag:s18], $0x4000  }
0x25: {  	[sflag:s18] =	ssyncset.done $0x0  }
0x26: {  	[sflag:s18] =	ssyncadd.s32 $0xFFFFC000  }
0x27: {  	[spmem:s10] =	stream.linear.scatter [tilespmem:s17], [sflag:$0x3], $0x4000, $0x38;
	[tilespmem:$0x1E800] =	vst v63  }
0x28: {  	_ =	swait.ge [sflag:s18], $0x4000  }
0x29: {  	[sflag:s18] =	ssyncset.done $0x0  }
0x2a: {  	[sflag:s18] =	ssyncadd.s32 $0xFFFFC000  }
0x2b: {  	[bflag:$0x0] =	sbarrier.arrive $0xFFFF  }
0x2c: {  	[tilespmem:s3], [sflag:$0x3] =	stream.linear.gather [hbm4b:s11+s3], $0x1400, $0x38;
	[tilespmem:$0x1E800] =	vst v63  }
0x2d: {  	_ =	swait.ge [sflag:s18], $0x1400  }
0x2e: {  	[sflag:s18] =	ssyncset.done $0x0  }
0x2f: {  	[sflag:s18] =	ssyncadd.s32 $0xFFFFEC00  }
0x30: {  	[tilespmem:s19], [sflag:$0x3] =	stream.linear.gather [hbm4b:s12+s3], $0x1400, $0x38;
	[tilespmem:$0x1E800] =	vst v63  }
0x31: {  	_ =	swait.ge [sflag:s18], $0x1400  }
0x32: {  	[sflag:s18] =	ssyncset.done $0x0  }
0x33: {  	[sflag:s18] =	ssyncadd.s32 $0xFFFFEC00  }
0x34: {  	[tilespmem:s17], [sflag:$0x1] =	stream.indirect.gather [hbm4b:s4+s20], $0x80, s3, s20, $0xb8;
	[tilespmem:$0x1E800] =	vst v63  }
0x35: {  	s29 =	simm.s32 $0x80  }
0x36: {  	[tilespmem:s21], [sflag:$0x2] =	stream.indirect.gather [hbm4b:s4+s20], $0x80, s29, s20, $0xb8;
	[tilespmem:$0x1E800] =	vst v63  }
0x37: {  	_ =	swait.ge [sflag:s22], $0x4000  }
0x38: {  	[sflag:s22] =	ssyncset.done $0x0  }
0x39: {  	s29 =	simm.s32 $0x1400;
	[sflag:s22] =	ssyncadd.s32 $0xFFFFC000  }
0x3a: {  	[spmem:s2] =	stream.indirect.scatter.add.f32 [tilespmem:s17], [sflag:$0x3], $0x80, s29, s20, $0xb8;
	[tilespmem:$0x1E800] =	vst v63  }
0x3b: {  	_ =	swait.ge [sflag:s18], $0x4000  }
0x3c: {  	[sflag:s18] =	ssyncset.done $0x0  }
0x3d: {  	s29 =	simm.s32 $0x100;
	[sflag:s18] =	ssyncadd.s32 $0xFFFFC000  }
0x3e: {  	[tilespmem:s17], [sflag:$0x1] =	stream.indirect.gather [hbm4b:s4+s20], $0x80, s29, s20, $0xb8;
	[tilespmem:$0x1E800] =	vst v63  }
0x3f: {  	_ =	swait.ge [sflag:s23], $0x4000  }
0x40: {  	[sflag:s23] =	ssyncset.done $0x0  }
0x41: {  	s29 =	simm.s32 $0x1480;
	[sflag:s23] =	ssyncadd.s32 $0xFFFFC000  }
0x42: {  	[spmem:s2] =	stream.indirect.scatter.add.f32 [tilespmem:s21], [sflag:$0x3], $0x80, s29, s20, $0xb8;
	[tilespmem:$0x1E800] =	vst v63  }
0x43: {  	_ =	swait.ge [sflag:s18], $0x4000  }
0x44: {  	s30 =	simm.s32 $0x800;
	s29 =	simm.s32 $0x100;
	[sflag:s18] =	ssyncset.done $0x0  }
.LBB2_2:
0x45: {  	s31 =	sadd.s32 $0x80, s29  }
0x46: {  	[sflag:s18] =	ssyncadd.s32 $0xFFFFC000;
	s0 =	smov.u32 s30;
	s1 =	sadd.s32 $0x400, s30  }
0x47: {  	[tilespmem:s21], [sflag:$0x2] =	stream.indirect.gather [hbm4b:s4+s20], $0x80, s31, s20, $0xb8;
	[tilespmem:$0x1E800] =	vst v63  }
0x48: {  	p0 =	sne.s32 s30, $0x4800;
	_ =	swait.ge [sflag:s22], $0x4000  }
0x49: {  	[sflag:s22] =	ssyncset.done $0x0  }
0x4a: {  	s30 =	sadd.s32 $0x1400, s29;
	[sflag:s22] =	ssyncadd.s32 $0xFFFFC000  }
0x4b: {  	[spmem:s2] =	stream.indirect.scatter.add.f32 [tilespmem:s17], [sflag:$0x3], $0x80, s30, s20, $0xb8;
	[tilespmem:$0x1E800] =	vst v63  }
0x4c: {  	_ =	swait.ge [sflag:s18], $0x4000  }
0x4d: {  	[sflag:s18] =	ssyncset.done $0x0  }
0x4e: {  	s30 =	sadd.s32 $0x100, s29;
	[sflag:s18] =	ssyncadd.s32 $0xFFFFC000  }
0x4f: {  	[tilespmem:s17], [sflag:$0x1] =	stream.indirect.gather [hbm4b:s4+s20], $0x80, s30, s20, $0xb8;
	[tilespmem:$0x1E800] =	vst v63  }
0x50: {  	_ =	swait.ge [sflag:s23], $0x4000  }
.Ltmp0:
0x51: {  	[sflag:s23] =	ssyncset.done $0x0;
	(pc) =	sbr.rel @p0 .LBB2_2-.Ltmp0, $4  }
0x52: {  	s29 =	sadd.s32 $0x1480, s29;
	[sflag:s23] =	ssyncadd.s32 $0xFFFFC000  }
0x53: {  	[spmem:s2] =	stream.indirect.scatter.add.f32 [tilespmem:s21], [sflag:$0x3], $0x80, s29, s20, $0xb8;
	[tilespmem:$0x1E800] =	vst v63  }
0x54: {  	_ =	swait.ge [sflag:s18], $0x4000  }
0x55: {  	s30 =	smov.u32 s1;
	s29 =	sshra.s32 s0, $0x2;
	[sflag:s18] =	ssyncset.done $0x0  }
0x56: {  	s0 =	sadd.s32 $0x80, s29;
	[sflag:s18] =	ssyncadd.s32 $0xFFFFC000  }
0x57: {  	[tilespmem:s21], [sflag:$0x2] =	stream.indirect.gather [hbm4b:s4+s20], $0x80, s0, s20, $0xb8;
	[tilespmem:$0x1E800] =	vst v63  }
0x58: {  	_ =	swait.ge [sflag:s22], $0x4000  }
0x59: {  	[sflag:s22] =	ssyncset.done $0x0  }
0x5a: {  	s1 =	sadd.s32 $0x1400, s29;
	[sflag:s22] =	ssyncadd.s32 $0xFFFFC000  }
0x5b: {  	[spmem:s2] =	stream.indirect.scatter.add.f32 [tilespmem:s17], [sflag:$0x3], $0x80, s1, s20, $0xb8;
	[tilespmem:$0x1E800] =	vst v63  }
0x5c: {  	_ =	swait.ge [sflag:s18], $0x4000  }
0x5d: {  	[sflag:s18] =	ssyncset.done $0x0  }
0x5e: {  	s31 =	sadd.s32 $0x100, s29;
	[sflag:s18] =	ssyncadd.s32 $0xFFFFC000  }
0x5f: {  	[tilespmem:s17], [sflag:$0x1] =	stream.indirect.gather [hbm4b:s4+s20], $0x80, s31, s20, $0xb8;
	[tilespmem:$0x1E800] =	vst v63  }
0x60: {  	_ =	swait.ge [sflag:s23], $0x4000  }
0x61: {  	[sflag:s23] =	ssyncset.done $0x0  }
0x62: {  	s1 =	sadd.s32 $0x1480, s29;
	[sflag:s23] =	ssyncadd.s32 $0xFFFFC000  }
0x63: {  	[spmem:s2] =	stream.indirect.scatter.add.f32 [tilespmem:s21], [sflag:$0x3], $0x80, s1, s20, $0xb8;
	[tilespmem:$0x1E800] =	vst v63  }
0x64: {  	_ =	swait.ge [sflag:s18], $0x4000  }
0x65: {  	[sflag:s18] =	ssyncset.done $0x0  }
0x66: {  	[sflag:s18] =	ssyncadd.s32 $0xFFFFC000  }
0x67: {  	[tilespmem:s21], [sflag:$0x2] =	stream.indirect.gather [hbm4b:s4+s20], $0x80, s24, s20, $0xb8;
	[tilespmem:$0x1E800] =	vst v63  }
0x68: {  	_ =	swait.ge [sflag:s22], $0x4000  }
0x69: {  	[sflag:s22] =	ssyncset.done $0x0  }
0x6a: {  	[sflag:s22] =	ssyncadd.s32 $0xFFFFC000  }
0x6b: {  	[spmem:s2] =	stream.indirect.scatter.add.f32 [tilespmem:s17], [sflag:$0x3], $0x80, s25, s20, $0xb8;
	[tilespmem:$0x1E800] =	vst v63  }
0x6c: {  	_ =	swait.ge [sflag:s18], $0x4000  }
0x6d: {  	[sflag:s18] =	ssyncset.done $0x0  }
0x6e: {  	[sflag:s18] =	ssyncadd.s32 $0xFFFFC000  }
0x6f: {  	[tilespmem:s17], [sflag:$0x1] =	stream.indirect.gather [hbm4b:s4+s20], $0x80, s24, s20, $0xb8;
	[tilespmem:$0x1E800] =	vst v63  }
0x70: {  	_ =	swait.ge [sflag:s23], $0x4000  }
0x71: {  	[sflag:s23] =	ssyncset.done $0x0  }
0x72: {  	[sflag:s23] =	ssyncadd.s32 $0xFFFFC000  }
0x73: {  	[spmem:s2] =	stream.indirect.scatter.add.f32 [tilespmem:s21], [sflag:$0x3], $0x80, s26, s20, $0xb8;
	[tilespmem:$0x1E800] =	vst v63  }
0x74: {  	_ =	swait.ge [sflag:s18], $0x4000  }
0x75: {  	[sflag:s18] =	ssyncset.done $0x0  }
0x76: {  	[sflag:s18] =	ssyncadd.s32 $0xFFFFC000  }
0x77: {  	_ =	swait.ge [sflag:s22], $0x4000  }
0x78: {  	[sflag:s22] =	ssyncset.done $0x0  }
0x79: {  	s31 =	simm.s32 $0x0;
	[sflag:s22] =	ssyncadd.s32 $0xFFFFC000  }
0x7a: {  	[tilespmem:s31], [sflag:$0x3] =	stream.linear.gather [hbm4b:s13+s31], $0x1400, $0x38;
	[tilespmem:$0x1E800] =	vst v63  }
0x7b: {  	_ =	swait.ge [sflag:s18], $0x1400  }
0x7c: {  	[sflag:s18] =	ssyncset.done $0x0  }
0x7d: {  	[sflag:s18] =	ssyncadd.s32 $0xFFFFEC00  }
0x7e: {  	[tilespmem:s19], [sflag:$0x3] =	stream.linear.gather [hbm4b:s14+s31], $0x1400, $0x38;
	[tilespmem:$0x1E800] =	vst v63  }
0x7f: {  	_ =	swait.ge [sflag:s18], $0x1400  }
0x80: {  	[sflag:s18] =	ssyncset.done $0x0  }
0x81: {  	[sflag:s18] =	ssyncadd.s32 $0xFFFFEC00  }
0x82: {  	[tilespmem:s17], [sflag:$0x1] =	stream.indirect.gather [hbm4b:s4+s20], $0x80, s31, s20, $0xb8;
	[tilespmem:$0x1E800] =	vst v63  }
0x83: {  	s1 =	simm.s32 $0x80  }
0x84: {  	[tilespmem:s21], [sflag:$0x2] =	stream.indirect.gather [hbm4b:s4+s20], $0x80, s1, s20, $0xb8;
	[tilespmem:$0x1E800] =	vst v63  }
0x85: {  	_ =	swait.ge [sflag:s22], $0x4000  }
0x86: {  	[sflag:s22] =	ssyncset.done $0x0  }
0x87: {  	s31 =	simm.s32 $0x1400;
	[sflag:s22] =	ssyncadd.s32 $0xFFFFC000  }
0x88: {  	[spmem:s2] =	stream.indirect.scatter.add.f32 [tilespmem:s17], [sflag:$0x3], $0x80, s31, s20, $0xb8;
	[tilespmem:$0x1E800] =	vst v63  }
0x89: {  	_ =	swait.ge [sflag:s18], $0x4000  }
0x8a: {  	[sflag:s18] =	ssyncset.done $0x0  }
0x8b: {  	s1 =	simm.s32 $0x100;
	[sflag:s18] =	ssyncadd.s32 $0xFFFFC000  }
0x8c: {  	[tilespmem:s17], [sflag:$0x1] =	stream.indirect.gather [hbm4b:s4+s20], $0x80, s1, s20, $0xb8;
	[tilespmem:$0x1E800] =	vst v63  }
0x8d: {  	_ =	swait.ge [sflag:s23], $0x4000  }
0x8e: {  	[sflag:s23] =	ssyncset.done $0x0  }
0x8f: {  	s31 =	simm.s32 $0x1480;
	[sflag:s23] =	ssyncadd.s32 $0xFFFFC000  }
0x90: {  	[spmem:s2] =	stream.indirect.scatter.add.f32 [tilespmem:s21], [sflag:$0x3], $0x80, s31, s20, $0xb8;
	[tilespmem:$0x1E800] =	vst v63  }
0x91: {  	_ =	swait.ge [sflag:s18], $0x4000  }
0x92: {  	s30 =	simm.s32 $0x800;
	s29 =	simm.s32 $0x100;
	[sflag:s18] =	ssyncset.done $0x0  }
.LBB2_4:
0x93: {  	s0 =	sadd.s32 $0x80, s29  }
0x94: {  	[sflag:s18] =	ssyncadd.s32 $0xFFFFC000;
	s1 =	smov.u32 s30;
	s31 =	sadd.s32 $0x400, s30  }
0x95: {  	[tilespmem:s21], [sflag:$0x2] =	stream.indirect.gather [hbm4b:s4+s20], $0x80, s0, s20, $0xb8;
	[tilespmem:$0x1E800] =	vst v63  }
0x96: {  	p0 =	sne.s32 s30, $0x4800;
	_ =	swait.ge [sflag:s22], $0x4000  }
0x97: {  	[sflag:s22] =	ssyncset.done $0x0  }
0x98: {  	s0 =	sadd.s32 $0x1400, s29;
	[sflag:s22] =	ssyncadd.s32 $0xFFFFC000  }
0x99: {  	[spmem:s2] =	stream.indirect.scatter.add.f32 [tilespmem:s17], [sflag:$0x3], $0x80, s0, s20, $0xb8;
	[tilespmem:$0x1E800] =	vst v63  }
0x9a: {  	_ =	swait.ge [sflag:s18], $0x4000  }
0x9b: {  	[sflag:s18] =	ssyncset.done $0x0  }
0x9c: {  	s0 =	sadd.s32 $0x100, s29;
	[sflag:s18] =	ssyncadd.s32 $0xFFFFC000  }
0x9d: {  	[tilespmem:s17], [sflag:$0x1] =	stream.indirect.gather [hbm4b:s4+s20], $0x80, s0, s20, $0xb8;
	[tilespmem:$0x1E800] =	vst v63  }
0x9e: {  	_ =	swait.ge [sflag:s23], $0x4000  }
.Ltmp1:
0x9f: {  	[sflag:s23] =	ssyncset.done $0x0;
	(pc) =	sbr.rel @p0 .LBB2_4-.Ltmp1, $4  }
0xa0: {  	s0 =	sadd.s32 $0x1480, s29;
	[sflag:s23] =	ssyncadd.s32 $0xFFFFC000  }
0xa1: {  	[spmem:s2] =	stream.indirect.scatter.add.f32 [tilespmem:s21], [sflag:$0x3], $0x80, s0, s20, $0xb8;
	[tilespmem:$0x1E800] =	vst v63  }
0xa2: {  	_ =	swait.ge [sflag:s18], $0x4000  }
0xa3: {  	s30 =	smov.u32 s31;
	s29 =	sshra.s32 s1, $0x2;
	[sflag:s18] =	ssyncset.done $0x0  }
0xa4: {  	s0 =	sadd.s32 $0x80, s29;
	[sflag:s18] =	ssyncadd.s32 $0xFFFFC000  }
0xa5: {  	[tilespmem:s21], [sflag:$0x2] =	stream.indirect.gather [hbm4b:s4+s20], $0x80, s0, s20, $0xb8;
	[tilespmem:$0x1E800] =	vst v63  }
0xa6: {  	_ =	swait.ge [sflag:s22], $0x4000  }
0xa7: {  	[sflag:s22] =	ssyncset.done $0x0  }
0xa8: {  	s31 =	sadd.s32 $0x1400, s29;
	[sflag:s22] =	ssyncadd.s32 $0xFFFFC000  }
0xa9: {  	[spmem:s2] =	stream.indirect.scatter.add.f32 [tilespmem:s17], [sflag:$0x3], $0x80, s31, s20, $0xb8;
	[tilespmem:$0x1E800] =	vst v63  }
0xaa: {  	_ =	swait.ge [sflag:s18], $0x4000  }
0xab: {  	[sflag:s18] =	ssyncset.done $0x0  }
0xac: {  	s1 =	sadd.s32 $0x100, s29;
	[sflag:s18] =	ssyncadd.s32 $0xFFFFC000  }
0xad: {  	[tilespmem:s17], [sflag:$0x1] =	stream.indirect.gather [hbm4b:s4+s20], $0x80, s1, s20, $0xb8;
	[tilespmem:$0x1E800] =	vst v63  }
0xae: {  	_ =	swait.ge [sflag:s23], $0x4000  }
0xaf: {  	[sflag:s23] =	ssyncset.done $0x0  }
0xb0: {  	s30 =	sadd.s32 $0x1480, s29;
	[sflag:s23] =	ssyncadd.s32 $0xFFFFC000  }
0xb1: {  	[spmem:s2] =	stream.indirect.scatter.add.f32 [tilespmem:s21], [sflag:$0x3], $0x80, s30, s20, $0xb8;
	[tilespmem:$0x1E800] =	vst v63  }
0xb2: {  	_ =	swait.ge [sflag:s18], $0x4000  }
0xb3: {  	[sflag:s18] =	ssyncset.done $0x0  }
0xb4: {  	[sflag:s18] =	ssyncadd.s32 $0xFFFFC000  }
0xb5: {  	[tilespmem:s21], [sflag:$0x2] =	stream.indirect.gather [hbm4b:s4+s20], $0x80, s24, s20, $0xb8;
	[tilespmem:$0x1E800] =	vst v63  }
0xb6: {  	_ =	swait.ge [sflag:s22], $0x4000  }
0xb7: {  	[sflag:s22] =	ssyncset.done $0x0  }
0xb8: {  	[sflag:s22] =	ssyncadd.s32 $0xFFFFC000  }
0xb9: {  	[spmem:s2] =	stream.indirect.scatter.add.f32 [tilespmem:s17], [sflag:$0x3], $0x80, s25, s20, $0xb8;
	[tilespmem:$0x1E800] =	vst v63  }
0xba: {  	_ =	swait.ge [sflag:s18], $0x4000  }
0xbb: {  	[sflag:s18] =	ssyncset.done $0x0  }
0xbc: {  	[sflag:s18] =	ssyncadd.s32 $0xFFFFC000  }
0xbd: {  	[tilespmem:s17], [sflag:$0x1] =	stream.indirect.gather [hbm4b:s4+s20], $0x80, s24, s20, $0xb8;
	[tilespmem:$0x1E800] =	vst v63  }
0xbe: {  	_ =	swait.ge [sflag:s23], $0x4000  }
0xbf: {  	[sflag:s23] =	ssyncset.done $0x0  }
0xc0: {  	[sflag:s23] =	ssyncadd.s32 $0xFFFFC000  }
0xc1: {  	[spmem:s2] =	stream.indirect.scatter.add.f32 [tilespmem:s21], [sflag:$0x3], $0x80, s26, s20, $0xb8;
	[tilespmem:$0x1E800] =	vst v63  }
0xc2: {  	_ =	swait.ge [sflag:s18], $0x4000  }
0xc3: {  	[sflag:s18] =	ssyncset.done $0x0  }
0xc4: {  	[sflag:s18] =	ssyncadd.s32 $0xFFFFC000  }
0xc5: {  	s31 =	stileid.u32;
	_ =	swait.ge [sflag:s22], $0x4000  }
0xc6: {  	s28 =	sadd.s32 $0x1, s28;
	s0 =	sshll.u32 s31, $0x6;
	[sflag:s22] =	ssyncset.done $0x0  }
0xc7: {  	p0 =	sne.s32 s28, s16;
	s0 =	sor.u32 $0x1C03, s0;
	[sflag:s22] =	ssyncadd.s32 $0xFFFFC000  }
.Ltmp2:
0xc8: {  	s1 =	sshrl.u32 s6, $0x3;
	[bflag:$0x0] =	sbarrier.arrive $0xFFFF;
	(pc) =	sbr.rel @p0 .LBB2_1-.Ltmp2, $4  }
0xc9: {  	[hbm:s15], [sflag:s0] =	dma.local [spmem:s1], $0x2800  }
0xca: {  	_ =	swait.ge [sflag:s18], $0x2800  }
0xcb: {  	[sflag:s18] =	ssyncset.done $0x0  }
0xcc: {  	[sflag:s18] =	ssyncadd.s32 $0xFFFFD800  }
0xcd: {  	_ =	sfence.sel $0x180000  }
0xce: {  	[bflag:$0x0] =	sbarrier.arrive $0xFFFF  }
0xcf: {  	_ =	strace $0x9000004D  }
0xd0: {  	s0 =	stileid.u32;
	[bflag:$0x2] =	sbarrier.arrive $0xFFFF  }
0xd1: {  	p0 =	sne.s32 s0, $0x0;
	s0 =	rddreg [dreg:$0x3]  }
0xd2: {  	s0 =	sadd.s32 @!p0 $0x100000, s0  }
0xd3: {  	[sflag:s0] =	ssyncadd.tile.s32 @!p0 $0x1;
	_ =	shalt  }
.Lfunc_end2:
_tile_overlayer_lowered:
.L_overlay_start_2:
0xd4: {  	(tag) =	ssettag $0x2  }
0xd5: {  	s0 =	rddreg [dreg:$0x0];
	s2 =	stileid.u32  }
0xd6: {  	s1 =	rddreg [dreg:$0x1];
	p0 =	sne.s32 s2, $0x0  }
0xd7: {  	s3 =	rddreg [dreg:$0x2];
	[bflag:$0x3] =	sbarrier.arrive $0xFFFF;
	s2 =	simm.s32 @!p0 $0x1C03  }
0xd8: {  	[timem:s3], [sflag:s2] =	dma.local @!p0 [hbm:s0], s1  }
0xd9: {  	s0 =	simm.s32 @!p0 $0x3  }
0xda: {  	_ =	swait.ge @!p0 [sflag:s0], s1  }
0xdb: {  	s1 =	ssub.s32 @!p0 $0x0, s1;
	[sflag:s0] =	ssyncset.done @!p0 $0x0  }
0xdc: {  	[sflag:s0] =	ssyncadd.s32 @!p0 s1  }
0xdd: {  	[bflag:$0x3] =	sbarrier.arrive $0xFFFF  }
0xde: {  	_ =	shalt  }

// kernel: kernel.8.cloned.1.call-start
scs
__scs_entry_jumppad:
0x0: {  	(pc) =	sbr.rel $0x88, $3  }
0x1: {  	(tag) =	ssettag $0x0;
	lr =	simm.s32 $0x1  }
0x2: {  	[smem:$0x3F9B] =	sst lr;
	_ =	strace $0xD0000000  }
0x3: {  	_ = 	snop  }
0x4: {  	_ = 	snop  }
0x5: {  	_ = 	snop  }
0x6: {  	_ = 	snop  }
0x7: {  	_ = 	snop  }
__scs_overlays_trampoline_lowered:
0x8: {  	[smem:$0x3FAA] =	sst s0  }
0x9: {  	[smem:$0x3FAB] =	sst s1  }
0xa: {  	[smem:$0x3FAC] =	sst s2  }
0xb: {  	[smem:$0x3FAD] =	sst s3  }
0xc: {  	[smem:$0x3FAE] =	sst s4  }
0xd: {  	[smem:$0x3FAF] =	sst s5  }
0xe: {  	[smem:$0x3FB0] =	sst s6  }
0xf: {  	[smem:$0x3FB1] =	sst s7  }
0x10: {  	[smem:$0x3FB2] =	sst s8  }
0x11: {  	[smem:$0x3FB3] =	sst s9;
	s0 =	simm.s32 @!p0 $0x0  }
0x12: {  	s1 =	sld [smem:$0x3F99];
	s0 =	simm.s32 @p0 $0x1  }
0x13: {  	[smem:$0x3FB4] =	sst s0;
	s0 =	simm.s32 @!p1 $0x0  }
0x14: {  	s2 =	sld [smem:$0x3F98];
	s0 =	simm.s32 @p1 $0x1  }
0x15: {  	[smem:$0x3FB5] =	sst s0;
	s0 =	simm.s32 @!p2 $0x0  }
0x16: {  	s3 =	sld [smem:$0x3FDB];
	s0 =	simm.s32 @p2 $0x1  }
0x17: {  	s4 =	simm.s32 $0x1BF5;
	[smem:$0x3FB7] =	sst s0  }
0x18: {  	s0 =	sld [smem:$0x3F9A];
	_ =	swait.ge [sflag:s4], $0x0  }
0x19: {  	s7 =	sld [smem:$0x3F9B]  }
0x1a: {  	s8 =	sadd.s32 $0xFFFFE003, lr  }
0x1b: {  	s9 =	sadd.s32 $0xFFFFFEF7, lr;
	s5 =	simm.s32 $0xFFFFFFFF;
	p2 =	slt.u32 s8, $0xFFFFF086  }
0x1c: {  	p1 =	slt.u32 s9, $0xF7A;
	s5 =	simm.s32 @!p2 $0x0  }
0x1d: {  	s5 =	simm.s32 @p1 $0x1;
	p0 =	seq.s32 s7, s2  }
0x1e: {  	s7 =	smul.u32 @!p0 $0xF7A, s2;
	p2 =	seq.s32 @!p0 s5, $0x0  }
0x1f: {  	s9 =	smul.u32 $0xF7A, s1;
	s8 =	simm.s32 @!p0 $0x1BF5;
	p2 =	por !p2, p0  }
0x20: {  	[sflag:s8] =	ssyncset.s32 @!p0 $0xFFFFF086;
	s6 =	sadd.s32 @!p0 s3, s7;
	s7 =	simm.s32 @!p0 $0x108  }
0x21: {  	s3 =	sadd.s32 s3, s9;
	s6 =	sadd.s32 @!p0 $0x88, s6;
	s7 =	simm.s32 @p2 $0x1082  }
0x22: {  	[simem:s7], [sflag:s8] =	dma.local @!p0 [hbm:s6], $0xF7A  }
0x23: {  	s9 =	sor.u32 $0xD0000000, s2;
	s6 =	simm.s32 $0x108;
	_ =	swait.ge @!p0 [sflag:s8], $0x0  }
0x24: {  	s3 =	sadd.s32 $0x88, s3;
	s6 =	simm.s32 @!p1 $0x1082;
	[sflag:s4] =	ssyncset.s32 $0xFFFFF086  }
0x25: {  	[simem:s6], [sflag:s4] =	dma.local [hbm:s3], $0xF7A  }
0x26: {  	[smem:$0x3F9B] =	sst s1;
	(tag) =	ssettag s2;
	_ =	strace s9  }
0x27: {  	s1 =	sld [smem:$0x3FAB]  }
0x28: {  	s2 =	sld [smem:$0x3FAC]  }
0x29: {  	s4 =	sld [smem:$0x3FAE]  }
0x2a: {  	p0 =	seq.s32 s5, $0x0;
	s5 =	sld [smem:$0x3FAF]  }
0x2b: {  	s6 =	sld [smem:$0x3FB0]  }
0x2c: {  	s7 =	sld [smem:$0x3FB1]  }
0x2d: {  	s3 =	simm.s32 $0x108;
	s8 =	sld [smem:$0x3FB2]  }
0x2e: {  	s3 =	simm.s32 @!p0 $0x1082;
	s9 =	sld [smem:$0x3FB3]  }
0x2f: {  	lr =	sadd.s32 s0, s3;
	s0 =	sld [smem:$0x3FAA]  }
0x30: {  	s3 =	sld [smem:$0x3FAD]  }
0x31: {  	[smem:$0x3FB6] =	sst s10  }
0x32: {  	s10 =	sld [smem:$0x3FB4];
	_ =	sdelay $0x3  }
0x33: {  	p0 =	seq.s32 s10, $0x1;
	s10 =	sld [smem:$0x3FB6];
	_ =	sdelay $0x3  }
0x34: {  	[smem:$0x3FB6] =	sst s10  }
0x35: {  	s10 =	sld [smem:$0x3FB5];
	_ =	sdelay $0x3  }
0x36: {  	p1 =	seq.s32 s10, $0x1;
	s10 =	sld [smem:$0x3FB6];
	_ =	sdelay $0x3  }
0x37: {  	[smem:$0x3FB6] =	sst s10  }
0x38: {  	s10 =	sld [smem:$0x3FB7]  }
0x39: {  	_ = 	snop;
	(pc) =	sbr.ind lr, $3  }
0x3a: {  	_ = 	snop  }
0x3b: {  	_ = 	snop  }
0x3c: {  	p2 =	seq.s32 s10, $0x1;
	s10 =	sld [smem:$0x3FB6]  }
0x3d: {  	_ =	shalt  }
0x3e: {  	_ =	shalt  }
0x3f: {  	_ =	shalt  }
0x40: {  	_ =	shalt  }
0x41: {  	_ =	shalt  }
0x42: {  	_ =	shalt  }
0x43: {  	_ =	shalt  }
0x44: {  	_ =	shalt  }
0x45: {  	_ =	shalt  }
0x46: {  	_ =	shalt  }
0x47: {  	_ =	shalt  }
0x48: {  	_ =	shalt  }
0x49: {  	_ =	shalt  }
0x4a: {  	_ =	shalt  }
0x4b: {  	_ =	shalt  }
0x4c: {  	_ =	shalt  }
0x4d: {  	_ =	shalt  }
0x4e: {  	_ =	shalt  }
0x4f: {  	_ =	shalt  }
0x50: {  	_ =	shalt  }
0x51: {  	_ =	shalt  }
0x52: {  	_ =	shalt  }
0x53: {  	_ =	shalt  }
0x54: {  	_ =	shalt  }
0x55: {  	_ =	shalt  }
0x56: {  	_ =	shalt  }
0x57: {  	_ =	shalt  }
0x58: {  	_ =	shalt  }
0x59: {  	_ =	shalt  }
0x5a: {  	_ =	shalt  }
0x5b: {  	_ =	shalt  }
0x5c: {  	_ =	shalt  }
0x5d: {  	_ =	shalt  }
0x5e: {  	_ =	shalt  }
0x5f: {  	_ =	shalt  }
0x60: {  	_ =	shalt  }
0x61: {  	_ =	shalt  }
0x62: {  	_ =	shalt  }
0x63: {  	_ =	shalt  }
0x64: {  	_ =	shalt  }
0x65: {  	_ =	shalt  }
0x66: {  	_ =	shalt  }
0x67: {  	_ =	shalt  }
0x68: {  	_ =	shalt  }
0x69: {  	_ =	shalt  }
0x6a: {  	_ =	shalt  }
0x6b: {  	_ =	shalt  }
0x6c: {  	_ =	shalt  }
0x6d: {  	_ =	shalt  }
0x6e: {  	_ =	shalt  }
0x6f: {  	_ =	shalt  }
0x70: {  	_ =	shalt  }
0x71: {  	_ =	shalt  }
0x72: {  	_ =	shalt  }
0x73: {  	_ =	shalt  }
0x74: {  	_ =	shalt  }
0x75: {  	_ =	shalt  }
0x76: {  	_ =	shalt  }
0x77: {  	_ =	shalt  }
0x78: {  	_ =	shalt  }
0x79: {  	_ =	shalt  }
0x7a: {  	_ =	shalt  }
0x7b: {  	_ =	shalt  }
0x7c: {  	_ =	shalt  }
0x7d: {  	_ =	shalt  }
0x7e: {  	_ =	shalt  }
0x7f: {  	_ =	shalt  }
0x80: {  	_ =	shalt  }
0x81: {  	_ =	shalt  }
0x82: {  	_ =	shalt  }
0x83: {  	_ =	shalt  }
0x84: {  	_ =	shalt  }
0x85: {  	_ =	shalt  }
0x86: {  	_ =	shalt  }
0x87: {  	_ =	shalt  }
.Lfunc_end0:
.L_simem_size_0:
called_computation_lowered:
.L_overlay_start_0:
0x88: {  	s2 =	sld [smem:$0x3FD9]  }
0x89: {  	s3 =	sld [smem:$0x3FFE];
	_ =	sdelay $0x1  }
0x8a: {  	s1 =	srdreg.scid  }
0x8b: {  	s0 =	sand.u32 $0x1, s1  }
0x8c: {  	s16 =	sshll.u32 s0, $0xA;
	s2 =	sadd.s32 s3, s2  }
0x8d: {  	s2 =	sadd.s32 s2, s16  }
0x8e: {  	[smem:$0x3FC2] =	sst s2  }
0x8f: {  	_ = 	snop  }
0x90: {  	(tm) =	ssettm $0x1  }
0x91: {  	s17 =	sld [smem:$0x3FFB];
	_ =	sdelay $0x3  }
0x92: {  	_ =	strace s17  }
0x93: {  	s2 =	sld [smem:$0x3FFC];
	_ =	sdelay $0x3  }
0x94: {  	_ =	strace s2  }
0x95: {  	s2 =	sld [smem:$0x3FFD];
	_ =	sdelay $0x3  }
0x96: {  	_ =	strace s2  }
0x97: {  	_ =	strace $0x8FFFFFFF  }
0x98: {  	s18 =	sld [smem:$0x3FDB];
	_ =	sdelay $0x1  }
0x99: {  	s19 =	simm.s32 $_scs_section_size  }
0x9a: {  	s4 =	simm.s32 $_size__tile_overlayer_lowered;
	s5 =	simm.s32 $_tile_overlayer_lowered  }
0x9b: {  	s22 =	simm.s32 $0x1BFF;
	s21 =	sshll.u32 s5, $0x1;
	s2 =	sadd.s32 s19, s18  }
0x9c: {  	s6 =	simm.s32 $0x0;
	s20 =	sshll.u32 s4, $0x1;
	s4 =	sadd.s32 s21, s2  }
0x9d: {  	[timem:s6], [sflag:s22] =	dma.local [hbm:s4], s20  }
0x9e: {  	_ =	swait.ge [sflag:s22], s20  }
0x9f: {  	s3 =	ssub.s32 $0x0, s20;
	[sflag:s22] =	ssyncset.done $0x0  }
0xa0: {  	[sflag:s22] =	ssyncadd.s32 s3;
	_ =	sdelay $0x1  }
0xa1: {  	s23 =	simm.s32 $0x1B8B  }
0xa2: {  	_ =	swait.ge [sflag:s23], $0x1  }
0xa3: {  	[sflag:s23] =	ssyncset.done $0x0  }
0xa4: {  	s25 =	simm.s32 $0x1B8E;
	s24 =	sld [smem:$0x3FFE];
	[sflag:s23] =	ssyncadd.s32 $0xFFFFFFFF  }
0xa5: {  	s26 =	simm.s32 $execute0_lowered;
	[smem:$0x3FD2] =	sst s25  }
0xa6: {  	s4 =	sshll.u32 s26, $0x1;
	_ =	strace $0x80000046;
	[dreg:$0x1] =	wrdreg $0xFFFFFFFF  }
0xa7: {  	s28 =	simm.s32 $_size_execute0_lowered;
	s2 =	sadd.s32 s2, s4;
	[dreg:$0x0] =	wrdreg $0x0  }
0xa8: {  	s4 =	sshll.u32 s28, $0x1;
	[dreg:$0x2] =	wrdreg s2  }
0xa9: {  	[dreg:$0x3] =	wrdreg s4  }
0xaa: {  	[dreg:$0x4] =	wrdreg $0xC0  }
0xab: {  	_ =	task [dreg:s6], $0x5FFFF  }
0xac: {  	[dreg:$0x1] =	wrdreg $0xFFFFFFFF  }
0xad: {  	[dreg:$0x0] =	wrdreg $0x60  }
0xae: {  	[dreg:$0x2] =	wrdreg s24  }
0xaf: {  	[dreg:$0x3] =	wrdreg $0x54000  }
0xb0: {  	[dreg:$0x4] =	wrdreg $0x9  }
0xb1: {  	_ =	task.clear_ibuf [dreg:s6], $0x5FFFF;
	_ =	strace $0x90000046  }
0xb2: {  	s29 =	simm.s32 $0x9;
	_ =	strace $0x80000048  }
0xb3: {  	_ =	swait.ge [sflag:s29], $0x1  }
0xb4: {  	[sflag:s29] =	ssyncadd.s32 $0xFFFFFFFF  }
0xb5: {  	_ =	strace $0x90000048  }
0xb6: {  	_ =	sfence  }
0xb7: {  	s30 =	sld [smem:$0x0];
	_ =	sdelay $0x2  }
0xb8: {  	s31 =	sshll.u32 s1, $0xD;
	s1 =	sshrl.u32 s1, $0x2  }
0xb9: {  	s3 =	sand.u32 $0x4000, s31;
	s1 =	sadd.s32 s1, s30  }
0xba: {  	s0 =	sor.u32 s3, s0;
	s1 =	sshll.u32 s1, $0x11  }
0xbb: {  	s0 =	sor.u32 s1, s0  }
0xbc: {  	s0 =	sadd.s32 $0x8F2B, s0  }
0xbd: {  	[sflag:s0] =	ssyncadd.remote.s32 $0x1  }
0xbe: {  	_ =	sfence.sel $0xFFFF  }
0xbf: {  	[dreg:$0x0] =	wrdreg $0xFFFFFFFF;
	(pc) =	sbr.abs _section_cstart, $3  }
0xc0: {  	[dreg:$0x1] =	wrdreg $0xFFFFFFFF  }
0xc1: {  	_ =	task.clear_ibuf [dreg:s6], $0x2FFFF;
	_ =	strace $0x9FFFFFFF  }
0xc2: {  	(tm) =	ssettm $0x7FFFFFFF  }
0xc3: {  	_ =	shalt  }
tec
execute0_lowered:
.L_overlay_start_1:
0x0: {  	(tag) =	ssettag $0x1  }
0x1: {  	s5 =	rddreg [dreg:$0x0]  }
0x2: {  	s0 =	srdreg.scid;
	s2 =	rddreg [dreg:$0x1];
	s3 =	simm.s32 $0x0  }
0x3: {  	s13 =	simm.s32 $0x1400;
	s14 =	simm.s32 $0x2;
	s4 =	sand.u32 $0x1, s0  }
0x4: {  	s15 =	simm.s32 $0x80;
	s0 =	stileid.u32;
	s7 =	smul.u32 $0x140000, s4  }
0x5: {  	s16 =	simm.s32 $0x1;
	s18 =	simm.s32 $0x0;
	s8 =	smul.u32 $0x14000, s0  }
0x6: {  	[smem:$0x7FF] =	sst s3;
	s1 =	sshll.u32 s4, $0x4;
	s9 =	smul.u32 $0x50000, s0  }
0x7: {  	s4 =	ssub.s32 $0x2, s4;
	s17 =	sshll.u32 s0, $0x6;
	s1 =	sor.u32 s0, s1  }
0x8: {  	s30 =	sshrl.u32 s4, $0x1;
	s17 =	sor.u32 $0x1C02, s17;
	s6 =	smul.u32 $0x2800, s1  }
0x9: {  	s1 =	rddreg [dreg:$0x2];
	_ =	strace $0x80000047;
	s31 =	sshrl.u32 s9, $0x2  }
0xa: {  	s29 =	sadd.s32 s8, s7;
	s12 =	ssub.s32 s4, s30;
	s4 =	sadd.s32 s31, s2  }
0xb: {  	s12 =	smax.u32 s12, $0x1;
	s6 =	sshrl.u32 s6, $0x3;
	s7 =	sadd.s32 $0xC000, s4  }
0xc: {  	s8 =	sadd.s32 $0x10000, s4;
	s10 =	sadd.s32 s6, s5;
	s6 =	sshrl.u32 s29, $0x3  }
0xd: {  	s11 =	sadd.s32 s6, s5;
	s5 =	sadd.s32 $0x4000, s4;
	s6 =	sadd.s32 $0x8000, s4  }
0xe: {  	v0 =	vimm.f32 $0.0e+00;
	v1 =	vimm.f32 $1.000000000e+00;
	s9 =	sadd.s32 $0x2200, s10;
	s10 =	sadd.s32 $0x2480, s10;
	s11 =	sadd.s32 $0xC200, s11  }
.LBB2_1:
0xf: {  	s19 =	simm.s32 $0x0;
	s20 =	simm.s32 $0x200  }
.LBB2_2:
0x10: {  	p0 =	sne.s32 s20, $0xFE00;
	[tilespmem:s19+$0x1470] =	vst v0  }
0x11: {  	[tilespmem:s19+$0x1400] =	vst v0  }
0x12: {  	[tilespmem:s19+$0x1410] =	vst v0  }
.Ltmp0:
0x13: {  	[tilespmem:s19+$0x1420] =	vst v0;
	(pc) =	sbr.rel @p0 .LBB2_2-.Ltmp0, $4  }
0x14: {  	[tilespmem:s19+$0x1430] =	vst v0  }
0x15: {  	[tilespmem:s19+$0x1440] =	vst v0  }
0x16: {  	[tilespmem:s19+$0x1450] =	vst v0  }
0x17: {  	[tilespmem:s19+$0x1460] =	vst v0;
	s19 =	sshra.s32 s20, $0x2;
	s20 =	sadd.s32 $0x200, s20  }
0x18: {  	[tilespmem:s19+$0x1470] =	vst v0  }
0x19: {  	[tilespmem:s19+$0x1400] =	vst v0  }
0x1a: {  	[tilespmem:s19+$0x1410] =	vst v0  }
0x1b: {  	[tilespmem:s19+$0x1420] =	vst v0  }
0x1c: {  	[tilespmem:s19+$0x1430] =	vst v0  }
0x1d: {  	[tilespmem:s19+$0x1440] =	vst v0  }
0x1e: {  	[tilespmem:s19+$0x1450] =	vst v0  }
0x1f: {  	[tilespmem:s19+$0x1460] =	vst v0  }
0x20: {  	[spmem:s4] =	stream.linear.scatter [tilespmem:s13], [sflag:$0x2], $0x4000, $0x38;
	[tilespmem:$0x19400] =	vst v63  }
0x21: {  	_ =	swait.ge [sflag:s14], $0x4000  }
0x22: {  	[sflag:s14] =	ssyncset.done $0x0  }
0x23: {  	[sflag:s14] =	ssyncadd.s32 $0xFFFFC000  }
0x24: {  	[spmem:s5] =	stream.linear.scatter [tilespmem:s13], [sflag:$0x2], $0x4000, $0x38;
	[tilespmem:$0x19400] =	vst v63  }
0x25: {  	_ =	swait.ge [sflag:s14], $0x4000  }
0x26: {  	[sflag:s14] =	ssyncset.done $0x0  }
0x27: {  	[sflag:s14] =	ssyncadd.s32 $0xFFFFC000  }
0x28: {  	[spmem:s6] =	stream.linear.scatter [tilespmem:s13], [sflag:$0x2], $0x4000, $0x38;
	[tilespmem:$0x19400] =	vst v63  }
0x29: {  	_ =	swait.ge [sflag:s14], $0x4000  }
0x2a: {  	[sflag:s14] =	ssyncset.done $0x0  }
0x2b: {  	[sflag:s14] =	ssyncadd.s32 $0xFFFFC000  }
0x2c: {  	[spmem:s7] =	stream.linear.scatter [tilespmem:s13], [sflag:$0x2], $0x4000, $0x38;
	[tilespmem:$0x19400] =	vst v63  }
0x2d: {  	_ =	swait.ge [sflag:s14], $0x4000  }
0x2e: {  	[sflag:s14] =	ssyncset.done $0x0  }
0x2f: {  	[sflag:s14] =	ssyncadd.s32 $0xFFFFC000  }
0x30: {  	[spmem:s8] =	stream.linear.scatter [tilespmem:s13], [sflag:$0x2], $0x4000, $0x38;
	[tilespmem:$0x19400] =	vst v63  }
0x31: {  	_ =	swait.ge [sflag:s14], $0x4000  }
0x32: {  	[sflag:s14] =	ssyncset.done $0x0  }
0x33: {  	s19 =	simm.s32 $0x0;
	s20 =	simm.s32 $0x200;
	[sflag:s14] =	ssyncadd.s32 $0xFFFFC000  }
.LBB2_4:
0x34: {  	p0 =	sne.s32 s20, $0xFE00;
	[tilespmem:s19+$0x1470] =	vst v1  }
0x35: {  	[tilespmem:s19+$0x1400] =	vst v1  }
0x36: {  	[tilespmem:s19+$0x1410] =	vst v1  }
.Ltmp1:
0x37: {  	[tilespmem:s19+$0x1420] =	vst v1;
	(pc) =	sbr.rel @p0 .LBB2_4-.Ltmp1, $4  }
0x38: {  	[tilespmem:s19+$0x1430] =	vst v1  }
0x39: {  	[tilespmem:s19+$0x1440] =	vst v1  }
0x3a: {  	[tilespmem:s19+$0x1450] =	vst v1  }
0x3b: {  	[tilespmem:s19+$0x1460] =	vst v1;
	s19 =	sshra.s32 s20, $0x2;
	s20 =	sadd.s32 $0x200, s20  }
0x3c: {  	[tilespmem:s19+$0x1470] =	vst v1  }
0x3d: {  	[tilespmem:s19+$0x1400] =	vst v1  }
0x3e: {  	[tilespmem:s19+$0x1410] =	vst v1  }
0x3f: {  	[tilespmem:s19+$0x1420] =	vst v1  }
0x40: {  	[tilespmem:s19+$0x1430] =	vst v1  }
0x41: {  	[tilespmem:s19+$0x1440] =	vst v1  }
0x42: {  	[tilespmem:s19+$0x1450] =	vst v1  }
0x43: {  	[tilespmem:s19+$0x1460] =	vst v1  }
0x44: {  	[bflag:$0x0] =	sbarrier.arrive $0xFFFF  }
0x45: {  	[tilespmem:s3], [sflag:$0x2] =	stream.linear.gather [hbm4b:s9+s3], $0x1400, $0x38;
	[tilespmem:$0x19400] =	vst v63  }
0x46: {  	_ =	swait.ge [sflag:s14], $0x1400  }
0x47: {  	[sflag:s14] =	ssyncset.done $0x0  }
0x48: {  	[sflag:s14] =	ssyncadd.s32 $0xFFFFEC00  }
0x49: {  	[spmem:s2] =	stream.indirect.scatter.add.f32 [tilespmem:s13], [sflag:$0x1], $0x80, s3, s15, $0xb8;
	[tilespmem:$0x19400] =	vst v63  }
0x4a: {  	_ = 	snop  }
0x4b: {  	[spmem:s2] =	stream.indirect.scatter.add.f32 [tilespmem:s13], [sflag:$0x1], $0x80, s15, s15, $0xb8;
	[tilespmem:$0x19400] =	vst v63  }
0x4c: {  	s31 =	simm.s32 $0x100  }
0x4d: {  	[spmem:s2] =	stream.indirect.scatter.add.f32 [tilespmem:s13], [sflag:$0x1], $0x80, s31, s15, $0xb8;
	[tilespmem:$0x19400] =	vst v63  }
0x4e: {  	_ =	swait.ge [sflag:s16], $0x4000  }
0x4f: {  	s19 =	simm.s32 $0x600;
	[sflag:s16] =	ssyncset.done $0x0  }
.LBB2_6:
0x50: {  	s20 =	sshra.s32 s19, $0x2;
	[sflag:s16] =	ssyncadd.s32 $0xFFFFC000;
	p0 =	sne.s32 s19, $0x4E00  }
0x51: {  	[spmem:s2] =	stream.indirect.scatter.add.f32 [tilespmem:s13], [sflag:$0x1], $0x80, s20, s15, $0xb8;
	[tilespmem:$0x19400] =	vst v63  }
.Ltmp2:
0x52: {  	_ = 	snop;
	(pc) =	sbr.rel @p0 .LBB2_6-.Ltmp2, $4  }
0x53: {  	_ = 	snop  }
0x54: {  	s19 =	sadd.s32 $0x200, s19  }
0x55: {  	_ =	swait.ge [sflag:s16], $0x4000  }
0x56: {  	[sflag:s16] =	ssyncset.done $0x0  }
0x57: {  	[sflag:s16] =	ssyncadd.s32 $0xFFFFC000  }
0x58: {  	_ =	swait.ge [sflag:s16], $0x4000  }
0x59: {  	[sflag:s16] =	ssyncset.done $0x0  }
0x5a: {  	[sflag:s16] =	ssyncadd.s32 $0xFFFFC000  }
0x5b: {  	_ =	swait.ge [sflag:s16], $0x4000  }
0x5c: {  	[sflag:s16] =	ssyncset.done $0x0  }
0x5d: {  	[sflag:s16] =	ssyncadd.s32 $0xFFFFC000  }
0x5e: {  	[tilespmem:s3], [sflag:$0x2] =	stream.linear.gather [hbm4b:s10+s3], $0x1400, $0x38;
	[tilespmem:$0x19400] =	vst v63  }
0x5f: {  	_ =	swait.ge [sflag:s14], $0x1400  }
0x60: {  	[sflag:s14] =	ssyncset.done $0x0  }
0x61: {  	[sflag:s14] =	ssyncadd.s32 $0xFFFFEC00  }
0x62: {  	[spmem:s2] =	stream.indirect.scatter.add.f32 [tilespmem:s13], [sflag:$0x1], $0x80, s3, s15, $0xb8;
	[tilespmem:$0x19400] =	vst v63  }
0x63: {  	_ = 	snop  }
0x64: {  	[spmem:s2] =	stream.indirect.scatter.add.f32 [tilespmem:s13], [sflag:$0x1], $0x80, s15, s15, $0xb8;
	[tilespmem:$0x19400] =	vst v63  }
0x65: {  	s19 =	simm.s32 $0x100  }
0x66: {  	[spmem:s2] =	stream.indirect.scatter.add.f32 [tilespmem:s13], [sflag:$0x1], $0x80, s19, s15, $0xb8;
	[tilespmem:$0x19400] =	vst v63  }
0x67: {  	_ =	swait.ge [sflag:s16], $0x4000  }
0x68: {  	s19 =	simm.s32 $0x600;
	[sflag:s16] =	ssyncset.done $0x0  }
.LBB2_8:
0x69: {  	s20 =	sshra.s32 s19, $0x2;
	[sflag:s16] =	ssyncadd.s32 $0xFFFFC000;
	p0 =	sne.s32 s19, $0x4E00  }
0x6a: {  	[spmem:s2] =	stream.indirect.scatter.add.f32 [tilespmem:s13], [sflag:$0x1], $0x80, s20, s15, $0xb8;
	[tilespmem:$0x19400] =	vst v63  }
.Ltmp3:
0x6b: {  	_ = 	snop;
	(pc) =	sbr.rel @p0 .LBB2_8-.Ltmp3, $4  }
0x6c: {  	_ = 	snop  }
0x6d: {  	s19 =	sadd.s32 $0x200, s19  }
0x6e: {  	_ =	swait.ge [sflag:s16], $0x4000  }
0x6f: {  	[sflag:s16] =	ssyncset.done $0x0  }
0x70: {  	[sflag:s16] =	ssyncadd.s32 $0xFFFFC000  }
0x71: {  	_ =	swait.ge [sflag:s16], $0x4000  }
0x72: {  	[sflag:s16] =	ssyncset.done $0x0  }
0x73: {  	[sflag:s16] =	ssyncadd.s32 $0xFFFFC000  }
0x74: {  	_ =	swait.ge [sflag:s16], $0x4000  }
0x75: {  	s18 =	sadd.s32 $0x1, s18;
	[sflag:s16] =	ssyncset.done $0x0  }
0x76: {  	p0 =	sne.s32 s18, s12;
	[sflag:s16] =	ssyncadd.s32 $0xFFFFC000  }
.Ltmp4:
0x77: {  	s19 =	sshrl.u32 s4, $0x3;
	[bflag:$0x0] =	sbarrier.arrive $0xFFFF;
	(pc) =	sbr.rel @p0 .LBB2_1-.Ltmp4, $4  }
0x78: {  	[hbm:s11], [sflag:s17] =	dma.local [spmem:s19], $0x2800  }
0x79: {  	_ =	swait.ge [sflag:s14], $0x2800  }
0x7a: {  	[sflag:s14] =	ssyncset.done $0x0  }
0x7b: {  	[sflag:s14] =	ssyncadd.s32 $0xFFFFD800  }
0x7c: {  	_ =	sfence.sel $0x180000  }
0x7d: {  	[bflag:$0x0] =	sbarrier.arrive $0xFFFF  }
0x7e: {  	p0 =	sne.s32 s0, $0x0;
	_ =	strace $0x90000047  }
0x7f: {  	s0 =	sadd.s32 @!p0 $0x100000, s1;
	[bflag:$0x2] =	sbarrier.arrive $0xFFFF  }
0x80: {  	[sflag:s0] =	ssyncadd.tile.s32 @!p0 $0x1;
	_ =	shalt  }
.Lfunc_end2:
_tile_overlayer_lowered:
.L_overlay_start_2:
0x81: {  	(tag) =	ssettag $0x2  }
0x82: {  	s0 =	rddreg [dreg:$0x0];
	s2 =	stileid.u32  }
0x83: {  	s1 =	rddreg [dreg:$0x1];
	p0 =	sne.s32 s2, $0x0  }
0x84: {  	s3 =	rddreg [dreg:$0x2];
	[bflag:$0x3] =	sbarrier.arrive $0xFFFF;
	s2 =	simm.s32 @!p0 $0x1C02  }
0x85: {  	[timem:s3], [sflag:s2] =	dma.local @!p0 [hbm:s0], s1  }
0x86: {  	s0 =	simm.s32 @!p0 $0x2  }
0x87: {  	_ =	swait.ge @!p0 [sflag:s0], s1  }
0x88: {  	s1 =	ssub.s32 @!p0 $0x0, s1;
	[sflag:s0] =	ssyncset.done @!p0 $0x0  }
0x89: {  	[sflag:s0] =	ssyncadd.s32 @!p0 s1  }
0x8a: {  	[bflag:$0x3] =	sbarrier.arrive $0xFFFF  }
0x8b: {  	_ =	shalt  }

</sc_bundles>
